<compile_context>
chip_gen: v7x
topology: tpu7x:2x2x1
jax: 0.10.2.dev20260603
libtpu: 0.0.44.dev20260713+nightly
codegen_flags: <defaults>
</compile_context>

<pallas_src>
import functools

import jax
import jax.numpy as jnp
from jax import lax
from jax.experimental import pallas as pl
from jax.experimental.pallas import tpu as pltpu
from jax.experimental.pallas import tpu_sc as plsc

N = 10000
D = 128
NC, NS = 2, 16
NW = NC * NS
NPAD = 10240
RZ = NPAD // NS


RING = 2
IR = 4


def _chunking(E):
    per_w = E // NW
    assert per_w * NW == E, E
    for c in range(128, 0, -1):
        if per_w % c == 0 and (per_w // c) % IR == 0:
            return per_w // c, c
    raise AssertionError(E)


def _seg_body(nch, with_cnt, *refs):
    if with_cnt:
        (x_hbm, srcw, dstw, zacc, ones_hbm, accp, cntp,
         acc_sh, *rest) = refs
    else:
        x_hbm, srcw, dstw, zacc, accp, acc_sh, *rest = refs
    src_v = rest[:IR]
    dst_v = rest[IR:2 * IR]
    rows_v = rest[2 * IR:2 * IR + RING]
    gsems = rest[2 * IR + RING:2 * IR + 2 * RING]
    ssems = rest[2 * IR + 2 * RING:2 * IR + 3 * RING]
    isems = rest[2 * IR + 3 * RING:2 * IR + 3 * RING + IR]
    c = lax.axis_index("c")
    s = lax.axis_index("s")
    wid = s * NC + c
    base = wid * nch

    pltpu.sync_copy(zacc.at[pl.ds(s * RZ, RZ)], acc_sh.at[pl.ds(s * RZ, RZ)])
    plsc.subcore_barrier()

    for q in range(IR):
        pltpu.async_copy(srcw.at[base + q], src_v[q], isems[q])
        pltpu.async_copy(dstw.at[base + q], dst_v[q], isems[q])
    for b in range(RING):
        pltpu.make_async_copy(srcw.at[base + b], src_v[b],
                              isems[b]).wait()
        pltpu.make_async_copy(dstw.at[base + b], dst_v[b],
                              isems[b]).wait()
        pltpu.async_copy(x_hbm.at[src_v[b].at[0]], rows_v[b], gsems[b])
    ngrp = nch // IR

    def grp(p, carry):
        for q in range(IR):
            j = IR * p + q
            b = q % RING
            pltpu.make_async_copy(x_hbm.at[src_v[q].at[0]],
                                  rows_v[b], gsems[b]).wait()
            pltpu.sync_copy(rows_v[b], acc_sh.at[dst_v[q].at[0]],
                            add=True)

            @pl.when(j + IR < nch)
            def _():
                pltpu.async_copy(srcw.at[base + j + IR], src_v[q],
                                 isems[q])
                pltpu.async_copy(dstw.at[base + j + IR], dst_v[q],
                                 isems[q])

            @pl.when(j + RING < nch)
            def _():
                q2 = (q + RING) % IR
                pltpu.make_async_copy(srcw.at[base + j + RING],
                                      src_v[q2], isems[q2]).wait()
                pltpu.make_async_copy(dstw.at[base + j + RING],
                                      dst_v[q2], isems[q2]).wait()
                pltpu.async_copy(x_hbm.at[src_v[q2].at[0]],
                                 rows_v[b], gsems[b])
        return carry

    lax.fori_loop(0, ngrp, grp, 0)
    plsc.subcore_barrier()

    pltpu.sync_copy(acc_sh.at[pl.ds(s * RZ, RZ)],
                    accp.at[c, pl.ds(s * RZ, RZ)])

    if with_cnt:
        plsc.subcore_barrier()
        pltpu.sync_copy(zacc.at[pl.ds(s * RZ, RZ)],
                        acc_sh.at[pl.ds(s * RZ, RZ)])
        ones_v = rows_v[0]
        pltpu.sync_copy(ones_hbm, ones_v)
        plsc.subcore_barrier()
        for b in (0, 1):
            pltpu.async_copy(dstw.at[base + b], dst_v[b], isems[b])

        def cpair(p, carry):
            for b in (0, 1):
                j = 2 * p + b
                pltpu.make_async_copy(dstw.at[base + j],
                                      dst_v[b], isems[b]).wait()
                pltpu.sync_copy(ones_v, acc_sh.at[dst_v[b].at[0]], add=True)

                @pl.when(j + 2 < nch)
                def _():
                    pltpu.async_copy(dstw.at[base + j + 2], dst_v[b],
                                     isems[b])
            return carry

        lax.fori_loop(0, nch // 2, cpair, 0)
        plsc.subcore_barrier()
        pltpu.sync_copy(acc_sh.at[pl.ds(s * RZ, RZ)],
                        cntp.at[c, pl.ds(s * RZ, RZ)])


def _make_seg(nch, cs, with_cnt):
    mesh = plsc.VectorSubcoreMesh(core_axis_name="c", subcore_axis_name="s",
                                  num_cores=NC, num_subcores=NS)
    f32 = jnp.float32
    one_out = jax.ShapeDtypeStruct((NC, NPAD, D), f32)
    out_type = (one_out, one_out) if with_cnt else one_out
    scratch = [pltpu.VMEM_SHARED((NPAD, D), f32)]
    scratch += (
        [pltpu.VMEM((1, cs), jnp.int32)] * IR
        + [pltpu.VMEM((1, cs), jnp.int32)] * IR
        + [pltpu.VMEM((cs, D), f32)] * RING
        + [pltpu.SemaphoreType.DMA] * RING
        + [pltpu.SemaphoreType.DMA] * RING
        + [pltpu.SemaphoreType.DMA] * IR
    )
    return pl.kernel(functools.partial(_seg_body, nch, with_cnt),
                     out_type=out_type, mesh=mesh, scratch_types=scratch)


def _tc_body(relu, accp, cntp, x, w, b, out_ref):
    a = accp[0] + accp[1]
    cnt = cntp[0, :, 0:1] + cntp[1, :, 0:1]
    mean = a * (1.0 / jnp.maximum(cnt, 1.0))
    cat = jnp.concatenate([mean, x[...]], axis=1)
    o = jnp.dot(cat, w[...], preferred_element_type=jnp.float32) + b[...]
    if relu:
        o = jnp.maximum(o, 0.0)
    out_ref[...] = o


def _tc_layer(accp, cntp, x, wcat, b, relu):
    R = 2000
    grid = (N // R,)
    return pl.pallas_call(
        functools.partial(_tc_body, relu),
        grid=grid,
        in_specs=[
            pl.BlockSpec((NC, R, D), lambda i: (0, i, 0)),
            pl.BlockSpec((NC, R, D), lambda i: (0, i, 0)),
            pl.BlockSpec((R, D), lambda i: (i, 0)),
            pl.BlockSpec((2 * D, D), lambda i: (0, 0)),
            pl.BlockSpec((1, D), lambda i: (0, 0)),
        ],
        out_specs=pl.BlockSpec((R, D), lambda i: (i, 0)),
        out_shape=jax.ShapeDtypeStruct((N, D), jnp.float32),
    )(accp, cntp, x, wcat, b)


def kernel(x, edge_index, W1_l, b1_l, W1_r, W2_l, b2_l, W2_r):
    E = edge_index.shape[1]
    nch, cs = _chunking(E)
    ei = edge_index.astype(jnp.int32)
    srcw = ei[0].reshape(NW * nch, 1, cs)
    dstw = ei[1].reshape(NW * nch, 1, cs)
    f32 = jnp.float32
    zacc = jnp.zeros((NPAD, D), f32)
    ones = jnp.ones((cs, D), f32)

    seg1 = _make_seg(nch, cs, with_cnt=True)
    seg = _make_seg(nch, cs, with_cnt=False)

    accp1, cntp = seg1(x, srcw, dstw, zacc, ones)
    h = _tc_layer(accp1, cntp, x,
                  jnp.concatenate([W1_l, W1_r], axis=0),
                  b1_l.reshape(1, D), relu=True)
    accp2 = seg(h, srcw, dstw, zacc)
    out = _tc_layer(accp2, cntp, h,
                    jnp.concatenate([W2_l, W2_r], axis=0),
                    b2_l.reshape(1, D), relu=False)
    return out

# --- scband reference (transcript-rebuilt; emitter-appended) ---
"""Pipeline reference for scband-gnn-31525059953012 (READ-ONLY COPY).

The authoritative reference and input builder live on the scoring server;
editing this copy changes nothing except your own understanding.
"""

import jax, jax.numpy as jnp
import numpy as np

N_NODES = 10000
N_EDGES = 320000
D = 128


def _glorot(key, shape):
    fan_in, fan_out = shape[0], shape[1]
    limit = np.sqrt(6.0 / (fan_in + fan_out))
    return jax.random.uniform(key, shape, dtype=jnp.float32, minval=-limit, maxval=limit)


def setup_inputs(seed: int = 0) -> dict:
    key = jax.random.key(seed)
    ks = jax.random.split(key, 8)
    x = jax.random.normal(ks[0], (N_NODES, D), dtype=jnp.float32)
    edge_index = jax.random.randint(ks[1], (2, N_EDGES), 0, N_NODES, dtype=jnp.int64)
    # SAGEConv1 params: lin_l (aggregated neighbors, with bias) and lin_r (root)
    W1_l = _glorot(ks[2], (D, D))
    b1_l = jnp.zeros((D,), dtype=jnp.float32)
    W1_r = _glorot(ks[3], (D, D))
    # SAGEConv2 params
    W2_l = _glorot(ks[4], (D, D))
    b2_l = jnp.zeros((D,), dtype=jnp.float32)
    W2_r = _glorot(ks[5], (D, D))
    return {"x": x, "edge_index": edge_index,
            "W1_l": W1_l, "b1_l": b1_l, "W1_r": W1_r,
            "W2_l": W2_l, "b2_l": b2_l, "W2_r": W2_r}


def _sage_conv(x, edge_index, W_l, b_l, W_r):
    # PyG SAGEConv with mean aggregation:
    # out[i] = lin_l(mean_{j in N(i)} x[j]) + lin_r(x[i])
    src = edge_index[0]
    dst = edge_index[1]
    msg = jnp.take(x, src, axis=0)                              # gather: [E, D]
    summed = jax.ops.segment_sum(msg, dst, num_segments=N_NODES)  # scatter-add
    ones = jnp.ones((msg.shape[0],), dtype=x.dtype)
    cnt = jax.ops.segment_sum(ones, dst, num_segments=N_NODES)
    mean = summed / jnp.clip(cnt, 1.0)[:, None]
    return mean @ W_l + b_l + x @ W_r


def reference(x, edge_index, W1_l, b1_l, W1_r, W2_l, b2_l, W2_r):
    h = _sage_conv(x, edge_index, W1_l, b1_l, W1_r)
    h = jax.nn.relu(h)
    # dropout(p=0.5) is identity in eval mode
    out = _sage_conv(h, edge_index, W2_l, b2_l, W2_r)
    return out

if __name__ == "__main__":
    import jax
    _d = setup_inputs()
    print(jax.jit(kernel)(*tuple(_d.values())))

</pallas_src>

<mosaic_0001>
#map = affine_map<(d0, d1) -> (0, 0)>
#map1 = affine_map<(d0, d1) -> (0, 0, 0)>
module attributes {stable_mosaic.version = 14 : i64} {
  func.func @_seg_body(%arg0: i32, %arg1: i32, %arg2: memref<10000x128xf32, #tpu.memory_space<hbm>>, %arg3: memref<2560x1x125xi32, #tpu.memory_space<hbm>>, %arg4: memref<2560x1x125xi32, #tpu.memory_space<hbm>>, %arg5: memref<10240x128xf32, #tpu.memory_space<hbm>>, %arg6: memref<2x10240x128xf32, #tpu.memory_space<hbm>>, %arg7: memref<10240x128xf32, #tpu.memory_space<vmem_shared>>, %arg8: memref<1x125xi32, #tpu.memory_space<vmem>>, %arg9: memref<1x125xi32, #tpu.memory_space<vmem>>, %arg10: memref<1x125xi32, #tpu.memory_space<vmem>>, %arg11: memref<1x125xi32, #tpu.memory_space<vmem>>, %arg12: memref<1x125xi32, #tpu.memory_space<vmem>>, %arg13: memref<1x125xi32, #tpu.memory_space<vmem>>, %arg14: memref<1x125xi32, #tpu.memory_space<vmem>>, %arg15: memref<1x125xi32, #tpu.memory_space<vmem>>, %arg16: memref<125x128xf32, #tpu.memory_space<vmem>>, %arg17: memref<125x128xf32, #tpu.memory_space<vmem>>, %arg18: memref<!tpu.dma_semaphore, #tpu.memory_space<semaphore_mem>>, %arg19: memref<!tpu.dma_semaphore, #tpu.memory_space<semaphore_mem>>, %arg20: memref<!tpu.dma_semaphore, #tpu.memory_space<semaphore_mem>>, %arg21: memref<!tpu.dma_semaphore, #tpu.memory_space<semaphore_mem>>, %arg22: memref<!tpu.dma_semaphore, #tpu.memory_space<semaphore_mem>>, %arg23: memref<!tpu.dma_semaphore, #tpu.memory_space<semaphore_mem>>, %arg24: memref<!tpu.dma_semaphore, #tpu.memory_space<semaphore_mem>>, %arg25: memref<!tpu.dma_semaphore, #tpu.memory_space<semaphore_mem>>) attributes {dimension_semantics = [#tpu.dimension_semantics<core_parallel>, #tpu.dimension_semantics<subcore_parallel>], iteration_bounds = array<i64: 2, 16>, scalar_prefetch = 0 : i64, scratch_operands = 19 : i64, tpu.core_type = #tpu.core_type<sc_vector_subcore>, window_params = [{transform_indices = #map}, {transform_indices = #map1}, {transform_indices = #map1}, {transform_indices = #map}, {transform_indices = #map1}]} {
    %mul3A = arith.constant 2 : i32
    %mul3A_0 = arith.muli %arg1, %mul3A : i32
    %add3A = arith.addi %mul3A_0, %arg0 : i32
    %mul3A_1 = arith.constant 80 : i32
    %mul3A_2 = arith.muli %add3A, %mul3A_1 : i32
    %mul3A_3 = arith.constant 640 : i32
    %mul3A_4 = arith.muli %arg1, %mul3A_3 : i32
    %mul3A_5 = arith.constant 640 : i32
    %mul3A_6 = arith.muli %arg1, %mul3A_5 : i32
    "tpu.region"() ({
      %run_scoped3A = tpu.sem_alloc : memref<!tpu.dma_semaphore, #tpu.memory_space<semaphore_mem>>
      %dma_start3A_149 = arith.constant 0 : i32
      %dma_start3A_150 = tpu.memref_slice %arg7[%mul3A_6, %dma_start3A_149] : memref<10240x128xf32, #tpu.memory_space<vmem_shared>> -> memref<640x128xf32, #tpu.memory_space<vmem_shared>>
      %dma_start3A_151 = arith.constant 0 : i32
      %dma_start3A_152 = tpu.memref_slice %arg5[%mul3A_4, %dma_start3A_151] : memref<10240x128xf32, #tpu.memory_space<hbm>> -> memref<640x128xf32, #tpu.memory_space<hbm>>
      tpu.enqueue_dma source(%dma_start3A_152 : memref<640x128xf32, #tpu.memory_space<hbm>>) target(%dma_start3A_150 : memref<640x128xf32, #tpu.memory_space<vmem_shared>>) target_semaphore(%run_scoped3A : memref<!tpu.dma_semaphore, #tpu.memory_space<semaphore_mem>>)
      %dma_wait3A_153 = arith.constant 0 : i32
      %dma_wait3A_154 = tpu.memref_slice %arg7[%mul3A_6, %dma_wait3A_153] : memref<10240x128xf32, #tpu.memory_space<vmem_shared>> -> memref<640x128xf32, #tpu.memory_space<vmem_shared>>
      %dma_wait3A_155 = arith.constant 0 : i32
      %dma_wait3A_156 = tpu.memref_slice %arg5[%mul3A_4, %dma_wait3A_155] : memref<10240x128xf32, #tpu.memory_space<hbm>> -> memref<640x128xf32, #tpu.memory_space<hbm>>
      tpu.wait_dma2 semaphore(%run_scoped3A : memref<!tpu.dma_semaphore, #tpu.memory_space<semaphore_mem>>) src(%dma_wait3A_156 : memref<640x128xf32, #tpu.memory_space<hbm>>) dst(%dma_wait3A_154 : memref<640x128xf32, #tpu.memory_space<vmem_shared>>)
      tpu.yield
    }) : () -> ()
    %barrier3A = arith.constant 0 : index
    tpu.barrier barrier_id(%barrier3A)
    %add3A_7 = arith.constant 0 : i32
    %add3A_8 = arith.addi %mul3A_2, %add3A_7 : i32
    %dma_start3A = arith.constant 0 : i32
    %dma_start3A_9 = arith.constant 0 : i32
    %dma_start3A_10 = tpu.memref_slice %arg3[%add3A_8, %dma_start3A, %dma_start3A_9] : memref<2560x1x125xi32, #tpu.memory_space<hbm>> -> memref<1x1x125xi32, #tpu.memory_space<hbm>>
    %dma_start3A_11 = tpu.memref_squeeze %dma_start3A_10 : memref<1x1x125xi32, #tpu.memory_space<hbm>> -> memref<1x125xi32, #tpu.memory_space<hbm>>
    %dma_start3A_12 = arith.constant 0 : i32
    %dma_start3A_13 = arith.constant 0 : i32
    %dma_start3A_14 = tpu.memref_slice %arg3[%add3A_8, %dma_start3A_12, %dma_start3A_13] : memref<2560x1x125xi32, #tpu.memory_space<hbm>> -> memref<1x1x125xi32, #tpu.memory_space<hbm>>
    %dma_start3A_15 = tpu.memref_squeeze %dma_start3A_14 : memref<1x1x125xi32, #tpu.memory_space<hbm>> -> memref<1x125xi32, #tpu.memory_space<hbm>>
    tpu.enqueue_dma source(%dma_start3A_15 : memref<1x125xi32, #tpu.memory_space<hbm>>) target(%arg8 : memref<1x125xi32, #tpu.memory_space<vmem>>) target_semaphore(%arg22 : memref<!tpu.dma_semaphore, #tpu.memory_space<semaphore_mem>>)
    %add3A_16 = arith.constant 0 : i32
    %add3A_17 = arith.addi %mul3A_2, %add3A_16 : i32
    %dma_start3A_18 = arith.constant 0 : i32
    %dma_start3A_19 = arith.constant 0 : i32
    %dma_start3A_20 = tpu.memref_slice %arg4[%add3A_17, %dma_start3A_18, %dma_start3A_19] : memref<2560x1x125xi32, #tpu.memory_space<hbm>> -> memref<1x1x125xi32, #tpu.memory_space<hbm>>
    %dma_start3A_21 = tpu.memref_squeeze %dma_start3A_20 : memref<1x1x125xi32, #tpu.memory_space<hbm>> -> memref<1x125xi32, #tpu.memory_space<hbm>>
    %dma_start3A_22 = arith.constant 0 : i32
    %dma_start3A_23 = arith.constant 0 : i32
    %dma_start3A_24 = tpu.memref_slice %arg4[%add3A_17, %dma_start3A_22, %dma_start3A_23] : memref<2560x1x125xi32, #tpu.memory_space<hbm>> -> memref<1x1x125xi32, #tpu.memory_space<hbm>>
    %dma_start3A_25 = tpu.memref_squeeze %dma_start3A_24 : memref<1x1x125xi32, #tpu.memory_space<hbm>> -> memref<1x125xi32, #tpu.memory_space<hbm>>
    tpu.enqueue_dma source(%dma_start3A_25 : memref<1x125xi32, #tpu.memory_space<hbm>>) target(%arg12 : memref<1x125xi32, #tpu.memory_space<vmem>>) target_semaphore(%arg22 : memref<!tpu.dma_semaphore, #tpu.memory_space<semaphore_mem>>)
    %add3A_26 = arith.constant 1 : i32
    %add3A_27 = arith.addi %mul3A_2, %add3A_26 : i32
    %dma_start3A_28 = arith.constant 0 : i32
    %dma_start3A_29 = arith.constant 0 : i32
    %dma_start3A_30 = tpu.memref_slice %arg3[%add3A_27, %dma_start3A_28, %dma_start3A_29] : memref<2560x1x125xi32, #tpu.memory_space<hbm>> -> memref<1x1x125xi32, #tpu.memory_space<hbm>>
    %dma_start3A_31 = tpu.memref_squeeze %dma_start3A_30 : memref<1x1x125xi32, #tpu.memory_space<hbm>> -> memref<1x125xi32, #tpu.memory_space<hbm>>
    %dma_start3A_32 = arith.constant 0 : i32
    %dma_start3A_33 = arith.constant 0 : i32
    %dma_start3A_34 = tpu.memref_slice %arg3[%add3A_27, %dma_start3A_32, %dma_start3A_33] : memref<2560x1x125xi32, #tpu.memory_space<hbm>> -> memref<1x1x125xi32, #tpu.memory_space<hbm>>
    %dma_start3A_35 = tpu.memref_squeeze %dma_start3A_34 : memref<1x1x125xi32, #tpu.memory_space<hbm>> -> memref<1x125xi32, #tpu.memory_space<hbm>>
    tpu.enqueue_dma source(%dma_start3A_35 : memref<1x125xi32, #tpu.memory_space<hbm>>) target(%arg9 : memref<1x125xi32, #tpu.memory_space<vmem>>) target_semaphore(%arg23 : memref<!tpu.dma_semaphore, #tpu.memory_space<semaphore_mem>>)
    %add3A_36 = arith.constant 1 : i32
    %add3A_37 = arith.addi %mul3A_2, %add3A_36 : i32
    %dma_start3A_38 = arith.constant 0 : i32
    %dma_start3A_39 = arith.constant 0 : i32
    %dma_start3A_40 = tpu.memref_slice %arg4[%add3A_37, %dma_start3A_38, %dma_start3A_39] : memref<2560x1x125xi32, #tpu.memory_space<hbm>> -> memref<1x1x125xi32, #tpu.memory_space<hbm>>
    %dma_start3A_41 = tpu.memref_squeeze %dma_start3A_40 : memref<1x1x125xi32, #tpu.memory_space<hbm>> -> memref<1x125xi32, #tpu.memory_space<hbm>>
    %dma_start3A_42 = arith.constant 0 : i32
    %dma_start3A_43 = arith.constant 0 : i32
    %dma_start3A_44 = tpu.memref_slice %arg4[%add3A_37, %dma_start3A_42, %dma_start3A_43] : memref<2560x1x125xi32, #tpu.memory_space<hbm>> -> memref<1x1x125xi32, #tpu.memory_space<hbm>>
    %dma_start3A_45 = tpu.memref_squeeze %dma_start3A_44 : memref<1x1x125xi32, #tpu.memory_space<hbm>> -> memref<1x125xi32, #tpu.memory_space<hbm>>
    tpu.enqueue_dma source(%dma_start3A_45 : memref<1x125xi32, #tpu.memory_space<hbm>>) target(%arg13 : memref<1x125xi32, #tpu.memory_space<vmem>>) target_semaphore(%arg23 : memref<!tpu.dma_semaphore, #tpu.memory_space<semaphore_mem>>)
    %add3A_46 = arith.constant 2 : i32
    %add3A_47 = arith.addi %mul3A_2, %add3A_46 : i32
    %dma_start3A_48 = arith.constant 0 : i32
    %dma_start3A_49 = arith.constant 0 : i32
    %dma_start3A_50 = tpu.memref_slice %arg3[%add3A_47, %dma_start3A_48, %dma_start3A_49] : memref<2560x1x125xi32, #tpu.memory_space<hbm>> -> memref<1x1x125xi32, #tpu.memory_space<hbm>>
    %dma_start3A_51 = tpu.memref_squeeze %dma_start3A_50 : memref<1x1x125xi32, #tpu.memory_space<hbm>> -> memref<1x125xi32, #tpu.memory_space<hbm>>
    %dma_start3A_52 = arith.constant 0 : i32
    %dma_start3A_53 = arith.constant 0 : i32
    %dma_start3A_54 = tpu.memref_slice %arg3[%add3A_47, %dma_start3A_52, %dma_start3A_53] : memref<2560x1x125xi32, #tpu.memory_space<hbm>> -> memref<1x1x125xi32, #tpu.memory_space<hbm>>
    %dma_start3A_55 = tpu.memref_squeeze %dma_start3A_54 : memref<1x1x125xi32, #tpu.memory_space<hbm>> -> memref<1x125xi32, #tpu.memory_space<hbm>>
    tpu.enqueue_dma source(%dma_start3A_55 : memref<1x125xi32, #tpu.memory_space<hbm>>) target(%arg10 : memref<1x125xi32, #tpu.memory_space<vmem>>) target_semaphore(%arg24 : memref<!tpu.dma_semaphore, #tpu.memory_space<semaphore_mem>>)
    %add3A_56 = arith.constant 2 : i32
    %add3A_57 = arith.addi %mul3A_2, %add3A_56 : i32
    %dma_start3A_58 = arith.constant 0 : i32
    %dma_start3A_59 = arith.constant 0 : i32
    %dma_start3A_60 = tpu.memref_slice %arg4[%add3A_57, %dma_start3A_58, %dma_start3A_59] : memref<2560x1x125xi32, #tpu.memory_space<hbm>> -> memref<1x1x125xi32, #tpu.memory_space<hbm>>
    %dma_start3A_61 = tpu.memref_squeeze %dma_start3A_60 : memref<1x1x125xi32, #tpu.memory_space<hbm>> -> memref<1x125xi32, #tpu.memory_space<hbm>>
    %dma_start3A_62 = arith.constant 0 : i32
    %dma_start3A_63 = arith.constant 0 : i32
    %dma_start3A_64 = tpu.memref_slice %arg4[%add3A_57, %dma_start3A_62, %dma_start3A_63] : memref<2560x1x125xi32, #tpu.memory_space<hbm>> -> memref<1x1x125xi32, #tpu.memory_space<hbm>>
    %dma_start3A_65 = tpu.memref_squeeze %dma_start3A_64 : memref<1x1x125xi32, #tpu.memory_space<hbm>> -> memref<1x125xi32, #tpu.memory_space<hbm>>
    tpu.enqueue_dma source(%dma_start3A_65 : memref<1x125xi32, #tpu.memory_space<hbm>>) target(%arg14 : memref<1x125xi32, #tpu.memory_space<vmem>>) target_semaphore(%arg24 : memref<!tpu.dma_semaphore, #tpu.memory_space<semaphore_mem>>)
    %add3A_66 = arith.constant 3 : i32
    %add3A_67 = arith.addi %mul3A_2, %add3A_66 : i32
    %dma_start3A_68 = arith.constant 0 : i32
    %dma_start3A_69 = arith.constant 0 : i32
    %dma_start3A_70 = tpu.memref_slice %arg3[%add3A_67, %dma_start3A_68, %dma_start3A_69] : memref<2560x1x125xi32, #tpu.memory_space<hbm>> -> memref<1x1x125xi32, #tpu.memory_space<hbm>>
    %dma_start3A_71 = tpu.memref_squeeze %dma_start3A_70 : memref<1x1x125xi32, #tpu.memory_space<hbm>> -> memref<1x125xi32, #tpu.memory_space<hbm>>
    %dma_start3A_72 = arith.constant 0 : i32
    %dma_start3A_73 = arith.constant 0 : i32
    %dma_start3A_74 = tpu.memref_slice %arg3[%add3A_67, %dma_start3A_72, %dma_start3A_73] : memref<2560x1x125xi32, #tpu.memory_space<hbm>> -> memref<1x1x125xi32, #tpu.memory_space<hbm>>
    %dma_start3A_75 = tpu.memref_squeeze %dma_start3A_74 : memref<1x1x125xi32, #tpu.memory_space<hbm>> -> memref<1x125xi32, #tpu.memory_space<hbm>>
    tpu.enqueue_dma source(%dma_start3A_75 : memref<1x125xi32, #tpu.memory_space<hbm>>) target(%arg11 : memref<1x125xi32, #tpu.memory_space<vmem>>) target_semaphore(%arg25 : memref<!tpu.dma_semaphore, #tpu.memory_space<semaphore_mem>>)
    %add3A_76 = arith.constant 3 : i32
    %add3A_77 = arith.addi %mul3A_2, %add3A_76 : i32
    %dma_start3A_78 = arith.constant 0 : i32
    %dma_start3A_79 = arith.constant 0 : i32
    %dma_start3A_80 = tpu.memref_slice %arg4[%add3A_77, %dma_start3A_78, %dma_start3A_79] : memref<2560x1x125xi32, #tpu.memory_space<hbm>> -> memref<1x1x125xi32, #tpu.memory_space<hbm>>
    %dma_start3A_81 = tpu.memref_squeeze %dma_start3A_80 : memref<1x1x125xi32, #tpu.memory_space<hbm>> -> memref<1x125xi32, #tpu.memory_space<hbm>>
    %dma_start3A_82 = arith.constant 0 : i32
    %dma_start3A_83 = arith.constant 0 : i32
    %dma_start3A_84 = tpu.memref_slice %arg4[%add3A_77, %dma_start3A_82, %dma_start3A_83] : memref<2560x1x125xi32, #tpu.memory_space<hbm>> -> memref<1x1x125xi32, #tpu.memory_space<hbm>>
    %dma_start3A_85 = tpu.memref_squeeze %dma_start3A_84 : memref<1x1x125xi32, #tpu.memory_space<hbm>> -> memref<1x125xi32, #tpu.memory_space<hbm>>
    tpu.enqueue_dma source(%dma_start3A_85 : memref<1x125xi32, #tpu.memory_space<hbm>>) target(%arg15 : memref<1x125xi32, #tpu.memory_space<vmem>>) target_semaphore(%arg25 : memref<!tpu.dma_semaphore, #tpu.memory_space<semaphore_mem>>)
    %add3A_86 = arith.constant 0 : i32
    %add3A_87 = arith.addi %mul3A_2, %add3A_86 : i32
    %dma_wait3A = arith.constant 0 : i32
    %dma_wait3A_88 = arith.constant 0 : i32
    %dma_wait3A_89 = tpu.memref_slice %arg3[%add3A_87, %dma_wait3A, %dma_wait3A_88] : memref<2560x1x125xi32, #tpu.memory_space<hbm>> -> memref<1x1x125xi32, #tpu.memory_space<hbm>>
    %dma_wait3A_90 = tpu.memref_squeeze %dma_wait3A_89 : memref<1x1x125xi32, #tpu.memory_space<hbm>> -> memref<1x125xi32, #tpu.memory_space<hbm>>
    %dma_wait3A_91 = arith.constant 0 : i32
    %dma_wait3A_92 = arith.constant 0 : i32
    %dma_wait3A_93 = tpu.memref_slice %arg3[%add3A_87, %dma_wait3A_91, %dma_wait3A_92] : memref<2560x1x125xi32, #tpu.memory_space<hbm>> -> memref<1x1x125xi32, #tpu.memory_space<hbm>>
    %dma_wait3A_94 = tpu.memref_squeeze %dma_wait3A_93 : memref<1x1x125xi32, #tpu.memory_space<hbm>> -> memref<1x125xi32, #tpu.memory_space<hbm>>
    tpu.wait_dma2 semaphore(%arg22 : memref<!tpu.dma_semaphore, #tpu.memory_space<semaphore_mem>>) src(%dma_wait3A_94 : memref<1x125xi32, #tpu.memory_space<hbm>>) dst(%arg8 : memref<1x125xi32, #tpu.memory_space<vmem>>)
    %add3A_95 = arith.constant 0 : i32
    %add3A_96 = arith.addi %mul3A_2, %add3A_95 : i32
    %dma_wait3A_97 = arith.constant 0 : i32
    %dma_wait3A_98 = arith.constant 0 : i32
    %dma_wait3A_99 = tpu.memref_slice %arg4[%add3A_96, %dma_wait3A_97, %dma_wait3A_98] : memref<2560x1x125xi32, #tpu.memory_space<hbm>> -> memref<1x1x125xi32, #tpu.memory_space<hbm>>
    %dma_wait3A_100 = tpu.memref_squeeze %dma_wait3A_99 : memref<1x1x125xi32, #tpu.memory_space<hbm>> -> memref<1x125xi32, #tpu.memory_space<hbm>>
    %dma_wait3A_101 = arith.constant 0 : i32
    %dma_wait3A_102 = arith.constant 0 : i32
    %dma_wait3A_103 = tpu.memref_slice %arg4[%add3A_96, %dma_wait3A_101, %dma_wait3A_102] : memref<2560x1x125xi32, #tpu.memory_space<hbm>> -> memref<1x1x125xi32, #tpu.memory_space<hbm>>
    %dma_wait3A_104 = tpu.memref_squeeze %dma_wait3A_103 : memref<1x1x125xi32, #tpu.memory_space<hbm>> -> memref<1x125xi32, #tpu.memory_space<hbm>>
    tpu.wait_dma2 semaphore(%arg22 : memref<!tpu.dma_semaphore, #tpu.memory_space<semaphore_mem>>) src(%dma_wait3A_104 : memref<1x125xi32, #tpu.memory_space<hbm>>) dst(%arg12 : memref<1x125xi32, #tpu.memory_space<vmem>>)
    %dma_start3A_105 = arith.constant 0 : i32
    %dma_start3A_106 = arith.constant 0 : i32
    %dma_start3A_107 = tpu.memref_slice %arg8[%dma_start3A_105, %dma_start3A_106] : memref<1x125xi32, #tpu.memory_space<vmem>> -> memref<1x125xi32, #tpu.memory_space<vmem>>
    %dma_start3A_108 = tpu.memref_squeeze %dma_start3A_107 : memref<1x125xi32, #tpu.memory_space<vmem>> -> memref<125xi32, #tpu.memory_space<vmem>>
    %dma_start3A_109 = arith.constant 0 : i32
    %dma_start3A_110 = arith.constant 0 : i32
    %dma_start3A_111 = tpu.memref_slice %arg2[%dma_start3A_109, %dma_start3A_110] : memref<10000x128xf32, #tpu.memory_space<hbm>> -> memref<10000x128xf32, #tpu.memory_space<hbm>>
    tpu.enqueue_indirect_dma source(%dma_start3A_111 : memref<10000x128xf32, #tpu.memory_space<hbm>>) target(%arg16 : memref<125x128xf32, #tpu.memory_space<vmem>>) offsets(%dma_start3A_108 : memref<125xi32, #tpu.memory_space<vmem>>) semaphore(%arg18 : memref<!tpu.dma_semaphore, #tpu.memory_space<semaphore_mem>>)
    %add3A_112 = arith.constant 1 : i32
    %add3A_113 = arith.addi %mul3A_2, %add3A_112 : i32
    %dma_wait3A_114 = arith.constant 0 : i32
    %dma_wait3A_115 = arith.constant 0 : i32
    %dma_wait3A_116 = tpu.memref_slice %arg3[%add3A_113, %dma_wait3A_114, %dma_wait3A_115] : memref<2560x1x125xi32, #tpu.memory_space<hbm>> -> memref<1x1x125xi32, #tpu.memory_space<hbm>>
    %dma_wait3A_117 = tpu.memref_squeeze %dma_wait3A_116 : memref<1x1x125xi32, #tpu.memory_space<hbm>> -> memref<1x125xi32, #tpu.memory_space<hbm>>
    %dma_wait3A_118 = arith.constant 0 : i32
    %dma_wait3A_119 = arith.constant 0 : i32
    %dma_wait3A_120 = tpu.memref_slice %arg3[%add3A_113, %dma_wait3A_118, %dma_wait3A_119] : memref<2560x1x125xi32, #tpu.memory_space<hbm>> -> memref<1x1x125xi32, #tpu.memory_space<hbm>>
    %dma_wait3A_121 = tpu.memref_squeeze %dma_wait3A_120 : memref<1x1x125xi32, #tpu.memory_space<hbm>> -> memref<1x125xi32, #tpu.memory_space<hbm>>
    tpu.wait_dma2 semaphore(%arg23 : memref<!tpu.dma_semaphore, #tpu.memory_space<semaphore_mem>>) src(%dma_wait3A_121 : memref<1x125xi32, #tpu.memory_space<hbm>>) dst(%arg9 : memref<1x125xi32, #tpu.memory_space<vmem>>)
    %add3A_122 = arith.constant 1 : i32
    %add3A_123 = arith.addi %mul3A_2, %add3A_122 : i32
    %dma_wait3A_124 = arith.constant 0 : i32
    %dma_wait3A_125 = arith.constant 0 : i32
    %dma_wait3A_126 = tpu.memref_slice %arg4[%add3A_123, %dma_wait3A_124, %dma_wait3A_125] : memref<2560x1x125xi32, #tpu.memory_space<hbm>> -> memref<1x1x125xi32, #tpu.memory_space<hbm>>
    %dma_wait3A_127 = tpu.memref_squeeze %dma_wait3A_126 : memref<1x1x125xi32, #tpu.memory_space<hbm>> -> memref<1x125xi32, #tpu.memory_space<hbm>>
    %dma_wait3A_128 = arith.constant 0 : i32
    %dma_wait3A_129 = arith.constant 0 : i32
    %dma_wait3A_130 = tpu.memref_slice %arg4[%add3A_123, %dma_wait3A_128, %dma_wait3A_129] : memref<2560x1x125xi32, #tpu.memory_space<hbm>> -> memref<1x1x125xi32, #tpu.memory_space<hbm>>
    %dma_wait3A_131 = tpu.memref_squeeze %dma_wait3A_130 : memref<1x1x125xi32, #tpu.memory_space<hbm>> -> memref<1x125xi32, #tpu.memory_space<hbm>>
    tpu.wait_dma2 semaphore(%arg23 : memref<!tpu.dma_semaphore, #tpu.memory_space<semaphore_mem>>) src(%dma_wait3A_131 : memref<1x125xi32, #tpu.memory_space<hbm>>) dst(%arg13 : memref<1x125xi32, #tpu.memory_space<vmem>>)
    %dma_start3A_132 = arith.constant 0 : i32
    %dma_start3A_133 = arith.constant 0 : i32
    %dma_start3A_134 = tpu.memref_slice %arg9[%dma_start3A_132, %dma_start3A_133] : memref<1x125xi32, #tpu.memory_space<vmem>> -> memref<1x125xi32, #tpu.memory_space<vmem>>
    %dma_start3A_135 = tpu.memref_squeeze %dma_start3A_134 : memref<1x125xi32, #tpu.memory_space<vmem>> -> memref<125xi32, #tpu.memory_space<vmem>>
    %dma_start3A_136 = arith.constant 0 : i32
    %dma_start3A_137 = arith.constant 0 : i32
    %dma_start3A_138 = tpu.memref_slice %arg2[%dma_start3A_136, %dma_start3A_137] : memref<10000x128xf32, #tpu.memory_space<hbm>> -> memref<10000x128xf32, #tpu.memory_space<hbm>>
    tpu.enqueue_indirect_dma source(%dma_start3A_138 : memref<10000x128xf32, #tpu.memory_space<hbm>>) target(%arg17 : memref<125x128xf32, #tpu.memory_space<vmem>>) offsets(%dma_start3A_135 : memref<125xi32, #tpu.memory_space<vmem>>) semaphore(%arg19 : memref<!tpu.dma_semaphore, #tpu.memory_space<semaphore_mem>>)
    %scan3A = arith.constant 0 : i32
    %scan3A_139 = arith.constant 0 : i32
    %scan3A_140 = arith.constant 20 : i32
    %scan3A_141 = arith.addi %scan3A_139, %scan3A_140 : i32
    %scan3A_142 = arith.constant 1 : i32
    scf.for %scan3A_149 = %scan3A_139 to %scan3A_141 step %scan3A_142  : i32 {
      %mul3A_150 = arith.constant 4 : i32
      %mul3A_151 = arith.muli %mul3A_150, %scan3A_149 : i32
      %add3A_152 = arith.constant 0 : i32
      %add3A_153 = arith.addi %mul3A_151, %add3A_152 : i32
      %dma_wait3A_154 = arith.constant 0 : i32
      %dma_wait3A_155 = arith.constant 0 : i32
      %dma_wait3A_156 = tpu.memref_slice %arg8[%dma_wait3A_154, %dma_wait3A_155] : memref<1x125xi32, #tpu.memory_space<vmem>> -> memref<1x125xi32, #tpu.memory_space<vmem>>
      %dma_wait3A_157 = tpu.memref_squeeze %dma_wait3A_156 : memref<1x125xi32, #tpu.memory_space<vmem>> -> memref<125xi32, #tpu.memory_space<vmem>>
      %dma_wait3A_158 = arith.constant 0 : i32
      %dma_wait3A_159 = arith.constant 0 : i32
      %dma_wait3A_160 = tpu.memref_slice %arg2[%dma_wait3A_158, %dma_wait3A_159] : memref<10000x128xf32, #tpu.memory_space<hbm>> -> memref<10000x128xf32, #tpu.memory_space<hbm>>
      tpu.wait_indirect_dma semaphore(%arg18 : memref<!tpu.dma_semaphore, #tpu.memory_space<semaphore_mem>>) src(%dma_wait3A_160 : memref<10000x128xf32, #tpu.memory_space<hbm>>) dst(%arg16 : memref<125x128xf32, #tpu.memory_space<vmem>>)
      %run_scoped3A = arith.constant 0 : i32
      "tpu.region"() ({
        %run_scoped3A_250 = tpu.sem_alloc : memref<!tpu.dma_semaphore, #tpu.memory_space<semaphore_mem>>
        %dma_start3A_251 = arith.constant 0 : i32
        %dma_start3A_252 = tpu.memref_slice %arg12[%run_scoped3A, %dma_start3A_251] : memref<1x125xi32, #tpu.memory_space<vmem>> -> memref<1x125xi32, #tpu.memory_space<vmem>>
        %dma_start3A_253 = tpu.memref_squeeze %dma_start3A_252 : memref<1x125xi32, #tpu.memory_space<vmem>> -> memref<125xi32, #tpu.memory_space<vmem>>
        %dma_start3A_254 = arith.constant 0 : i32
        %dma_start3A_255 = arith.constant 0 : i32
        %dma_start3A_256 = tpu.memref_slice %arg7[%dma_start3A_254, %dma_start3A_255] : memref<10240x128xf32, #tpu.memory_space<vmem_shared>> -> memref<10240x128xf32, #tpu.memory_space<vmem_shared>>
        tpu.enqueue_indirect_dma source(%arg16 : memref<125x128xf32, #tpu.memory_space<vmem>>) target(%dma_start3A_256 : memref<10240x128xf32, #tpu.memory_space<vmem_shared>>) offsets(%dma_start3A_253 : memref<125xi32, #tpu.memory_space<vmem>>) semaphore(%run_scoped3A_250 : memref<!tpu.dma_semaphore, #tpu.memory_space<semaphore_mem>>) {add = true}
        %dma_wait3A_257 = arith.constant 0 : i32
        %dma_wait3A_258 = tpu.memref_slice %arg12[%run_scoped3A, %dma_wait3A_257] : memref<1x125xi32, #tpu.memory_space<vmem>> -> memref<1x125xi32, #tpu.memory_space<vmem>>
        %dma_wait3A_259 = tpu.memref_squeeze %dma_wait3A_258 : memref<1x125xi32, #tpu.memory_space<vmem>> -> memref<125xi32, #tpu.memory_space<vmem>>
        %dma_wait3A_260 = arith.constant 0 : i32
        %dma_wait3A_261 = arith.constant 0 : i32
        %dma_wait3A_262 = tpu.memref_slice %arg7[%dma_wait3A_260, %dma_wait3A_261] : memref<10240x128xf32, #tpu.memory_space<vmem_shared>> -> memref<10240x128xf32, #tpu.memory_space<vmem_shared>>
        tpu.wait_indirect_dma semaphore(%run_scoped3A_250 : memref<!tpu.dma_semaphore, #tpu.memory_space<semaphore_mem>>) src(%arg16 : memref<125x128xf32, #tpu.memory_space<vmem>>) dst(%dma_wait3A_262 : memref<10240x128xf32, #tpu.memory_space<vmem_shared>>)
        tpu.yield
      }) : () -> ()
      %add3A_161 = arith.constant 4 : i32
      %add3A_162 = arith.addi %add3A_153, %add3A_161 : i32
      %lt3A = arith.constant 80 : i32
      %lt3A_163 = arith.cmpi slt, %add3A_162, %lt3A : i32
      %convert_element_type3A = arith.extui %lt3A_163 : i1 to i32
      %cond3A = arith.constant 0 : i32
      %cond3A_164 = arith.cmpi ne, %convert_element_type3A, %cond3A : i32
      scf.if %cond3A_164 {
        %add3A_250 = arith.addi %mul3A_2, %add3A_153 : i32
        %add3A_251 = arith.constant 4 : i32
        %add3A_252 = arith.addi %add3A_250, %add3A_251 : i32
        %dma_start3A_253 = arith.constant 0 : i32
        %dma_start3A_254 = arith.constant 0 : i32
        %dma_start3A_255 = tpu.memref_slice %arg3[%add3A_252, %dma_start3A_253, %dma_start3A_254] : memref<2560x1x125xi32, #tpu.memory_space<hbm>> -> memref<1x1x125xi32, #tpu.memory_space<hbm>>
        %dma_start3A_256 = tpu.memref_squeeze %dma_start3A_255 : memref<1x1x125xi32, #tpu.memory_space<hbm>> -> memref<1x125xi32, #tpu.memory_space<hbm>>
        %dma_start3A_257 = arith.constant 0 : i32
        %dma_start3A_258 = arith.constant 0 : i32
        %dma_start3A_259 = tpu.memref_slice %arg3[%add3A_252, %dma_start3A_257, %dma_start3A_258] : memref<2560x1x125xi32, #tpu.memory_space<hbm>> -> memref<1x1x125xi32, #tpu.memory_space<hbm>>
        %dma_start3A_260 = tpu.memref_squeeze %dma_start3A_259 : memref<1x1x125xi32, #tpu.memory_space<hbm>> -> memref<1x125xi32, #tpu.memory_space<hbm>>
        tpu.enqueue_dma source(%dma_start3A_260 : memref<1x125xi32, #tpu.memory_space<hbm>>) target(%arg8 : memref<1x125xi32, #tpu.memory_space<vmem>>) target_semaphore(%arg22 : memref<!tpu.dma_semaphore, #tpu.memory_space<semaphore_mem>>)
        %add3A_261 = arith.addi %mul3A_2, %add3A_153 : i32
        %add3A_262 = arith.constant 4 : i32
        %add3A_263 = arith.addi %add3A_261, %add3A_262 : i32
        %dma_start3A_264 = arith.constant 0 : i32
        %dma_start3A_265 = arith.constant 0 : i32
        %dma_start3A_266 = tpu.memref_slice %arg4[%add3A_263, %dma_start3A_264, %dma_start3A_265] : memref<2560x1x125xi32, #tpu.memory_space<hbm>> -> memref<1x1x125xi32, #tpu.memory_space<hbm>>
        %dma_start3A_267 = tpu.memref_squeeze %dma_start3A_266 : memref<1x1x125xi32, #tpu.memory_space<hbm>> -> memref<1x125xi32, #tpu.memory_space<hbm>>
        %dma_start3A_268 = arith.constant 0 : i32
        %dma_start3A_269 = arith.constant 0 : i32
        %dma_start3A_270 = tpu.memref_slice %arg4[%add3A_263, %dma_start3A_268, %dma_start3A_269] : memref<2560x1x125xi32, #tpu.memory_space<hbm>> -> memref<1x1x125xi32, #tpu.memory_space<hbm>>
        %dma_start3A_271 = tpu.memref_squeeze %dma_start3A_270 : memref<1x1x125xi32, #tpu.memory_space<hbm>> -> memref<1x125xi32, #tpu.memory_space<hbm>>
        tpu.enqueue_dma source(%dma_start3A_271 : memref<1x125xi32, #tpu.memory_space<hbm>>) target(%arg12 : memref<1x125xi32, #tpu.memory_space<vmem>>) target_semaphore(%arg22 : memref<!tpu.dma_semaphore, #tpu.memory_space<semaphore_mem>>)
      } else {
      }
      %add3A_165 = arith.constant 2 : i32
      %add3A_166 = arith.addi %add3A_153, %add3A_165 : i32
      %lt3A_167 = arith.constant 80 : i32
      %lt3A_168 = arith.cmpi slt, %add3A_166, %lt3A_167 : i32
      %convert_element_type3A_169 = arith.extui %lt3A_168 : i1 to i32
      %cond3A_170 = arith.constant 0 : i32
      %cond3A_171 = arith.cmpi ne, %convert_element_type3A_169, %cond3A_170 : i32
      scf.if %cond3A_171 {
        %add3A_250 = arith.addi %mul3A_2, %add3A_153 : i32
        %add3A_251 = arith.constant 2 : i32
        %add3A_252 = arith.addi %add3A_250, %add3A_251 : i32
        %dma_wait3A_253 = arith.constant 0 : i32
        %dma_wait3A_254 = arith.constant 0 : i32
        %dma_wait3A_255 = tpu.memref_slice %arg3[%add3A_252, %dma_wait3A_253, %dma_wait3A_254] : memref<2560x1x125xi32, #tpu.memory_space<hbm>> -> memref<1x1x125xi32, #tpu.memory_space<hbm>>
        %dma_wait3A_256 = tpu.memref_squeeze %dma_wait3A_255 : memref<1x1x125xi32, #tpu.memory_space<hbm>> -> memref<1x125xi32, #tpu.memory_space<hbm>>
        %dma_wait3A_257 = arith.constant 0 : i32
        %dma_wait3A_258 = arith.constant 0 : i32
        %dma_wait3A_259 = tpu.memref_slice %arg3[%add3A_252, %dma_wait3A_257, %dma_wait3A_258] : memref<2560x1x125xi32, #tpu.memory_space<hbm>> -> memref<1x1x125xi32, #tpu.memory_space<hbm>>
        %dma_wait3A_260 = tpu.memref_squeeze %dma_wait3A_259 : memref<1x1x125xi32, #tpu.memory_space<hbm>> -> memref<1x125xi32, #tpu.memory_space<hbm>>
        tpu.wait_dma2 semaphore(%arg24 : memref<!tpu.dma_semaphore, #tpu.memory_space<semaphore_mem>>) src(%dma_wait3A_260 : memref<1x125xi32, #tpu.memory_space<hbm>>) dst(%arg10 : memref<1x125xi32, #tpu.memory_space<vmem>>)
        %add3A_261 = arith.addi %mul3A_2, %add3A_153 : i32
        %add3A_262 = arith.constant 2 : i32
        %add3A_263 = arith.addi %add3A_261, %add3A_262 : i32
        %dma_wait3A_264 = arith.constant 0 : i32
        %dma_wait3A_265 = arith.constant 0 : i32
        %dma_wait3A_266 = tpu.memref_slice %arg4[%add3A_263, %dma_wait3A_264, %dma_wait3A_265] : memref<2560x1x125xi32, #tpu.memory_space<hbm>> -> memref<1x1x125xi32, #tpu.memory_space<hbm>>
        %dma_wait3A_267 = tpu.memref_squeeze %dma_wait3A_266 : memref<1x1x125xi32, #tpu.memory_space<hbm>> -> memref<1x125xi32, #tpu.memory_space<hbm>>
        %dma_wait3A_268 = arith.constant 0 : i32
        %dma_wait3A_269 = arith.constant 0 : i32
        %dma_wait3A_270 = tpu.memref_slice %arg4[%add3A_263, %dma_wait3A_268, %dma_wait3A_269] : memref<2560x1x125xi32, #tpu.memory_space<hbm>> -> memref<1x1x125xi32, #tpu.memory_space<hbm>>
        %dma_wait3A_271 = tpu.memref_squeeze %dma_wait3A_270 : memref<1x1x125xi32, #tpu.memory_space<hbm>> -> memref<1x125xi32, #tpu.memory_space<hbm>>
        tpu.wait_dma2 semaphore(%arg24 : memref<!tpu.dma_semaphore, #tpu.memory_space<semaphore_mem>>) src(%dma_wait3A_271 : memref<1x125xi32, #tpu.memory_space<hbm>>) dst(%arg14 : memref<1x125xi32, #tpu.memory_space<vmem>>)
        %dma_start3A_272 = arith.constant 0 : i32
        %dma_start3A_273 = arith.constant 0 : i32
        %dma_start3A_274 = tpu.memref_slice %arg10[%dma_start3A_272, %dma_start3A_273] : memref<1x125xi32, #tpu.memory_space<vmem>> -> memref<1x125xi32, #tpu.memory_space<vmem>>
        %dma_start3A_275 = tpu.memref_squeeze %dma_start3A_274 : memref<1x125xi32, #tpu.memory_space<vmem>> -> memref<125xi32, #tpu.memory_space<vmem>>
        %dma_start3A_276 = arith.constant 0 : i32
        %dma_start3A_277 = arith.constant 0 : i32
        %dma_start3A_278 = tpu.memref_slice %arg2[%dma_start3A_276, %dma_start3A_277] : memref<10000x128xf32, #tpu.memory_space<hbm>> -> memref<10000x128xf32, #tpu.memory_space<hbm>>
        tpu.enqueue_indirect_dma source(%dma_start3A_278 : memref<10000x128xf32, #tpu.memory_space<hbm>>) target(%arg16 : memref<125x128xf32, #tpu.memory_space<vmem>>) offsets(%dma_start3A_275 : memref<125xi32, #tpu.memory_space<vmem>>) semaphore(%arg18 : memref<!tpu.dma_semaphore, #tpu.memory_space<semaphore_mem>>)
      } else {
      }
      %mul3A_172 = arith.constant 4 : i32
      %mul3A_173 = arith.muli %mul3A_172, %scan3A_149 : i32
      %add3A_174 = arith.constant 1 : i32
      %add3A_175 = arith.addi %mul3A_173, %add3A_174 : i32
      %dma_wait3A_176 = arith.constant 0 : i32
      %dma_wait3A_177 = arith.constant 0 : i32
      %dma_wait3A_178 = tpu.memref_slice %arg9[%dma_wait3A_176, %dma_wait3A_177] : memref<1x125xi32, #tpu.memory_space<vmem>> -> memref<1x125xi32, #tpu.memory_space<vmem>>
      %dma_wait3A_179 = tpu.memref_squeeze %dma_wait3A_178 : memref<1x125xi32, #tpu.memory_space<vmem>> -> memref<125xi32, #tpu.memory_space<vmem>>
      %dma_wait3A_180 = arith.constant 0 : i32
      %dma_wait3A_181 = arith.constant 0 : i32
      %dma_wait3A_182 = tpu.memref_slice %arg2[%dma_wait3A_180, %dma_wait3A_181] : memref<10000x128xf32, #tpu.memory_space<hbm>> -> memref<10000x128xf32, #tpu.memory_space<hbm>>
      tpu.wait_indirect_dma semaphore(%arg19 : memref<!tpu.dma_semaphore, #tpu.memory_space<semaphore_mem>>) src(%dma_wait3A_182 : memref<10000x128xf32, #tpu.memory_space<hbm>>) dst(%arg17 : memref<125x128xf32, #tpu.memory_space<vmem>>)
      %run_scoped3A_183 = arith.constant 0 : i32
      "tpu.region"() ({
        %run_scoped3A_250 = tpu.sem_alloc : memref<!tpu.dma_semaphore, #tpu.memory_space<semaphore_mem>>
        %dma_start3A_251 = arith.constant 0 : i32
        %dma_start3A_252 = tpu.memref_slice %arg13[%run_scoped3A_183, %dma_start3A_251] : memref<1x125xi32, #tpu.memory_space<vmem>> -> memref<1x125xi32, #tpu.memory_space<vmem>>
        %dma_start3A_253 = tpu.memref_squeeze %dma_start3A_252 : memref<1x125xi32, #tpu.memory_space<vmem>> -> memref<125xi32, #tpu.memory_space<vmem>>
        %dma_start3A_254 = arith.constant 0 : i32
        %dma_start3A_255 = arith.constant 0 : i32
        %dma_start3A_256 = tpu.memref_slice %arg7[%dma_start3A_254, %dma_start3A_255] : memref<10240x128xf32, #tpu.memory_space<vmem_shared>> -> memref<10240x128xf32, #tpu.memory_space<vmem_shared>>
        tpu.enqueue_indirect_dma source(%arg17 : memref<125x128xf32, #tpu.memory_space<vmem>>) target(%dma_start3A_256 : memref<10240x128xf32, #tpu.memory_space<vmem_shared>>) offsets(%dma_start3A_253 : memref<125xi32, #tpu.memory_space<vmem>>) semaphore(%run_scoped3A_250 : memref<!tpu.dma_semaphore, #tpu.memory_space<semaphore_mem>>) {add = true}
        %dma_wait3A_257 = arith.constant 0 : i32
        %dma_wait3A_258 = tpu.memref_slice %arg13[%run_scoped3A_183, %dma_wait3A_257] : memref<1x125xi32, #tpu.memory_space<vmem>> -> memref<1x125xi32, #tpu.memory_space<vmem>>
        %dma_wait3A_259 = tpu.memref_squeeze %dma_wait3A_258 : memref<1x125xi32, #tpu.memory_space<vmem>> -> memref<125xi32, #tpu.memory_space<vmem>>
        %dma_wait3A_260 = arith.constant 0 : i32
        %dma_wait3A_261 = arith.constant 0 : i32
        %dma_wait3A_262 = tpu.memref_slice %arg7[%dma_wait3A_260, %dma_wait3A_261] : memref<10240x128xf32, #tpu.memory_space<vmem_shared>> -> memref<10240x128xf32, #tpu.memory_space<vmem_shared>>
        tpu.wait_indirect_dma semaphore(%run_scoped3A_250 : memref<!tpu.dma_semaphore, #tpu.memory_space<semaphore_mem>>) src(%arg17 : memref<125x128xf32, #tpu.memory_space<vmem>>) dst(%dma_wait3A_262 : memref<10240x128xf32, #tpu.memory_space<vmem_shared>>)
        tpu.yield
      }) : () -> ()
      %add3A_184 = arith.constant 4 : i32
      %add3A_185 = arith.addi %add3A_175, %add3A_184 : i32
      %lt3A_186 = arith.constant 80 : i32
      %lt3A_187 = arith.cmpi slt, %add3A_185, %lt3A_186 : i32
      %convert_element_type3A_188 = arith.extui %lt3A_187 : i1 to i32
      %cond3A_189 = arith.constant 0 : i32
      %cond3A_190 = arith.cmpi ne, %convert_element_type3A_188, %cond3A_189 : i32
      scf.if %cond3A_190 {
        %add3A_250 = arith.addi %mul3A_2, %add3A_175 : i32
        %add3A_251 = arith.constant 4 : i32
        %add3A_252 = arith.addi %add3A_250, %add3A_251 : i32
        %dma_start3A_253 = arith.constant 0 : i32
        %dma_start3A_254 = arith.constant 0 : i32
        %dma_start3A_255 = tpu.memref_slice %arg3[%add3A_252, %dma_start3A_253, %dma_start3A_254] : memref<2560x1x125xi32, #tpu.memory_space<hbm>> -> memref<1x1x125xi32, #tpu.memory_space<hbm>>
        %dma_start3A_256 = tpu.memref_squeeze %dma_start3A_255 : memref<1x1x125xi32, #tpu.memory_space<hbm>> -> memref<1x125xi32, #tpu.memory_space<hbm>>
        %dma_start3A_257 = arith.constant 0 : i32
        %dma_start3A_258 = arith.constant 0 : i32
        %dma_start3A_259 = tpu.memref_slice %arg3[%add3A_252, %dma_start3A_257, %dma_start3A_258] : memref<2560x1x125xi32, #tpu.memory_space<hbm>> -> memref<1x1x125xi32, #tpu.memory_space<hbm>>
        %dma_start3A_260 = tpu.memref_squeeze %dma_start3A_259 : memref<1x1x125xi32, #tpu.memory_space<hbm>> -> memref<1x125xi32, #tpu.memory_space<hbm>>
        tpu.enqueue_dma source(%dma_start3A_260 : memref<1x125xi32, #tpu.memory_space<hbm>>) target(%arg9 : memref<1x125xi32, #tpu.memory_space<vmem>>) target_semaphore(%arg23 : memref<!tpu.dma_semaphore, #tpu.memory_space<semaphore_mem>>)
        %add3A_261 = arith.addi %mul3A_2, %add3A_175 : i32
        %add3A_262 = arith.constant 4 : i32
        %add3A_263 = arith.addi %add3A_261, %add3A_262 : i32
        %dma_start3A_264 = arith.constant 0 : i32
        %dma_start3A_265 = arith.constant 0 : i32
        %dma_start3A_266 = tpu.memref_slice %arg4[%add3A_263, %dma_start3A_264, %dma_start3A_265] : memref<2560x1x125xi32, #tpu.memory_space<hbm>> -> memref<1x1x125xi32, #tpu.memory_space<hbm>>
        %dma_start3A_267 = tpu.memref_squeeze %dma_start3A_266 : memref<1x1x125xi32, #tpu.memory_space<hbm>> -> memref<1x125xi32, #tpu.memory_space<hbm>>
        %dma_start3A_268 = arith.constant 0 : i32
        %dma_start3A_269 = arith.constant 0 : i32
        %dma_start3A_270 = tpu.memref_slice %arg4[%add3A_263, %dma_start3A_268, %dma_start3A_269] : memref<2560x1x125xi32, #tpu.memory_space<hbm>> -> memref<1x1x125xi32, #tpu.memory_space<hbm>>
        %dma_start3A_271 = tpu.memref_squeeze %dma_start3A_270 : memref<1x1x125xi32, #tpu.memory_space<hbm>> -> memref<1x125xi32, #tpu.memory_space<hbm>>
        tpu.enqueue_dma source(%dma_start3A_271 : memref<1x125xi32, #tpu.memory_space<hbm>>) target(%arg13 : memref<1x125xi32, #tpu.memory_space<vmem>>) target_semaphore(%arg23 : memref<!tpu.dma_semaphore, #tpu.memory_space<semaphore_mem>>)
      } else {
      }
      %add3A_191 = arith.constant 2 : i32
      %add3A_192 = arith.addi %add3A_175, %add3A_191 : i32
      %lt3A_193 = arith.constant 80 : i32
      %lt3A_194 = arith.cmpi slt, %add3A_192, %lt3A_193 : i32
      %convert_element_type3A_195 = arith.extui %lt3A_194 : i1 to i32
      %cond3A_196 = arith.constant 0 : i32
      %cond3A_197 = arith.cmpi ne, %convert_element_type3A_195, %cond3A_196 : i32
      scf.if %cond3A_197 {
        %add3A_250 = arith.addi %mul3A_2, %add3A_175 : i32
        %add3A_251 = arith.constant 2 : i32
        %add3A_252 = arith.addi %add3A_250, %add3A_251 : i32
        %dma_wait3A_253 = arith.constant 0 : i32
        %dma_wait3A_254 = arith.constant 0 : i32
        %dma_wait3A_255 = tpu.memref_slice %arg3[%add3A_252, %dma_wait3A_253, %dma_wait3A_254] : memref<2560x1x125xi32, #tpu.memory_space<hbm>> -> memref<1x1x125xi32, #tpu.memory_space<hbm>>
        %dma_wait3A_256 = tpu.memref_squeeze %dma_wait3A_255 : memref<1x1x125xi32, #tpu.memory_space<hbm>> -> memref<1x125xi32, #tpu.memory_space<hbm>>
        %dma_wait3A_257 = arith.constant 0 : i32
        %dma_wait3A_258 = arith.constant 0 : i32
        %dma_wait3A_259 = tpu.memref_slice %arg3[%add3A_252, %dma_wait3A_257, %dma_wait3A_258] : memref<2560x1x125xi32, #tpu.memory_space<hbm>> -> memref<1x1x125xi32, #tpu.memory_space<hbm>>
        %dma_wait3A_260 = tpu.memref_squeeze %dma_wait3A_259 : memref<1x1x125xi32, #tpu.memory_space<hbm>> -> memref<1x125xi32, #tpu.memory_space<hbm>>
        tpu.wait_dma2 semaphore(%arg25 : memref<!tpu.dma_semaphore, #tpu.memory_space<semaphore_mem>>) src(%dma_wait3A_260 : memref<1x125xi32, #tpu.memory_space<hbm>>) dst(%arg11 : memref<1x125xi32, #tpu.memory_space<vmem>>)
        %add3A_261 = arith.addi %mul3A_2, %add3A_175 : i32
        %add3A_262 = arith.constant 2 : i32
        %add3A_263 = arith.addi %add3A_261, %add3A_262 : i32
        %dma_wait3A_264 = arith.constant 0 : i32
        %dma_wait3A_265 = arith.constant 0 : i32
        %dma_wait3A_266 = tpu.memref_slice %arg4[%add3A_263, %dma_wait3A_264, %dma_wait3A_265] : memref<2560x1x125xi32, #tpu.memory_space<hbm>> -> memref<1x1x125xi32, #tpu.memory_space<hbm>>
        %dma_wait3A_267 = tpu.memref_squeeze %dma_wait3A_266 : memref<1x1x125xi32, #tpu.memory_space<hbm>> -> memref<1x125xi32, #tpu.memory_space<hbm>>
        %dma_wait3A_268 = arith.constant 0 : i32
        %dma_wait3A_269 = arith.constant 0 : i32
        %dma_wait3A_270 = tpu.memref_slice %arg4[%add3A_263, %dma_wait3A_268, %dma_wait3A_269] : memref<2560x1x125xi32, #tpu.memory_space<hbm>> -> memref<1x1x125xi32, #tpu.memory_space<hbm>>
        %dma_wait3A_271 = tpu.memref_squeeze %dma_wait3A_270 : memref<1x1x125xi32, #tpu.memory_space<hbm>> -> memref<1x125xi32, #tpu.memory_space<hbm>>
        tpu.wait_dma2 semaphore(%arg25 : memref<!tpu.dma_semaphore, #tpu.memory_space<semaphore_mem>>) src(%dma_wait3A_271 : memref<1x125xi32, #tpu.memory_space<hbm>>) dst(%arg15 : memref<1x125xi32, #tpu.memory_space<vmem>>)
        %dma_start3A_272 = arith.constant 0 : i32
        %dma_start3A_273 = arith.constant 0 : i32
        %dma_start3A_274 = tpu.memref_slice %arg11[%dma_start3A_272, %dma_start3A_273] : memref<1x125xi32, #tpu.memory_space<vmem>> -> memref<1x125xi32, #tpu.memory_space<vmem>>
        %dma_start3A_275 = tpu.memref_squeeze %dma_start3A_274 : memref<1x125xi32, #tpu.memory_space<vmem>> -> memref<125xi32, #tpu.memory_space<vmem>>
        %dma_start3A_276 = arith.constant 0 : i32
        %dma_start3A_277 = arith.constant 0 : i32
        %dma_start3A_278 = tpu.memref_slice %arg2[%dma_start3A_276, %dma_start3A_277] : memref<10000x128xf32, #tpu.memory_space<hbm>> -> memref<10000x128xf32, #tpu.memory_space<hbm>>
        tpu.enqueue_indirect_dma source(%dma_start3A_278 : memref<10000x128xf32, #tpu.memory_space<hbm>>) target(%arg17 : memref<125x128xf32, #tpu.memory_space<vmem>>) offsets(%dma_start3A_275 : memref<125xi32, #tpu.memory_space<vmem>>) semaphore(%arg19 : memref<!tpu.dma_semaphore, #tpu.memory_space<semaphore_mem>>)
      } else {
      }
      %mul3A_198 = arith.constant 4 : i32
      %mul3A_199 = arith.muli %mul3A_198, %scan3A_149 : i32
      %add3A_200 = arith.constant 2 : i32
      %add3A_201 = arith.addi %mul3A_199, %add3A_200 : i32
      %dma_wait3A_202 = arith.constant 0 : i32
      %dma_wait3A_203 = arith.constant 0 : i32
      %dma_wait3A_204 = tpu.memref_slice %arg10[%dma_wait3A_202, %dma_wait3A_203] : memref<1x125xi32, #tpu.memory_space<vmem>> -> memref<1x125xi32, #tpu.memory_space<vmem>>
      %dma_wait3A_205 = tpu.memref_squeeze %dma_wait3A_204 : memref<1x125xi32, #tpu.memory_space<vmem>> -> memref<125xi32, #tpu.memory_space<vmem>>
      %dma_wait3A_206 = arith.constant 0 : i32
      %dma_wait3A_207 = arith.constant 0 : i32
      %dma_wait3A_208 = tpu.memref_slice %arg2[%dma_wait3A_206, %dma_wait3A_207] : memref<10000x128xf32, #tpu.memory_space<hbm>> -> memref<10000x128xf32, #tpu.memory_space<hbm>>
      tpu.wait_indirect_dma semaphore(%arg18 : memref<!tpu.dma_semaphore, #tpu.memory_space<semaphore_mem>>) src(%dma_wait3A_208 : memref<10000x128xf32, #tpu.memory_space<hbm>>) dst(%arg16 : memref<125x128xf32, #tpu.memory_space<vmem>>)
      %run_scoped3A_209 = arith.constant 0 : i32
      "tpu.region"() ({
        %run_scoped3A_250 = tpu.sem_alloc : memref<!tpu.dma_semaphore, #tpu.memory_space<semaphore_mem>>
        %dma_start3A_251 = arith.constant 0 : i32
        %dma_start3A_252 = tpu.memref_slice %arg14[%run_scoped3A_209, %dma_start3A_251] : memref<1x125xi32, #tpu.memory_space<vmem>> -> memref<1x125xi32, #tpu.memory_space<vmem>>
        %dma_start3A_253 = tpu.memref_squeeze %dma_start3A_252 : memref<1x125xi32, #tpu.memory_space<vmem>> -> memref<125xi32, #tpu.memory_space<vmem>>
        %dma_start3A_254 = arith.constant 0 : i32
        %dma_start3A_255 = arith.constant 0 : i32
        %dma_start3A_256 = tpu.memref_slice %arg7[%dma_start3A_254, %dma_start3A_255] : memref<10240x128xf32, #tpu.memory_space<vmem_shared>> -> memref<10240x128xf32, #tpu.memory_space<vmem_shared>>
        tpu.enqueue_indirect_dma source(%arg16 : memref<125x128xf32, #tpu.memory_space<vmem>>) target(%dma_start3A_256 : memref<10240x128xf32, #tpu.memory_space<vmem_shared>>) offsets(%dma_start3A_253 : memref<125xi32, #tpu.memory_space<vmem>>) semaphore(%run_scoped3A_250 : memref<!tpu.dma_semaphore, #tpu.memory_space<semaphore_mem>>) {add = true}
        %dma_wait3A_257 = arith.constant 0 : i32
        %dma_wait3A_258 = tpu.memref_slice %arg14[%run_scoped3A_209, %dma_wait3A_257] : memref<1x125xi32, #tpu.memory_space<vmem>> -> memref<1x125xi32, #tpu.memory_space<vmem>>
        %dma_wait3A_259 = tpu.memref_squeeze %dma_wait3A_258 : memref<1x125xi32, #tpu.memory_space<vmem>> -> memref<125xi32, #tpu.memory_space<vmem>>
        %dma_wait3A_260 = arith.constant 0 : i32
        %dma_wait3A_261 = arith.constant 0 : i32
        %dma_wait3A_262 = tpu.memref_slice %arg7[%dma_wait3A_260, %dma_wait3A_261] : memref<10240x128xf32, #tpu.memory_space<vmem_shared>> -> memref<10240x128xf32, #tpu.memory_space<vmem_shared>>
        tpu.wait_indirect_dma semaphore(%run_scoped3A_250 : memref<!tpu.dma_semaphore, #tpu.memory_space<semaphore_mem>>) src(%arg16 : memref<125x128xf32, #tpu.memory_space<vmem>>) dst(%dma_wait3A_262 : memref<10240x128xf32, #tpu.memory_space<vmem_shared>>)
        tpu.yield
      }) : () -> ()
      %add3A_210 = arith.constant 4 : i32
      %add3A_211 = arith.addi %add3A_201, %add3A_210 : i32
      %lt3A_212 = arith.constant 80 : i32
      %lt3A_213 = arith.cmpi slt, %add3A_211, %lt3A_212 : i32
      %convert_element_type3A_214 = arith.extui %lt3A_213 : i1 to i32
      %cond3A_215 = arith.constant 0 : i32
      %cond3A_216 = arith.cmpi ne, %convert_element_type3A_214, %cond3A_215 : i32
      scf.if %cond3A_216 {
        %add3A_250 = arith.addi %mul3A_2, %add3A_201 : i32
        %add3A_251 = arith.constant 4 : i32
        %add3A_252 = arith.addi %add3A_250, %add3A_251 : i32
        %dma_start3A_253 = arith.constant 0 : i32
        %dma_start3A_254 = arith.constant 0 : i32
        %dma_start3A_255 = tpu.memref_slice %arg3[%add3A_252, %dma_start3A_253, %dma_start3A_254] : memref<2560x1x125xi32, #tpu.memory_space<hbm>> -> memref<1x1x125xi32, #tpu.memory_space<hbm>>
        %dma_start3A_256 = tpu.memref_squeeze %dma_start3A_255 : memref<1x1x125xi32, #tpu.memory_space<hbm>> -> memref<1x125xi32, #tpu.memory_space<hbm>>
        %dma_start3A_257 = arith.constant 0 : i32
        %dma_start3A_258 = arith.constant 0 : i32
        %dma_start3A_259 = tpu.memref_slice %arg3[%add3A_252, %dma_start3A_257, %dma_start3A_258] : memref<2560x1x125xi32, #tpu.memory_space<hbm>> -> memref<1x1x125xi32, #tpu.memory_space<hbm>>
        %dma_start3A_260 = tpu.memref_squeeze %dma_start3A_259 : memref<1x1x125xi32, #tpu.memory_space<hbm>> -> memref<1x125xi32, #tpu.memory_space<hbm>>
        tpu.enqueue_dma source(%dma_start3A_260 : memref<1x125xi32, #tpu.memory_space<hbm>>) target(%arg10 : memref<1x125xi32, #tpu.memory_space<vmem>>) target_semaphore(%arg24 : memref<!tpu.dma_semaphore, #tpu.memory_space<semaphore_mem>>)
        %add3A_261 = arith.addi %mul3A_2, %add3A_201 : i32
        %add3A_262 = arith.constant 4 : i32
        %add3A_263 = arith.addi %add3A_261, %add3A_262 : i32
        %dma_start3A_264 = arith.constant 0 : i32
        %dma_start3A_265 = arith.constant 0 : i32
        %dma_start3A_266 = tpu.memref_slice %arg4[%add3A_263, %dma_start3A_264, %dma_start3A_265] : memref<2560x1x125xi32, #tpu.memory_space<hbm>> -> memref<1x1x125xi32, #tpu.memory_space<hbm>>
        %dma_start3A_267 = tpu.memref_squeeze %dma_start3A_266 : memref<1x1x125xi32, #tpu.memory_space<hbm>> -> memref<1x125xi32, #tpu.memory_space<hbm>>
        %dma_start3A_268 = arith.constant 0 : i32
        %dma_start3A_269 = arith.constant 0 : i32
        %dma_start3A_270 = tpu.memref_slice %arg4[%add3A_263, %dma_start3A_268, %dma_start3A_269] : memref<2560x1x125xi32, #tpu.memory_space<hbm>> -> memref<1x1x125xi32, #tpu.memory_space<hbm>>
        %dma_start3A_271 = tpu.memref_squeeze %dma_start3A_270 : memref<1x1x125xi32, #tpu.memory_space<hbm>> -> memref<1x125xi32, #tpu.memory_space<hbm>>
        tpu.enqueue_dma source(%dma_start3A_271 : memref<1x125xi32, #tpu.memory_space<hbm>>) target(%arg14 : memref<1x125xi32, #tpu.memory_space<vmem>>) target_semaphore(%arg24 : memref<!tpu.dma_semaphore, #tpu.memory_space<semaphore_mem>>)
      } else {
      }
      %add3A_217 = arith.constant 2 : i32
      %add3A_218 = arith.addi %add3A_201, %add3A_217 : i32
      %lt3A_219 = arith.constant 80 : i32
      %lt3A_220 = arith.cmpi slt, %add3A_218, %lt3A_219 : i32
      %convert_element_type3A_221 = arith.extui %lt3A_220 : i1 to i32
      %cond3A_222 = arith.constant 0 : i32
      %cond3A_223 = arith.cmpi ne, %convert_element_type3A_221, %cond3A_222 : i32
      scf.if %cond3A_223 {
        %add3A_250 = arith.addi %mul3A_2, %add3A_201 : i32
        %add3A_251 = arith.constant 2 : i32
        %add3A_252 = arith.addi %add3A_250, %add3A_251 : i32
        %dma_wait3A_253 = arith.constant 0 : i32
        %dma_wait3A_254 = arith.constant 0 : i32
        %dma_wait3A_255 = tpu.memref_slice %arg3[%add3A_252, %dma_wait3A_253, %dma_wait3A_254] : memref<2560x1x125xi32, #tpu.memory_space<hbm>> -> memref<1x1x125xi32, #tpu.memory_space<hbm>>
        %dma_wait3A_256 = tpu.memref_squeeze %dma_wait3A_255 : memref<1x1x125xi32, #tpu.memory_space<hbm>> -> memref<1x125xi32, #tpu.memory_space<hbm>>
        %dma_wait3A_257 = arith.constant 0 : i32
        %dma_wait3A_258 = arith.constant 0 : i32
        %dma_wait3A_259 = tpu.memref_slice %arg3[%add3A_252, %dma_wait3A_257, %dma_wait3A_258] : memref<2560x1x125xi32, #tpu.memory_space<hbm>> -> memref<1x1x125xi32, #tpu.memory_space<hbm>>
        %dma_wait3A_260 = tpu.memref_squeeze %dma_wait3A_259 : memref<1x1x125xi32, #tpu.memory_space<hbm>> -> memref<1x125xi32, #tpu.memory_space<hbm>>
        tpu.wait_dma2 semaphore(%arg22 : memref<!tpu.dma_semaphore, #tpu.memory_space<semaphore_mem>>) src(%dma_wait3A_260 : memref<1x125xi32, #tpu.memory_space<hbm>>) dst(%arg8 : memref<1x125xi32, #tpu.memory_space<vmem>>)
        %add3A_261 = arith.addi %mul3A_2, %add3A_201 : i32
        %add3A_262 = arith.constant 2 : i32
        %add3A_263 = arith.addi %add3A_261, %add3A_262 : i32
        %dma_wait3A_264 = arith.constant 0 : i32
        %dma_wait3A_265 = arith.constant 0 : i32
        %dma_wait3A_266 = tpu.memref_slice %arg4[%add3A_263, %dma_wait3A_264, %dma_wait3A_265] : memref<2560x1x125xi32, #tpu.memory_space<hbm>> -> memref<1x1x125xi32, #tpu.memory_space<hbm>>
        %dma_wait3A_267 = tpu.memref_squeeze %dma_wait3A_266 : memref<1x1x125xi32, #tpu.memory_space<hbm>> -> memref<1x125xi32, #tpu.memory_space<hbm>>
        %dma_wait3A_268 = arith.constant 0 : i32
        %dma_wait3A_269 = arith.constant 0 : i32
        %dma_wait3A_270 = tpu.memref_slice %arg4[%add3A_263, %dma_wait3A_268, %dma_wait3A_269] : memref<2560x1x125xi32, #tpu.memory_space<hbm>> -> memref<1x1x125xi32, #tpu.memory_space<hbm>>
        %dma_wait3A_271 = tpu.memref_squeeze %dma_wait3A_270 : memref<1x1x125xi32, #tpu.memory_space<hbm>> -> memref<1x125xi32, #tpu.memory_space<hbm>>
        tpu.wait_dma2 semaphore(%arg22 : memref<!tpu.dma_semaphore, #tpu.memory_space<semaphore_mem>>) src(%dma_wait3A_271 : memref<1x125xi32, #tpu.memory_space<hbm>>) dst(%arg12 : memref<1x125xi32, #tpu.memory_space<vmem>>)
        %dma_start3A_272 = arith.constant 0 : i32
        %dma_start3A_273 = arith.constant 0 : i32
        %dma_start3A_274 = tpu.memref_slice %arg8[%dma_start3A_272, %dma_start3A_273] : memref<1x125xi32, #tpu.memory_space<vmem>> -> memref<1x125xi32, #tpu.memory_space<vmem>>
        %dma_start3A_275 = tpu.memref_squeeze %dma_start3A_274 : memref<1x125xi32, #tpu.memory_space<vmem>> -> memref<125xi32, #tpu.memory_space<vmem>>
        %dma_start3A_276 = arith.constant 0 : i32
        %dma_start3A_277 = arith.constant 0 : i32
        %dma_start3A_278 = tpu.memref_slice %arg2[%dma_start3A_276, %dma_start3A_277] : memref<10000x128xf32, #tpu.memory_space<hbm>> -> memref<10000x128xf32, #tpu.memory_space<hbm>>
        tpu.enqueue_indirect_dma source(%dma_start3A_278 : memref<10000x128xf32, #tpu.memory_space<hbm>>) target(%arg16 : memref<125x128xf32, #tpu.memory_space<vmem>>) offsets(%dma_start3A_275 : memref<125xi32, #tpu.memory_space<vmem>>) semaphore(%arg18 : memref<!tpu.dma_semaphore, #tpu.memory_space<semaphore_mem>>)
      } else {
      }
      %mul3A_224 = arith.constant 4 : i32
      %mul3A_225 = arith.muli %mul3A_224, %scan3A_149 : i32
      %add3A_226 = arith.constant 3 : i32
      %add3A_227 = arith.addi %mul3A_225, %add3A_226 : i32
      %dma_wait3A_228 = arith.constant 0 : i32
      %dma_wait3A_229 = arith.constant 0 : i32
      %dma_wait3A_230 = tpu.memref_slice %arg11[%dma_wait3A_228, %dma_wait3A_229] : memref<1x125xi32, #tpu.memory_space<vmem>> -> memref<1x125xi32, #tpu.memory_space<vmem>>
      %dma_wait3A_231 = tpu.memref_squeeze %dma_wait3A_230 : memref<1x125xi32, #tpu.memory_space<vmem>> -> memref<125xi32, #tpu.memory_space<vmem>>
      %dma_wait3A_232 = arith.constant 0 : i32
      %dma_wait3A_233 = arith.constant 0 : i32
      %dma_wait3A_234 = tpu.memref_slice %arg2[%dma_wait3A_232, %dma_wait3A_233] : memref<10000x128xf32, #tpu.memory_space<hbm>> -> memref<10000x128xf32, #tpu.memory_space<hbm>>
      tpu.wait_indirect_dma semaphore(%arg19 : memref<!tpu.dma_semaphore, #tpu.memory_space<semaphore_mem>>) src(%dma_wait3A_234 : memref<10000x128xf32, #tpu.memory_space<hbm>>) dst(%arg17 : memref<125x128xf32, #tpu.memory_space<vmem>>)
      %run_scoped3A_235 = arith.constant 0 : i32
      "tpu.region"() ({
        %run_scoped3A_250 = tpu.sem_alloc : memref<!tpu.dma_semaphore, #tpu.memory_space<semaphore_mem>>
        %dma_start3A_251 = arith.constant 0 : i32
        %dma_start3A_252 = tpu.memref_slice %arg15[%run_scoped3A_235, %dma_start3A_251] : memref<1x125xi32, #tpu.memory_space<vmem>> -> memref<1x125xi32, #tpu.memory_space<vmem>>
        %dma_start3A_253 = tpu.memref_squeeze %dma_start3A_252 : memref<1x125xi32, #tpu.memory_space<vmem>> -> memref<125xi32, #tpu.memory_space<vmem>>
        %dma_start3A_254 = arith.constant 0 : i32
        %dma_start3A_255 = arith.constant 0 : i32
        %dma_start3A_256 = tpu.memref_slice %arg7[%dma_start3A_254, %dma_start3A_255] : memref<10240x128xf32, #tpu.memory_space<vmem_shared>> -> memref<10240x128xf32, #tpu.memory_space<vmem_shared>>
        tpu.enqueue_indirect_dma source(%arg17 : memref<125x128xf32, #tpu.memory_space<vmem>>) target(%dma_start3A_256 : memref<10240x128xf32, #tpu.memory_space<vmem_shared>>) offsets(%dma_start3A_253 : memref<125xi32, #tpu.memory_space<vmem>>) semaphore(%run_scoped3A_250 : memref<!tpu.dma_semaphore, #tpu.memory_space<semaphore_mem>>) {add = true}
        %dma_wait3A_257 = arith.constant 0 : i32
        %dma_wait3A_258 = tpu.memref_slice %arg15[%run_scoped3A_235, %dma_wait3A_257] : memref<1x125xi32, #tpu.memory_space<vmem>> -> memref<1x125xi32, #tpu.memory_space<vmem>>
        %dma_wait3A_259 = tpu.memref_squeeze %dma_wait3A_258 : memref<1x125xi32, #tpu.memory_space<vmem>> -> memref<125xi32, #tpu.memory_space<vmem>>
        %dma_wait3A_260 = arith.constant 0 : i32
        %dma_wait3A_261 = arith.constant 0 : i32
        %dma_wait3A_262 = tpu.memref_slice %arg7[%dma_wait3A_260, %dma_wait3A_261] : memref<10240x128xf32, #tpu.memory_space<vmem_shared>> -> memref<10240x128xf32, #tpu.memory_space<vmem_shared>>
        tpu.wait_indirect_dma semaphore(%run_scoped3A_250 : memref<!tpu.dma_semaphore, #tpu.memory_space<semaphore_mem>>) src(%arg17 : memref<125x128xf32, #tpu.memory_space<vmem>>) dst(%dma_wait3A_262 : memref<10240x128xf32, #tpu.memory_space<vmem_shared>>)
        tpu.yield
      }) : () -> ()
      %add3A_236 = arith.constant 4 : i32
      %add3A_237 = arith.addi %add3A_227, %add3A_236 : i32
      %lt3A_238 = arith.constant 80 : i32
      %lt3A_239 = arith.cmpi slt, %add3A_237, %lt3A_238 : i32
      %convert_element_type3A_240 = arith.extui %lt3A_239 : i1 to i32
      %cond3A_241 = arith.constant 0 : i32
      %cond3A_242 = arith.cmpi ne, %convert_element_type3A_240, %cond3A_241 : i32
      scf.if %cond3A_242 {
        %add3A_250 = arith.addi %mul3A_2, %add3A_227 : i32
        %add3A_251 = arith.constant 4 : i32
        %add3A_252 = arith.addi %add3A_250, %add3A_251 : i32
        %dma_start3A_253 = arith.constant 0 : i32
        %dma_start3A_254 = arith.constant 0 : i32
        %dma_start3A_255 = tpu.memref_slice %arg3[%add3A_252, %dma_start3A_253, %dma_start3A_254] : memref<2560x1x125xi32, #tpu.memory_space<hbm>> -> memref<1x1x125xi32, #tpu.memory_space<hbm>>
        %dma_start3A_256 = tpu.memref_squeeze %dma_start3A_255 : memref<1x1x125xi32, #tpu.memory_space<hbm>> -> memref<1x125xi32, #tpu.memory_space<hbm>>
        %dma_start3A_257 = arith.constant 0 : i32
        %dma_start3A_258 = arith.constant 0 : i32
        %dma_start3A_259 = tpu.memref_slice %arg3[%add3A_252, %dma_start3A_257, %dma_start3A_258] : memref<2560x1x125xi32, #tpu.memory_space<hbm>> -> memref<1x1x125xi32, #tpu.memory_space<hbm>>
        %dma_start3A_260 = tpu.memref_squeeze %dma_start3A_259 : memref<1x1x125xi32, #tpu.memory_space<hbm>> -> memref<1x125xi32, #tpu.memory_space<hbm>>
        tpu.enqueue_dma source(%dma_start3A_260 : memref<1x125xi32, #tpu.memory_space<hbm>>) target(%arg11 : memref<1x125xi32, #tpu.memory_space<vmem>>) target_semaphore(%arg25 : memref<!tpu.dma_semaphore, #tpu.memory_space<semaphore_mem>>)
        %add3A_261 = arith.addi %mul3A_2, %add3A_227 : i32
        %add3A_262 = arith.constant 4 : i32
        %add3A_263 = arith.addi %add3A_261, %add3A_262 : i32
        %dma_start3A_264 = arith.constant 0 : i32
        %dma_start3A_265 = arith.constant 0 : i32
        %dma_start3A_266 = tpu.memref_slice %arg4[%add3A_263, %dma_start3A_264, %dma_start3A_265] : memref<2560x1x125xi32, #tpu.memory_space<hbm>> -> memref<1x1x125xi32, #tpu.memory_space<hbm>>
        %dma_start3A_267 = tpu.memref_squeeze %dma_start3A_266 : memref<1x1x125xi32, #tpu.memory_space<hbm>> -> memref<1x125xi32, #tpu.memory_space<hbm>>
        %dma_start3A_268 = arith.constant 0 : i32
        %dma_start3A_269 = arith.constant 0 : i32
        %dma_start3A_270 = tpu.memref_slice %arg4[%add3A_263, %dma_start3A_268, %dma_start3A_269] : memref<2560x1x125xi32, #tpu.memory_space<hbm>> -> memref<1x1x125xi32, #tpu.memory_space<hbm>>
        %dma_start3A_271 = tpu.memref_squeeze %dma_start3A_270 : memref<1x1x125xi32, #tpu.memory_space<hbm>> -> memref<1x125xi32, #tpu.memory_space<hbm>>
        tpu.enqueue_dma source(%dma_start3A_271 : memref<1x125xi32, #tpu.memory_space<hbm>>) target(%arg15 : memref<1x125xi32, #tpu.memory_space<vmem>>) target_semaphore(%arg25 : memref<!tpu.dma_semaphore, #tpu.memory_space<semaphore_mem>>)
      } else {
      }
      %add3A_243 = arith.constant 2 : i32
      %add3A_244 = arith.addi %add3A_227, %add3A_243 : i32
      %lt3A_245 = arith.constant 80 : i32
      %lt3A_246 = arith.cmpi slt, %add3A_244, %lt3A_245 : i32
      %convert_element_type3A_247 = arith.extui %lt3A_246 : i1 to i32
      %cond3A_248 = arith.constant 0 : i32
      %cond3A_249 = arith.cmpi ne, %convert_element_type3A_247, %cond3A_248 : i32
      scf.if %cond3A_249 {
        %add3A_250 = arith.addi %mul3A_2, %add3A_227 : i32
        %add3A_251 = arith.constant 2 : i32
        %add3A_252 = arith.addi %add3A_250, %add3A_251 : i32
        %dma_wait3A_253 = arith.constant 0 : i32
        %dma_wait3A_254 = arith.constant 0 : i32
        %dma_wait3A_255 = tpu.memref_slice %arg3[%add3A_252, %dma_wait3A_253, %dma_wait3A_254] : memref<2560x1x125xi32, #tpu.memory_space<hbm>> -> memref<1x1x125xi32, #tpu.memory_space<hbm>>
        %dma_wait3A_256 = tpu.memref_squeeze %dma_wait3A_255 : memref<1x1x125xi32, #tpu.memory_space<hbm>> -> memref<1x125xi32, #tpu.memory_space<hbm>>
        %dma_wait3A_257 = arith.constant 0 : i32
        %dma_wait3A_258 = arith.constant 0 : i32
        %dma_wait3A_259 = tpu.memref_slice %arg3[%add3A_252, %dma_wait3A_257, %dma_wait3A_258] : memref<2560x1x125xi32, #tpu.memory_space<hbm>> -> memref<1x1x125xi32, #tpu.memory_space<hbm>>
        %dma_wait3A_260 = tpu.memref_squeeze %dma_wait3A_259 : memref<1x1x125xi32, #tpu.memory_space<hbm>> -> memref<1x125xi32, #tpu.memory_space<hbm>>
        tpu.wait_dma2 semaphore(%arg23 : memref<!tpu.dma_semaphore, #tpu.memory_space<semaphore_mem>>) src(%dma_wait3A_260 : memref<1x125xi32, #tpu.memory_space<hbm>>) dst(%arg9 : memref<1x125xi32, #tpu.memory_space<vmem>>)
        %add3A_261 = arith.addi %mul3A_2, %add3A_227 : i32
        %add3A_262 = arith.constant 2 : i32
        %add3A_263 = arith.addi %add3A_261, %add3A_262 : i32
        %dma_wait3A_264 = arith.constant 0 : i32
        %dma_wait3A_265 = arith.constant 0 : i32
        %dma_wait3A_266 = tpu.memref_slice %arg4[%add3A_263, %dma_wait3A_264, %dma_wait3A_265] : memref<2560x1x125xi32, #tpu.memory_space<hbm>> -> memref<1x1x125xi32, #tpu.memory_space<hbm>>
        %dma_wait3A_267 = tpu.memref_squeeze %dma_wait3A_266 : memref<1x1x125xi32, #tpu.memory_space<hbm>> -> memref<1x125xi32, #tpu.memory_space<hbm>>
        %dma_wait3A_268 = arith.constant 0 : i32
        %dma_wait3A_269 = arith.constant 0 : i32
        %dma_wait3A_270 = tpu.memref_slice %arg4[%add3A_263, %dma_wait3A_268, %dma_wait3A_269] : memref<2560x1x125xi32, #tpu.memory_space<hbm>> -> memref<1x1x125xi32, #tpu.memory_space<hbm>>
        %dma_wait3A_271 = tpu.memref_squeeze %dma_wait3A_270 : memref<1x1x125xi32, #tpu.memory_space<hbm>> -> memref<1x125xi32, #tpu.memory_space<hbm>>
        tpu.wait_dma2 semaphore(%arg23 : memref<!tpu.dma_semaphore, #tpu.memory_space<semaphore_mem>>) src(%dma_wait3A_271 : memref<1x125xi32, #tpu.memory_space<hbm>>) dst(%arg13 : memref<1x125xi32, #tpu.memory_space<vmem>>)
        %dma_start3A_272 = arith.constant 0 : i32
        %dma_start3A_273 = arith.constant 0 : i32
        %dma_start3A_274 = tpu.memref_slice %arg9[%dma_start3A_272, %dma_start3A_273] : memref<1x125xi32, #tpu.memory_space<vmem>> -> memref<1x125xi32, #tpu.memory_space<vmem>>
        %dma_start3A_275 = tpu.memref_squeeze %dma_start3A_274 : memref<1x125xi32, #tpu.memory_space<vmem>> -> memref<125xi32, #tpu.memory_space<vmem>>
        %dma_start3A_276 = arith.constant 0 : i32
        %dma_start3A_277 = arith.constant 0 : i32
        %dma_start3A_278 = tpu.memref_slice %arg2[%dma_start3A_276, %dma_start3A_277] : memref<10000x128xf32, #tpu.memory_space<hbm>> -> memref<10000x128xf32, #tpu.memory_space<hbm>>
        tpu.enqueue_indirect_dma source(%dma_start3A_278 : memref<10000x128xf32, #tpu.memory_space<hbm>>) target(%arg17 : memref<125x128xf32, #tpu.memory_space<vmem>>) offsets(%dma_start3A_275 : memref<125xi32, #tpu.memory_space<vmem>>) semaphore(%arg19 : memref<!tpu.dma_semaphore, #tpu.memory_space<semaphore_mem>>)
      } else {
      }
    }
    %scan3A_143 = arith.constant 20 : i32
    %barrier3A_144 = arith.constant 0 : index
    tpu.barrier barrier_id(%barrier3A_144)
    %mul3A_145 = arith.constant 640 : i32
    %mul3A_146 = arith.muli %arg1, %mul3A_145 : i32
    %mul3A_147 = arith.constant 640 : i32
    %mul3A_148 = arith.muli %arg1, %mul3A_147 : i32
    "tpu.region"() ({
      %run_scoped3A = tpu.sem_alloc : memref<!tpu.dma_semaphore, #tpu.memory_space<semaphore_mem>>
      %dma_start3A_149 = arith.constant 0 : i32
      %dma_start3A_150 = tpu.memref_slice %arg6[%arg0, %mul3A_148, %dma_start3A_149] : memref<2x10240x128xf32, #tpu.memory_space<hbm>> -> memref<1x640x128xf32, #tpu.memory_space<hbm>>
      %dma_start3A_151 = tpu.memref_squeeze %dma_start3A_150 : memref<1x640x128xf32, #tpu.memory_space<hbm>> -> memref<640x128xf32, #tpu.memory_space<hbm>>
      %dma_start3A_152 = arith.constant 0 : i32
      %dma_start3A_153 = tpu.memref_slice %arg7[%mul3A_146, %dma_start3A_152] : memref<10240x128xf32, #tpu.memory_space<vmem_shared>> -> memref<640x128xf32, #tpu.memory_space<vmem_shared>>
      tpu.enqueue_dma source(%dma_start3A_153 : memref<640x128xf32, #tpu.memory_space<vmem_shared>>) target(%dma_start3A_151 : memref<640x128xf32, #tpu.memory_space<hbm>>) target_semaphore(%run_scoped3A : memref<!tpu.dma_semaphore, #tpu.memory_space<semaphore_mem>>)
      %dma_wait3A_154 = arith.constant 0 : i32
      %dma_wait3A_155 = tpu.memref_slice %arg6[%arg0, %mul3A_148, %dma_wait3A_154] : memref<2x10240x128xf32, #tpu.memory_space<hbm>> -> memref<1x640x128xf32, #tpu.memory_space<hbm>>
      %dma_wait3A_156 = tpu.memref_squeeze %dma_wait3A_155 : memref<1x640x128xf32, #tpu.memory_space<hbm>> -> memref<640x128xf32, #tpu.memory_space<hbm>>
      %dma_wait3A_157 = arith.constant 0 : i32
      %dma_wait3A_158 = tpu.memref_slice %arg7[%mul3A_146, %dma_wait3A_157] : memref<10240x128xf32, #tpu.memory_space<vmem_shared>> -> memref<640x128xf32, #tpu.memory_space<vmem_shared>>
      tpu.wait_dma2 semaphore(%run_scoped3A : memref<!tpu.dma_semaphore, #tpu.memory_space<semaphore_mem>>) src(%dma_wait3A_158 : memref<640x128xf32, #tpu.memory_space<vmem_shared>>) dst(%dma_wait3A_156 : memref<640x128xf32, #tpu.memory_space<hbm>>)
      tpu.yield
    }) : () -> ()
    return
  }
}

#map = affine_map<(d0, d1) -> (0, 0)>
#map1 = affine_map<(d0, d1) -> (0, 0, 0)>
module attributes {stable_mosaic.version = 14 : i64} {
  func.func @_seg_body(%arg0: i32, %arg1: i32, %arg2: memref<10000x128xf32, #tpu.memory_space<hbm>>, %arg3: memref<2560x1x125xi32, #tpu.memory_space<hbm>>, %arg4: memref<2560x1x125xi32, #tpu.memory_space<hbm>>, %arg5: memref<10240x128xf32, #tpu.memory_space<hbm>>, %arg6: memref<125x128xf32, #tpu.memory_space<hbm>>, %arg7: memref<2x10240x128xf32, #tpu.memory_space<hbm>>, %arg8: memref<2x10240x128xf32, #tpu.memory_space<hbm>>, %arg9: memref<10240x128xf32, #tpu.memory_space<vmem_shared>>, %arg10: memref<1x125xi32, #tpu.memory_space<vmem>>, %arg11: memref<1x125xi32, #tpu.memory_space<vmem>>, %arg12: memref<1x125xi32, #tpu.memory_space<vmem>>, %arg13: memref<1x125xi32, #tpu.memory_space<vmem>>, %arg14: memref<1x125xi32, #tpu.memory_space<vmem>>, %arg15: memref<1x125xi32, #tpu.memory_space<vmem>>, %arg16: memref<1x125xi32, #tpu.memory_space<vmem>>, %arg17: memref<1x125xi32, #tpu.memory_space<vmem>>, %arg18: memref<125x128xf32, #tpu.memory_space<vmem>>, %arg19: memref<125x128xf32, #tpu.memory_space<vmem>>, %arg20: memref<!tpu.dma_semaphore, #tpu.memory_space<semaphore_mem>>, %arg21: memref<!tpu.dma_semaphore, #tpu.memory_space<semaphore_mem>>, %arg22: memref<!tpu.dma_semaphore, #tpu.memory_space<semaphore_mem>>, %arg23: memref<!tpu.dma_semaphore, #tpu.memory_space<semaphore_mem>>, %arg24: memref<!tpu.dma_semaphore, #tpu.memory_space<semaphore_mem>>, %arg25: memref<!tpu.dma_semaphore, #tpu.memory_space<semaphore_mem>>, %arg26: memref<!tpu.dma_semaphore, #tpu.memory_space<semaphore_mem>>, %arg27: memref<!tpu.dma_semaphore, #tpu.memory_space<semaphore_mem>>) attributes {dimension_semantics = [#tpu.dimension_semantics<core_parallel>, #tpu.dimension_semantics<subcore_parallel>], iteration_bounds = array<i64: 2, 16>, scalar_prefetch = 0 : i64, scratch_operands = 19 : i64, tpu.core_type = #tpu.core_type<sc_vector_subcore>, window_params = [{transform_indices = #map}, {transform_indices = #map1}, {transform_indices = #map1}, {transform_indices = #map}, {transform_indices = #map}, {transform_indices = #map1}, {transform_indices = #map1}]} {
    %mul3A = arith.constant 2 : i32
    %mul3A_0 = arith.muli %arg1, %mul3A : i32
    %add3A = arith.addi %mul3A_0, %arg0 : i32
    %mul3A_1 = arith.constant 80 : i32
    %mul3A_2 = arith.muli %add3A, %mul3A_1 : i32
    %mul3A_3 = arith.constant 640 : i32
    %mul3A_4 = arith.muli %arg1, %mul3A_3 : i32
    %mul3A_5 = arith.constant 640 : i32
    %mul3A_6 = arith.muli %arg1, %mul3A_5 : i32
    "tpu.region"() ({
      %run_scoped3A = tpu.sem_alloc : memref<!tpu.dma_semaphore, #tpu.memory_space<semaphore_mem>>
      %dma_start3A_186 = arith.constant 0 : i32
      %dma_start3A_187 = tpu.memref_slice %arg9[%mul3A_6, %dma_start3A_186] : memref<10240x128xf32, #tpu.memory_space<vmem_shared>> -> memref<640x128xf32, #tpu.memory_space<vmem_shared>>
      %dma_start3A_188 = arith.constant 0 : i32
      %dma_start3A_189 = tpu.memref_slice %arg5[%mul3A_4, %dma_start3A_188] : memref<10240x128xf32, #tpu.memory_space<hbm>> -> memref<640x128xf32, #tpu.memory_space<hbm>>
      tpu.enqueue_dma source(%dma_start3A_189 : memref<640x128xf32, #tpu.memory_space<hbm>>) target(%dma_start3A_187 : memref<640x128xf32, #tpu.memory_space<vmem_shared>>) target_semaphore(%run_scoped3A : memref<!tpu.dma_semaphore, #tpu.memory_space<semaphore_mem>>)
      %dma_wait3A_190 = arith.constant 0 : i32
      %dma_wait3A_191 = tpu.memref_slice %arg9[%mul3A_6, %dma_wait3A_190] : memref<10240x128xf32, #tpu.memory_space<vmem_shared>> -> memref<640x128xf32, #tpu.memory_space<vmem_shared>>
      %dma_wait3A_192 = arith.constant 0 : i32
      %dma_wait3A_193 = tpu.memref_slice %arg5[%mul3A_4, %dma_wait3A_192] : memref<10240x128xf32, #tpu.memory_space<hbm>> -> memref<640x128xf32, #tpu.memory_space<hbm>>
      tpu.wait_dma2 semaphore(%run_scoped3A : memref<!tpu.dma_semaphore, #tpu.memory_space<semaphore_mem>>) src(%dma_wait3A_193 : memref<640x128xf32, #tpu.memory_space<hbm>>) dst(%dma_wait3A_191 : memref<640x128xf32, #tpu.memory_space<vmem_shared>>)
      tpu.yield
    }) : () -> ()
    %barrier3A = arith.constant 0 : index
    tpu.barrier barrier_id(%barrier3A)
    %add3A_7 = arith.constant 0 : i32
    %add3A_8 = arith.addi %mul3A_2, %add3A_7 : i32
    %dma_start3A = arith.constant 0 : i32
    %dma_start3A_9 = arith.constant 0 : i32
    %dma_start3A_10 = tpu.memref_slice %arg3[%add3A_8, %dma_start3A, %dma_start3A_9] : memref<2560x1x125xi32, #tpu.memory_space<hbm>> -> memref<1x1x125xi32, #tpu.memory_space<hbm>>
    %dma_start3A_11 = tpu.memref_squeeze %dma_start3A_10 : memref<1x1x125xi32, #tpu.memory_space<hbm>> -> memref<1x125xi32, #tpu.memory_space<hbm>>
    %dma_start3A_12 = arith.constant 0 : i32
    %dma_start3A_13 = arith.constant 0 : i32
    %dma_start3A_14 = tpu.memref_slice %arg3[%add3A_8, %dma_start3A_12, %dma_start3A_13] : memref<2560x1x125xi32, #tpu.memory_space<hbm>> -> memref<1x1x125xi32, #tpu.memory_space<hbm>>
    %dma_start3A_15 = tpu.memref_squeeze %dma_start3A_14 : memref<1x1x125xi32, #tpu.memory_space<hbm>> -> memref<1x125xi32, #tpu.memory_space<hbm>>
    tpu.enqueue_dma source(%dma_start3A_15 : memref<1x125xi32, #tpu.memory_space<hbm>>) target(%arg10 : memref<1x125xi32, #tpu.memory_space<vmem>>) target_semaphore(%arg24 : memref<!tpu.dma_semaphore, #tpu.memory_space<semaphore_mem>>)
    %add3A_16 = arith.constant 0 : i32
    %add3A_17 = arith.addi %mul3A_2, %add3A_16 : i32
    %dma_start3A_18 = arith.constant 0 : i32
    %dma_start3A_19 = arith.constant 0 : i32
    %dma_start3A_20 = tpu.memref_slice %arg4[%add3A_17, %dma_start3A_18, %dma_start3A_19] : memref<2560x1x125xi32, #tpu.memory_space<hbm>> -> memref<1x1x125xi32, #tpu.memory_space<hbm>>
    %dma_start3A_21 = tpu.memref_squeeze %dma_start3A_20 : memref<1x1x125xi32, #tpu.memory_space<hbm>> -> memref<1x125xi32, #tpu.memory_space<hbm>>
    %dma_start3A_22 = arith.constant 0 : i32
    %dma_start3A_23 = arith.constant 0 : i32
    %dma_start3A_24 = tpu.memref_slice %arg4[%add3A_17, %dma_start3A_22, %dma_start3A_23] : memref<2560x1x125xi32, #tpu.memory_space<hbm>> -> memref<1x1x125xi32, #tpu.memory_space<hbm>>
    %dma_start3A_25 = tpu.memref_squeeze %dma_start3A_24 : memref<1x1x125xi32, #tpu.memory_space<hbm>> -> memref<1x125xi32, #tpu.memory_space<hbm>>
    tpu.enqueue_dma source(%dma_start3A_25 : memref<1x125xi32, #tpu.memory_space<hbm>>) target(%arg14 : memref<1x125xi32, #tpu.memory_space<vmem>>) target_semaphore(%arg24 : memref<!tpu.dma_semaphore, #tpu.memory_space<semaphore_mem>>)
    %add3A_26 = arith.constant 1 : i32
    %add3A_27 = arith.addi %mul3A_2, %add3A_26 : i32
    %dma_start3A_28 = arith.constant 0 : i32
    %dma_start3A_29 = arith.constant 0 : i32
    %dma_start3A_30 = tpu.memref_slice %arg3[%add3A_27, %dma_start3A_28, %dma_start3A_29] : memref<2560x1x125xi32, #tpu.memory_space<hbm>> -> memref<1x1x125xi32, #tpu.memory_space<hbm>>
    %dma_start3A_31 = tpu.memref_squeeze %dma_start3A_30 : memref<1x1x125xi32, #tpu.memory_space<hbm>> -> memref<1x125xi32, #tpu.memory_space<hbm>>
    %dma_start3A_32 = arith.constant 0 : i32
    %dma_start3A_33 = arith.constant 0 : i32
    %dma_start3A_34 = tpu.memref_slice %arg3[%add3A_27, %dma_start3A_32, %dma_start3A_33] : memref<2560x1x125xi32, #tpu.memory_space<hbm>> -> memref<1x1x125xi32, #tpu.memory_space<hbm>>
    %dma_start3A_35 = tpu.memref_squeeze %dma_start3A_34 : memref<1x1x125xi32, #tpu.memory_space<hbm>> -> memref<1x125xi32, #tpu.memory_space<hbm>>
    tpu.enqueue_dma source(%dma_start3A_35 : memref<1x125xi32, #tpu.memory_space<hbm>>) target(%arg11 : memref<1x125xi32, #tpu.memory_space<vmem>>) target_semaphore(%arg25 : memref<!tpu.dma_semaphore, #tpu.memory_space<semaphore_mem>>)
    %add3A_36 = arith.constant 1 : i32
    %add3A_37 = arith.addi %mul3A_2, %add3A_36 : i32
    %dma_start3A_38 = arith.constant 0 : i32
    %dma_start3A_39 = arith.constant 0 : i32
    %dma_start3A_40 = tpu.memref_slice %arg4[%add3A_37, %dma_start3A_38, %dma_start3A_39] : memref<2560x1x125xi32, #tpu.memory_space<hbm>> -> memref<1x1x125xi32, #tpu.memory_space<hbm>>
    %dma_start3A_41 = tpu.memref_squeeze %dma_start3A_40 : memref<1x1x125xi32, #tpu.memory_space<hbm>> -> memref<1x125xi32, #tpu.memory_space<hbm>>
    %dma_start3A_42 = arith.constant 0 : i32
    %dma_start3A_43 = arith.constant 0 : i32
    %dma_start3A_44 = tpu.memref_slice %arg4[%add3A_37, %dma_start3A_42, %dma_start3A_43] : memref<2560x1x125xi32, #tpu.memory_space<hbm>> -> memref<1x1x125xi32, #tpu.memory_space<hbm>>
    %dma_start3A_45 = tpu.memref_squeeze %dma_start3A_44 : memref<1x1x125xi32, #tpu.memory_space<hbm>> -> memref<1x125xi32, #tpu.memory_space<hbm>>
    tpu.enqueue_dma source(%dma_start3A_45 : memref<1x125xi32, #tpu.memory_space<hbm>>) target(%arg15 : memref<1x125xi32, #tpu.memory_space<vmem>>) target_semaphore(%arg25 : memref<!tpu.dma_semaphore, #tpu.memory_space<semaphore_mem>>)
    %add3A_46 = arith.constant 2 : i32
    %add3A_47 = arith.addi %mul3A_2, %add3A_46 : i32
    %dma_start3A_48 = arith.constant 0 : i32
    %dma_start3A_49 = arith.constant 0 : i32
    %dma_start3A_50 = tpu.memref_slice %arg3[%add3A_47, %dma_start3A_48, %dma_start3A_49] : memref<2560x1x125xi32, #tpu.memory_space<hbm>> -> memref<1x1x125xi32, #tpu.memory_space<hbm>>
    %dma_start3A_51 = tpu.memref_squeeze %dma_start3A_50 : memref<1x1x125xi32, #tpu.memory_space<hbm>> -> memref<1x125xi32, #tpu.memory_space<hbm>>
    %dma_start3A_52 = arith.constant 0 : i32
    %dma_start3A_53 = arith.constant 0 : i32
    %dma_start3A_54 = tpu.memref_slice %arg3[%add3A_47, %dma_start3A_52, %dma_start3A_53] : memref<2560x1x125xi32, #tpu.memory_space<hbm>> -> memref<1x1x125xi32, #tpu.memory_space<hbm>>
    %dma_start3A_55 = tpu.memref_squeeze %dma_start3A_54 : memref<1x1x125xi32, #tpu.memory_space<hbm>> -> memref<1x125xi32, #tpu.memory_space<hbm>>
    tpu.enqueue_dma source(%dma_start3A_55 : memref<1x125xi32, #tpu.memory_space<hbm>>) target(%arg12 : memref<1x125xi32, #tpu.memory_space<vmem>>) target_semaphore(%arg26 : memref<!tpu.dma_semaphore, #tpu.memory_space<semaphore_mem>>)
    %add3A_56 = arith.constant 2 : i32
    %add3A_57 = arith.addi %mul3A_2, %add3A_56 : i32
    %dma_start3A_58 = arith.constant 0 : i32
    %dma_start3A_59 = arith.constant 0 : i32
    %dma_start3A_60 = tpu.memref_slice %arg4[%add3A_57, %dma_start3A_58, %dma_start3A_59] : memref<2560x1x125xi32, #tpu.memory_space<hbm>> -> memref<1x1x125xi32, #tpu.memory_space<hbm>>
    %dma_start3A_61 = tpu.memref_squeeze %dma_start3A_60 : memref<1x1x125xi32, #tpu.memory_space<hbm>> -> memref<1x125xi32, #tpu.memory_space<hbm>>
    %dma_start3A_62 = arith.constant 0 : i32
    %dma_start3A_63 = arith.constant 0 : i32
    %dma_start3A_64 = tpu.memref_slice %arg4[%add3A_57, %dma_start3A_62, %dma_start3A_63] : memref<2560x1x125xi32, #tpu.memory_space<hbm>> -> memref<1x1x125xi32, #tpu.memory_space<hbm>>
    %dma_start3A_65 = tpu.memref_squeeze %dma_start3A_64 : memref<1x1x125xi32, #tpu.memory_space<hbm>> -> memref<1x125xi32, #tpu.memory_space<hbm>>
    tpu.enqueue_dma source(%dma_start3A_65 : memref<1x125xi32, #tpu.memory_space<hbm>>) target(%arg16 : memref<1x125xi32, #tpu.memory_space<vmem>>) target_semaphore(%arg26 : memref<!tpu.dma_semaphore, #tpu.memory_space<semaphore_mem>>)
    %add3A_66 = arith.constant 3 : i32
    %add3A_67 = arith.addi %mul3A_2, %add3A_66 : i32
    %dma_start3A_68 = arith.constant 0 : i32
    %dma_start3A_69 = arith.constant 0 : i32
    %dma_start3A_70 = tpu.memref_slice %arg3[%add3A_67, %dma_start3A_68, %dma_start3A_69] : memref<2560x1x125xi32, #tpu.memory_space<hbm>> -> memref<1x1x125xi32, #tpu.memory_space<hbm>>
    %dma_start3A_71 = tpu.memref_squeeze %dma_start3A_70 : memref<1x1x125xi32, #tpu.memory_space<hbm>> -> memref<1x125xi32, #tpu.memory_space<hbm>>
    %dma_start3A_72 = arith.constant 0 : i32
    %dma_start3A_73 = arith.constant 0 : i32
    %dma_start3A_74 = tpu.memref_slice %arg3[%add3A_67, %dma_start3A_72, %dma_start3A_73] : memref<2560x1x125xi32, #tpu.memory_space<hbm>> -> memref<1x1x125xi32, #tpu.memory_space<hbm>>
    %dma_start3A_75 = tpu.memref_squeeze %dma_start3A_74 : memref<1x1x125xi32, #tpu.memory_space<hbm>> -> memref<1x125xi32, #tpu.memory_space<hbm>>
    tpu.enqueue_dma source(%dma_start3A_75 : memref<1x125xi32, #tpu.memory_space<hbm>>) target(%arg13 : memref<1x125xi32, #tpu.memory_space<vmem>>) target_semaphore(%arg27 : memref<!tpu.dma_semaphore, #tpu.memory_space<semaphore_mem>>)
    %add3A_76 = arith.constant 3 : i32
    %add3A_77 = arith.addi %mul3A_2, %add3A_76 : i32
    %dma_start3A_78 = arith.constant 0 : i32
    %dma_start3A_79 = arith.constant 0 : i32
    %dma_start3A_80 = tpu.memref_slice %arg4[%add3A_77, %dma_start3A_78, %dma_start3A_79] : memref<2560x1x125xi32, #tpu.memory_space<hbm>> -> memref<1x1x125xi32, #tpu.memory_space<hbm>>
    %dma_start3A_81 = tpu.memref_squeeze %dma_start3A_80 : memref<1x1x125xi32, #tpu.memory_space<hbm>> -> memref<1x125xi32, #tpu.memory_space<hbm>>
    %dma_start3A_82 = arith.constant 0 : i32
    %dma_start3A_83 = arith.constant 0 : i32
    %dma_start3A_84 = tpu.memref_slice %arg4[%add3A_77, %dma_start3A_82, %dma_start3A_83] : memref<2560x1x125xi32, #tpu.memory_space<hbm>> -> memref<1x1x125xi32, #tpu.memory_space<hbm>>
    %dma_start3A_85 = tpu.memref_squeeze %dma_start3A_84 : memref<1x1x125xi32, #tpu.memory_space<hbm>> -> memref<1x125xi32, #tpu.memory_space<hbm>>
    tpu.enqueue_dma source(%dma_start3A_85 : memref<1x125xi32, #tpu.memory_space<hbm>>) target(%arg17 : memref<1x125xi32, #tpu.memory_space<vmem>>) target_semaphore(%arg27 : memref<!tpu.dma_semaphore, #tpu.memory_space<semaphore_mem>>)
    %add3A_86 = arith.constant 0 : i32
    %add3A_87 = arith.addi %mul3A_2, %add3A_86 : i32
    %dma_wait3A = arith.constant 0 : i32
    %dma_wait3A_88 = arith.constant 0 : i32
    %dma_wait3A_89 = tpu.memref_slice %arg3[%add3A_87, %dma_wait3A, %dma_wait3A_88] : memref<2560x1x125xi32, #tpu.memory_space<hbm>> -> memref<1x1x125xi32, #tpu.memory_space<hbm>>
    %dma_wait3A_90 = tpu.memref_squeeze %dma_wait3A_89 : memref<1x1x125xi32, #tpu.memory_space<hbm>> -> memref<1x125xi32, #tpu.memory_space<hbm>>
    %dma_wait3A_91 = arith.constant 0 : i32
    %dma_wait3A_92 = arith.constant 0 : i32
    %dma_wait3A_93 = tpu.memref_slice %arg3[%add3A_87, %dma_wait3A_91, %dma_wait3A_92] : memref<2560x1x125xi32, #tpu.memory_space<hbm>> -> memref<1x1x125xi32, #tpu.memory_space<hbm>>
    %dma_wait3A_94 = tpu.memref_squeeze %dma_wait3A_93 : memref<1x1x125xi32, #tpu.memory_space<hbm>> -> memref<1x125xi32, #tpu.memory_space<hbm>>
    tpu.wait_dma2 semaphore(%arg24 : memref<!tpu.dma_semaphore, #tpu.memory_space<semaphore_mem>>) src(%dma_wait3A_94 : memref<1x125xi32, #tpu.memory_space<hbm>>) dst(%arg10 : memref<1x125xi32, #tpu.memory_space<vmem>>)
    %add3A_95 = arith.constant 0 : i32
    %add3A_96 = arith.addi %mul3A_2, %add3A_95 : i32
    %dma_wait3A_97 = arith.constant 0 : i32
    %dma_wait3A_98 = arith.constant 0 : i32
    %dma_wait3A_99 = tpu.memref_slice %arg4[%add3A_96, %dma_wait3A_97, %dma_wait3A_98] : memref<2560x1x125xi32, #tpu.memory_space<hbm>> -> memref<1x1x125xi32, #tpu.memory_space<hbm>>
    %dma_wait3A_100 = tpu.memref_squeeze %dma_wait3A_99 : memref<1x1x125xi32, #tpu.memory_space<hbm>> -> memref<1x125xi32, #tpu.memory_space<hbm>>
    %dma_wait3A_101 = arith.constant 0 : i32
    %dma_wait3A_102 = arith.constant 0 : i32
    %dma_wait3A_103 = tpu.memref_slice %arg4[%add3A_96, %dma_wait3A_101, %dma_wait3A_102] : memref<2560x1x125xi32, #tpu.memory_space<hbm>> -> memref<1x1x125xi32, #tpu.memory_space<hbm>>
    %dma_wait3A_104 = tpu.memref_squeeze %dma_wait3A_103 : memref<1x1x125xi32, #tpu.memory_space<hbm>> -> memref<1x125xi32, #tpu.memory_space<hbm>>
    tpu.wait_dma2 semaphore(%arg24 : memref<!tpu.dma_semaphore, #tpu.memory_space<semaphore_mem>>) src(%dma_wait3A_104 : memref<1x125xi32, #tpu.memory_space<hbm>>) dst(%arg14 : memref<1x125xi32, #tpu.memory_space<vmem>>)
    %dma_start3A_105 = arith.constant 0 : i32
    %dma_start3A_106 = arith.constant 0 : i32
    %dma_start3A_107 = tpu.memref_slice %arg10[%dma_start3A_105, %dma_start3A_106] : memref<1x125xi32, #tpu.memory_space<vmem>> -> memref<1x125xi32, #tpu.memory_space<vmem>>
    %dma_start3A_108 = tpu.memref_squeeze %dma_start3A_107 : memref<1x125xi32, #tpu.memory_space<vmem>> -> memref<125xi32, #tpu.memory_space<vmem>>
    %dma_start3A_109 = arith.constant 0 : i32
    %dma_start3A_110 = arith.constant 0 : i32
    %dma_start3A_111 = tpu.memref_slice %arg2[%dma_start3A_109, %dma_start3A_110] : memref<10000x128xf32, #tpu.memory_space<hbm>> -> memref<10000x128xf32, #tpu.memory_space<hbm>>
    tpu.enqueue_indirect_dma source(%dma_start3A_111 : memref<10000x128xf32, #tpu.memory_space<hbm>>) target(%arg18 : memref<125x128xf32, #tpu.memory_space<vmem>>) offsets(%dma_start3A_108 : memref<125xi32, #tpu.memory_space<vmem>>) semaphore(%arg20 : memref<!tpu.dma_semaphore, #tpu.memory_space<semaphore_mem>>)
    %add3A_112 = arith.constant 1 : i32
    %add3A_113 = arith.addi %mul3A_2, %add3A_112 : i32
    %dma_wait3A_114 = arith.constant 0 : i32
    %dma_wait3A_115 = arith.constant 0 : i32
    %dma_wait3A_116 = tpu.memref_slice %arg3[%add3A_113, %dma_wait3A_114, %dma_wait3A_115] : memref<2560x1x125xi32, #tpu.memory_space<hbm>> -> memref<1x1x125xi32, #tpu.memory_space<hbm>>
    %dma_wait3A_117 = tpu.memref_squeeze %dma_wait3A_116 : memref<1x1x125xi32, #tpu.memory_space<hbm>> -> memref<1x125xi32, #tpu.memory_space<hbm>>
    %dma_wait3A_118 = arith.constant 0 : i32
    %dma_wait3A_119 = arith.constant 0 : i32
    %dma_wait3A_120 = tpu.memref_slice %arg3[%add3A_113, %dma_wait3A_118, %dma_wait3A_119] : memref<2560x1x125xi32, #tpu.memory_space<hbm>> -> memref<1x1x125xi32, #tpu.memory_space<hbm>>
    %dma_wait3A_121 = tpu.memref_squeeze %dma_wait3A_120 : memref<1x1x125xi32, #tpu.memory_space<hbm>> -> memref<1x125xi32, #tpu.memory_space<hbm>>
    tpu.wait_dma2 semaphore(%arg25 : memref<!tpu.dma_semaphore, #tpu.memory_space<semaphore_mem>>) src(%dma_wait3A_121 : memref<1x125xi32, #tpu.memory_space<hbm>>) dst(%arg11 : memref<1x125xi32, #tpu.memory_space<vmem>>)
    %add3A_122 = arith.constant 1 : i32
    %add3A_123 = arith.addi %mul3A_2, %add3A_122 : i32
    %dma_wait3A_124 = arith.constant 0 : i32
    %dma_wait3A_125 = arith.constant 0 : i32
    %dma_wait3A_126 = tpu.memref_slice %arg4[%add3A_123, %dma_wait3A_124, %dma_wait3A_125] : memref<2560x1x125xi32, #tpu.memory_space<hbm>> -> memref<1x1x125xi32, #tpu.memory_space<hbm>>
    %dma_wait3A_127 = tpu.memref_squeeze %dma_wait3A_126 : memref<1x1x125xi32, #tpu.memory_space<hbm>> -> memref<1x125xi32, #tpu.memory_space<hbm>>
    %dma_wait3A_128 = arith.constant 0 : i32
    %dma_wait3A_129 = arith.constant 0 : i32
    %dma_wait3A_130 = tpu.memref_slice %arg4[%add3A_123, %dma_wait3A_128, %dma_wait3A_129] : memref<2560x1x125xi32, #tpu.memory_space<hbm>> -> memref<1x1x125xi32, #tpu.memory_space<hbm>>
    %dma_wait3A_131 = tpu.memref_squeeze %dma_wait3A_130 : memref<1x1x125xi32, #tpu.memory_space<hbm>> -> memref<1x125xi32, #tpu.memory_space<hbm>>
    tpu.wait_dma2 semaphore(%arg25 : memref<!tpu.dma_semaphore, #tpu.memory_space<semaphore_mem>>) src(%dma_wait3A_131 : memref<1x125xi32, #tpu.memory_space<hbm>>) dst(%arg15 : memref<1x125xi32, #tpu.memory_space<vmem>>)
    %dma_start3A_132 = arith.constant 0 : i32
    %dma_start3A_133 = arith.constant 0 : i32
    %dma_start3A_134 = tpu.memref_slice %arg11[%dma_start3A_132, %dma_start3A_133] : memref<1x125xi32, #tpu.memory_space<vmem>> -> memref<1x125xi32, #tpu.memory_space<vmem>>
    %dma_start3A_135 = tpu.memref_squeeze %dma_start3A_134 : memref<1x125xi32, #tpu.memory_space<vmem>> -> memref<125xi32, #tpu.memory_space<vmem>>
    %dma_start3A_136 = arith.constant 0 : i32
    %dma_start3A_137 = arith.constant 0 : i32
    %dma_start3A_138 = tpu.memref_slice %arg2[%dma_start3A_136, %dma_start3A_137] : memref<10000x128xf32, #tpu.memory_space<hbm>> -> memref<10000x128xf32, #tpu.memory_space<hbm>>
    tpu.enqueue_indirect_dma source(%dma_start3A_138 : memref<10000x128xf32, #tpu.memory_space<hbm>>) target(%arg19 : memref<125x128xf32, #tpu.memory_space<vmem>>) offsets(%dma_start3A_135 : memref<125xi32, #tpu.memory_space<vmem>>) semaphore(%arg21 : memref<!tpu.dma_semaphore, #tpu.memory_space<semaphore_mem>>)
    %scan3A = arith.constant 0 : i32
    %scan3A_139 = arith.constant 0 : i32
    %scan3A_140 = arith.constant 20 : i32
    %scan3A_141 = arith.addi %scan3A_139, %scan3A_140 : i32
    %scan3A_142 = arith.constant 1 : i32
    scf.for %scan3A_186 = %scan3A_139 to %scan3A_141 step %scan3A_142  : i32 {
      %mul3A_187 = arith.constant 4 : i32
      %mul3A_188 = arith.muli %mul3A_187, %scan3A_186 : i32
      %add3A_189 = arith.constant 0 : i32
      %add3A_190 = arith.addi %mul3A_188, %add3A_189 : i32
      %dma_wait3A_191 = arith.constant 0 : i32
      %dma_wait3A_192 = arith.constant 0 : i32
      %dma_wait3A_193 = tpu.memref_slice %arg10[%dma_wait3A_191, %dma_wait3A_192] : memref<1x125xi32, #tpu.memory_space<vmem>> -> memref<1x125xi32, #tpu.memory_space<vmem>>
      %dma_wait3A_194 = tpu.memref_squeeze %dma_wait3A_193 : memref<1x125xi32, #tpu.memory_space<vmem>> -> memref<125xi32, #tpu.memory_space<vmem>>
      %dma_wait3A_195 = arith.constant 0 : i32
      %dma_wait3A_196 = arith.constant 0 : i32
      %dma_wait3A_197 = tpu.memref_slice %arg2[%dma_wait3A_195, %dma_wait3A_196] : memref<10000x128xf32, #tpu.memory_space<hbm>> -> memref<10000x128xf32, #tpu.memory_space<hbm>>
      tpu.wait_indirect_dma semaphore(%arg20 : memref<!tpu.dma_semaphore, #tpu.memory_space<semaphore_mem>>) src(%dma_wait3A_197 : memref<10000x128xf32, #tpu.memory_space<hbm>>) dst(%arg18 : memref<125x128xf32, #tpu.memory_space<vmem>>)
      %run_scoped3A = arith.constant 0 : i32
      "tpu.region"() ({
        %run_scoped3A_287 = tpu.sem_alloc : memref<!tpu.dma_semaphore, #tpu.memory_space<semaphore_mem>>
        %dma_start3A_288 = arith.constant 0 : i32
        %dma_start3A_289 = tpu.memref_slice %arg14[%run_scoped3A, %dma_start3A_288] : memref<1x125xi32, #tpu.memory_space<vmem>> -> memref<1x125xi32, #tpu.memory_space<vmem>>
        %dma_start3A_290 = tpu.memref_squeeze %dma_start3A_289 : memref<1x125xi32, #tpu.memory_space<vmem>> -> memref<125xi32, #tpu.memory_space<vmem>>
        %dma_start3A_291 = arith.constant 0 : i32
        %dma_start3A_292 = arith.constant 0 : i32
        %dma_start3A_293 = tpu.memref_slice %arg9[%dma_start3A_291, %dma_start3A_292] : memref<10240x128xf32, #tpu.memory_space<vmem_shared>> -> memref<10240x128xf32, #tpu.memory_space<vmem_shared>>
        tpu.enqueue_indirect_dma source(%arg18 : memref<125x128xf32, #tpu.memory_space<vmem>>) target(%dma_start3A_293 : memref<10240x128xf32, #tpu.memory_space<vmem_shared>>) offsets(%dma_start3A_290 : memref<125xi32, #tpu.memory_space<vmem>>) semaphore(%run_scoped3A_287 : memref<!tpu.dma_semaphore, #tpu.memory_space<semaphore_mem>>) {add = true}
        %dma_wait3A_294 = arith.constant 0 : i32
        %dma_wait3A_295 = tpu.memref_slice %arg14[%run_scoped3A, %dma_wait3A_294] : memref<1x125xi32, #tpu.memory_space<vmem>> -> memref<1x125xi32, #tpu.memory_space<vmem>>
        %dma_wait3A_296 = tpu.memref_squeeze %dma_wait3A_295 : memref<1x125xi32, #tpu.memory_space<vmem>> -> memref<125xi32, #tpu.memory_space<vmem>>
        %dma_wait3A_297 = arith.constant 0 : i32
        %dma_wait3A_298 = arith.constant 0 : i32
        %dma_wait3A_299 = tpu.memref_slice %arg9[%dma_wait3A_297, %dma_wait3A_298] : memref<10240x128xf32, #tpu.memory_space<vmem_shared>> -> memref<10240x128xf32, #tpu.memory_space<vmem_shared>>
        tpu.wait_indirect_dma semaphore(%run_scoped3A_287 : memref<!tpu.dma_semaphore, #tpu.memory_space<semaphore_mem>>) src(%arg18 : memref<125x128xf32, #tpu.memory_space<vmem>>) dst(%dma_wait3A_299 : memref<10240x128xf32, #tpu.memory_space<vmem_shared>>)
        tpu.yield
      }) : () -> ()
      %add3A_198 = arith.constant 4 : i32
      %add3A_199 = arith.addi %add3A_190, %add3A_198 : i32
      %lt3A = arith.constant 80 : i32
      %lt3A_200 = arith.cmpi slt, %add3A_199, %lt3A : i32
      %convert_element_type3A = arith.extui %lt3A_200 : i1 to i32
      %cond3A = arith.constant 0 : i32
      %cond3A_201 = arith.cmpi ne, %convert_element_type3A, %cond3A : i32
      scf.if %cond3A_201 {
        %add3A_287 = arith.addi %mul3A_2, %add3A_190 : i32
        %add3A_288 = arith.constant 4 : i32
        %add3A_289 = arith.addi %add3A_287, %add3A_288 : i32
        %dma_start3A_290 = arith.constant 0 : i32
        %dma_start3A_291 = arith.constant 0 : i32
        %dma_start3A_292 = tpu.memref_slice %arg3[%add3A_289, %dma_start3A_290, %dma_start3A_291] : memref<2560x1x125xi32, #tpu.memory_space<hbm>> -> memref<1x1x125xi32, #tpu.memory_space<hbm>>
        %dma_start3A_293 = tpu.memref_squeeze %dma_start3A_292 : memref<1x1x125xi32, #tpu.memory_space<hbm>> -> memref<1x125xi32, #tpu.memory_space<hbm>>
        %dma_start3A_294 = arith.constant 0 : i32
        %dma_start3A_295 = arith.constant 0 : i32
        %dma_start3A_296 = tpu.memref_slice %arg3[%add3A_289, %dma_start3A_294, %dma_start3A_295] : memref<2560x1x125xi32, #tpu.memory_space<hbm>> -> memref<1x1x125xi32, #tpu.memory_space<hbm>>
        %dma_start3A_297 = tpu.memref_squeeze %dma_start3A_296 : memref<1x1x125xi32, #tpu.memory_space<hbm>> -> memref<1x125xi32, #tpu.memory_space<hbm>>
        tpu.enqueue_dma source(%dma_start3A_297 : memref<1x125xi32, #tpu.memory_space<hbm>>) target(%arg10 : memref<1x125xi32, #tpu.memory_space<vmem>>) target_semaphore(%arg24 : memref<!tpu.dma_semaphore, #tpu.memory_space<semaphore_mem>>)
        %add3A_298 = arith.addi %mul3A_2, %add3A_190 : i32
        %add3A_299 = arith.constant 4 : i32
        %add3A_300 = arith.addi %add3A_298, %add3A_299 : i32
        %dma_start3A_301 = arith.constant 0 : i32
        %dma_start3A_302 = arith.constant 0 : i32
        %dma_start3A_303 = tpu.memref_slice %arg4[%add3A_300, %dma_start3A_301, %dma_start3A_302] : memref<2560x1x125xi32, #tpu.memory_space<hbm>> -> memref<1x1x125xi32, #tpu.memory_space<hbm>>
        %dma_start3A_304 = tpu.memref_squeeze %dma_start3A_303 : memref<1x1x125xi32, #tpu.memory_space<hbm>> -> memref<1x125xi32, #tpu.memory_space<hbm>>
        %dma_start3A_305 = arith.constant 0 : i32
        %dma_start3A_306 = arith.constant 0 : i32
        %dma_start3A_307 = tpu.memref_slice %arg4[%add3A_300, %dma_start3A_305, %dma_start3A_306] : memref<2560x1x125xi32, #tpu.memory_space<hbm>> -> memref<1x1x125xi32, #tpu.memory_space<hbm>>
        %dma_start3A_308 = tpu.memref_squeeze %dma_start3A_307 : memref<1x1x125xi32, #tpu.memory_space<hbm>> -> memref<1x125xi32, #tpu.memory_space<hbm>>
        tpu.enqueue_dma source(%dma_start3A_308 : memref<1x125xi32, #tpu.memory_space<hbm>>) target(%arg14 : memref<1x125xi32, #tpu.memory_space<vmem>>) target_semaphore(%arg24 : memref<!tpu.dma_semaphore, #tpu.memory_space<semaphore_mem>>)
      } else {
      }
      %add3A_202 = arith.constant 2 : i32
      %add3A_203 = arith.addi %add3A_190, %add3A_202 : i32
      %lt3A_204 = arith.constant 80 : i32
      %lt3A_205 = arith.cmpi slt, %add3A_203, %lt3A_204 : i32
      %convert_element_type3A_206 = arith.extui %lt3A_205 : i1 to i32
      %cond3A_207 = arith.constant 0 : i32
      %cond3A_208 = arith.cmpi ne, %convert_element_type3A_206, %cond3A_207 : i32
      scf.if %cond3A_208 {
        %add3A_287 = arith.addi %mul3A_2, %add3A_190 : i32
        %add3A_288 = arith.constant 2 : i32
        %add3A_289 = arith.addi %add3A_287, %add3A_288 : i32
        %dma_wait3A_290 = arith.constant 0 : i32
        %dma_wait3A_291 = arith.constant 0 : i32
        %dma_wait3A_292 = tpu.memref_slice %arg3[%add3A_289, %dma_wait3A_290, %dma_wait3A_291] : memref<2560x1x125xi32, #tpu.memory_space<hbm>> -> memref<1x1x125xi32, #tpu.memory_space<hbm>>
        %dma_wait3A_293 = tpu.memref_squeeze %dma_wait3A_292 : memref<1x1x125xi32, #tpu.memory_space<hbm>> -> memref<1x125xi32, #tpu.memory_space<hbm>>
        %dma_wait3A_294 = arith.constant 0 : i32
        %dma_wait3A_295 = arith.constant 0 : i32
        %dma_wait3A_296 = tpu.memref_slice %arg3[%add3A_289, %dma_wait3A_294, %dma_wait3A_295] : memref<2560x1x125xi32, #tpu.memory_space<hbm>> -> memref<1x1x125xi32, #tpu.memory_space<hbm>>
        %dma_wait3A_297 = tpu.memref_squeeze %dma_wait3A_296 : memref<1x1x125xi32, #tpu.memory_space<hbm>> -> memref<1x125xi32, #tpu.memory_space<hbm>>
        tpu.wait_dma2 semaphore(%arg26 : memref<!tpu.dma_semaphore, #tpu.memory_space<semaphore_mem>>) src(%dma_wait3A_297 : memref<1x125xi32, #tpu.memory_space<hbm>>) dst(%arg12 : memref<1x125xi32, #tpu.memory_space<vmem>>)
        %add3A_298 = arith.addi %mul3A_2, %add3A_190 : i32
        %add3A_299 = arith.constant 2 : i32
        %add3A_300 = arith.addi %add3A_298, %add3A_299 : i32
        %dma_wait3A_301 = arith.constant 0 : i32
        %dma_wait3A_302 = arith.constant 0 : i32
        %dma_wait3A_303 = tpu.memref_slice %arg4[%add3A_300, %dma_wait3A_301, %dma_wait3A_302] : memref<2560x1x125xi32, #tpu.memory_space<hbm>> -> memref<1x1x125xi32, #tpu.memory_space<hbm>>
        %dma_wait3A_304 = tpu.memref_squeeze %dma_wait3A_303 : memref<1x1x125xi32, #tpu.memory_space<hbm>> -> memref<1x125xi32, #tpu.memory_space<hbm>>
        %dma_wait3A_305 = arith.constant 0 : i32
        %dma_wait3A_306 = arith.constant 0 : i32
        %dma_wait3A_307 = tpu.memref_slice %arg4[%add3A_300, %dma_wait3A_305, %dma_wait3A_306] : memref<2560x1x125xi32, #tpu.memory_space<hbm>> -> memref<1x1x125xi32, #tpu.memory_space<hbm>>
        %dma_wait3A_308 = tpu.memref_squeeze %dma_wait3A_307 : memref<1x1x125xi32, #tpu.memory_space<hbm>> -> memref<1x125xi32, #tpu.memory_space<hbm>>
        tpu.wait_dma2 semaphore(%arg26 : memref<!tpu.dma_semaphore, #tpu.memory_space<semaphore_mem>>) src(%dma_wait3A_308 : memref<1x125xi32, #tpu.memory_space<hbm>>) dst(%arg16 : memref<1x125xi32, #tpu.memory_space<vmem>>)
        %dma_start3A_309 = arith.constant 0 : i32
        %dma_start3A_310 = arith.constant 0 : i32
        %dma_start3A_311 = tpu.memref_slice %arg12[%dma_start3A_309, %dma_start3A_310] : memref<1x125xi32, #tpu.memory_space<vmem>> -> memref<1x125xi32, #tpu.memory_space<vmem>>
        %dma_start3A_312 = tpu.memref_squeeze %dma_start3A_311 : memref<1x125xi32, #tpu.memory_space<vmem>> -> memref<125xi32, #tpu.memory_space<vmem>>
        %dma_start3A_313 = arith.constant 0 : i32
        %dma_start3A_314 = arith.constant 0 : i32
        %dma_start3A_315 = tpu.memref_slice %arg2[%dma_start3A_313, %dma_start3A_314] : memref<10000x128xf32, #tpu.memory_space<hbm>> -> memref<10000x128xf32, #tpu.memory_space<hbm>>
        tpu.enqueue_indirect_dma source(%dma_start3A_315 : memref<10000x128xf32, #tpu.memory_space<hbm>>) target(%arg18 : memref<125x128xf32, #tpu.memory_space<vmem>>) offsets(%dma_start3A_312 : memref<125xi32, #tpu.memory_space<vmem>>) semaphore(%arg20 : memref<!tpu.dma_semaphore, #tpu.memory_space<semaphore_mem>>)
      } else {
      }
      %mul3A_209 = arith.constant 4 : i32
      %mul3A_210 = arith.muli %mul3A_209, %scan3A_186 : i32
      %add3A_211 = arith.constant 1 : i32
      %add3A_212 = arith.addi %mul3A_210, %add3A_211 : i32
      %dma_wait3A_213 = arith.constant 0 : i32
      %dma_wait3A_214 = arith.constant 0 : i32
      %dma_wait3A_215 = tpu.memref_slice %arg11[%dma_wait3A_213, %dma_wait3A_214] : memref<1x125xi32, #tpu.memory_space<vmem>> -> memref<1x125xi32, #tpu.memory_space<vmem>>
      %dma_wait3A_216 = tpu.memref_squeeze %dma_wait3A_215 : memref<1x125xi32, #tpu.memory_space<vmem>> -> memref<125xi32, #tpu.memory_space<vmem>>
      %dma_wait3A_217 = arith.constant 0 : i32
      %dma_wait3A_218 = arith.constant 0 : i32
      %dma_wait3A_219 = tpu.memref_slice %arg2[%dma_wait3A_217, %dma_wait3A_218] : memref<10000x128xf32, #tpu.memory_space<hbm>> -> memref<10000x128xf32, #tpu.memory_space<hbm>>
      tpu.wait_indirect_dma semaphore(%arg21 : memref<!tpu.dma_semaphore, #tpu.memory_space<semaphore_mem>>) src(%dma_wait3A_219 : memref<10000x128xf32, #tpu.memory_space<hbm>>) dst(%arg19 : memref<125x128xf32, #tpu.memory_space<vmem>>)
      %run_scoped3A_220 = arith.constant 0 : i32
      "tpu.region"() ({
        %run_scoped3A_287 = tpu.sem_alloc : memref<!tpu.dma_semaphore, #tpu.memory_space<semaphore_mem>>
        %dma_start3A_288 = arith.constant 0 : i32
        %dma_start3A_289 = tpu.memref_slice %arg15[%run_scoped3A_220, %dma_start3A_288] : memref<1x125xi32, #tpu.memory_space<vmem>> -> memref<1x125xi32, #tpu.memory_space<vmem>>
        %dma_start3A_290 = tpu.memref_squeeze %dma_start3A_289 : memref<1x125xi32, #tpu.memory_space<vmem>> -> memref<125xi32, #tpu.memory_space<vmem>>
        %dma_start3A_291 = arith.constant 0 : i32
        %dma_start3A_292 = arith.constant 0 : i32
        %dma_start3A_293 = tpu.memref_slice %arg9[%dma_start3A_291, %dma_start3A_292] : memref<10240x128xf32, #tpu.memory_space<vmem_shared>> -> memref<10240x128xf32, #tpu.memory_space<vmem_shared>>
        tpu.enqueue_indirect_dma source(%arg19 : memref<125x128xf32, #tpu.memory_space<vmem>>) target(%dma_start3A_293 : memref<10240x128xf32, #tpu.memory_space<vmem_shared>>) offsets(%dma_start3A_290 : memref<125xi32, #tpu.memory_space<vmem>>) semaphore(%run_scoped3A_287 : memref<!tpu.dma_semaphore, #tpu.memory_space<semaphore_mem>>) {add = true}
        %dma_wait3A_294 = arith.constant 0 : i32
        %dma_wait3A_295 = tpu.memref_slice %arg15[%run_scoped3A_220, %dma_wait3A_294] : memref<1x125xi32, #tpu.memory_space<vmem>> -> memref<1x125xi32, #tpu.memory_space<vmem>>
        %dma_wait3A_296 = tpu.memref_squeeze %dma_wait3A_295 : memref<1x125xi32, #tpu.memory_space<vmem>> -> memref<125xi32, #tpu.memory_space<vmem>>
        %dma_wait3A_297 = arith.constant 0 : i32
        %dma_wait3A_298 = arith.constant 0 : i32
        %dma_wait3A_299 = tpu.memref_slice %arg9[%dma_wait3A_297, %dma_wait3A_298] : memref<10240x128xf32, #tpu.memory_space<vmem_shared>> -> memref<10240x128xf32, #tpu.memory_space<vmem_shared>>
        tpu.wait_indirect_dma semaphore(%run_scoped3A_287 : memref<!tpu.dma_semaphore, #tpu.memory_space<semaphore_mem>>) src(%arg19 : memref<125x128xf32, #tpu.memory_space<vmem>>) dst(%dma_wait3A_299 : memref<10240x128xf32, #tpu.memory_space<vmem_shared>>)
        tpu.yield
      }) : () -> ()
      %add3A_221 = arith.constant 4 : i32
      %add3A_222 = arith.addi %add3A_212, %add3A_221 : i32
      %lt3A_223 = arith.constant 80 : i32
      %lt3A_224 = arith.cmpi slt, %add3A_222, %lt3A_223 : i32
      %convert_element_type3A_225 = arith.extui %lt3A_224 : i1 to i32
      %cond3A_226 = arith.constant 0 : i32
      %cond3A_227 = arith.cmpi ne, %convert_element_type3A_225, %cond3A_226 : i32
      scf.if %cond3A_227 {
        %add3A_287 = arith.addi %mul3A_2, %add3A_212 : i32
        %add3A_288 = arith.constant 4 : i32
        %add3A_289 = arith.addi %add3A_287, %add3A_288 : i32
        %dma_start3A_290 = arith.constant 0 : i32
        %dma_start3A_291 = arith.constant 0 : i32
        %dma_start3A_292 = tpu.memref_slice %arg3[%add3A_289, %dma_start3A_290, %dma_start3A_291] : memref<2560x1x125xi32, #tpu.memory_space<hbm>> -> memref<1x1x125xi32, #tpu.memory_space<hbm>>
        %dma_start3A_293 = tpu.memref_squeeze %dma_start3A_292 : memref<1x1x125xi32, #tpu.memory_space<hbm>> -> memref<1x125xi32, #tpu.memory_space<hbm>>
        %dma_start3A_294 = arith.constant 0 : i32
        %dma_start3A_295 = arith.constant 0 : i32
        %dma_start3A_296 = tpu.memref_slice %arg3[%add3A_289, %dma_start3A_294, %dma_start3A_295] : memref<2560x1x125xi32, #tpu.memory_space<hbm>> -> memref<1x1x125xi32, #tpu.memory_space<hbm>>
        %dma_start3A_297 = tpu.memref_squeeze %dma_start3A_296 : memref<1x1x125xi32, #tpu.memory_space<hbm>> -> memref<1x125xi32, #tpu.memory_space<hbm>>
        tpu.enqueue_dma source(%dma_start3A_297 : memref<1x125xi32, #tpu.memory_space<hbm>>) target(%arg11 : memref<1x125xi32, #tpu.memory_space<vmem>>) target_semaphore(%arg25 : memref<!tpu.dma_semaphore, #tpu.memory_space<semaphore_mem>>)
        %add3A_298 = arith.addi %mul3A_2, %add3A_212 : i32
        %add3A_299 = arith.constant 4 : i32
        %add3A_300 = arith.addi %add3A_298, %add3A_299 : i32
        %dma_start3A_301 = arith.constant 0 : i32
        %dma_start3A_302 = arith.constant 0 : i32
        %dma_start3A_303 = tpu.memref_slice %arg4[%add3A_300, %dma_start3A_301, %dma_start3A_302] : memref<2560x1x125xi32, #tpu.memory_space<hbm>> -> memref<1x1x125xi32, #tpu.memory_space<hbm>>
        %dma_start3A_304 = tpu.memref_squeeze %dma_start3A_303 : memref<1x1x125xi32, #tpu.memory_space<hbm>> -> memref<1x125xi32, #tpu.memory_space<hbm>>
        %dma_start3A_305 = arith.constant 0 : i32
        %dma_start3A_306 = arith.constant 0 : i32
        %dma_start3A_307 = tpu.memref_slice %arg4[%add3A_300, %dma_start3A_305, %dma_start3A_306] : memref<2560x1x125xi32, #tpu.memory_space<hbm>> -> memref<1x1x125xi32, #tpu.memory_space<hbm>>
        %dma_start3A_308 = tpu.memref_squeeze %dma_start3A_307 : memref<1x1x125xi32, #tpu.memory_space<hbm>> -> memref<1x125xi32, #tpu.memory_space<hbm>>
        tpu.enqueue_dma source(%dma_start3A_308 : memref<1x125xi32, #tpu.memory_space<hbm>>) target(%arg15 : memref<1x125xi32, #tpu.memory_space<vmem>>) target_semaphore(%arg25 : memref<!tpu.dma_semaphore, #tpu.memory_space<semaphore_mem>>)
      } else {
      }
      %add3A_228 = arith.constant 2 : i32
      %add3A_229 = arith.addi %add3A_212, %add3A_228 : i32
      %lt3A_230 = arith.constant 80 : i32
      %lt3A_231 = arith.cmpi slt, %add3A_229, %lt3A_230 : i32
      %convert_element_type3A_232 = arith.extui %lt3A_231 : i1 to i32
      %cond3A_233 = arith.constant 0 : i32
      %cond3A_234 = arith.cmpi ne, %convert_element_type3A_232, %cond3A_233 : i32
      scf.if %cond3A_234 {
        %add3A_287 = arith.addi %mul3A_2, %add3A_212 : i32
        %add3A_288 = arith.constant 2 : i32
        %add3A_289 = arith.addi %add3A_287, %add3A_288 : i32
        %dma_wait3A_290 = arith.constant 0 : i32
        %dma_wait3A_291 = arith.constant 0 : i32
        %dma_wait3A_292 = tpu.memref_slice %arg3[%add3A_289, %dma_wait3A_290, %dma_wait3A_291] : memref<2560x1x125xi32, #tpu.memory_space<hbm>> -> memref<1x1x125xi32, #tpu.memory_space<hbm>>
        %dma_wait3A_293 = tpu.memref_squeeze %dma_wait3A_292 : memref<1x1x125xi32, #tpu.memory_space<hbm>> -> memref<1x125xi32, #tpu.memory_space<hbm>>
        %dma_wait3A_294 = arith.constant 0 : i32
        %dma_wait3A_295 = arith.constant 0 : i32
        %dma_wait3A_296 = tpu.memref_slice %arg3[%add3A_289, %dma_wait3A_294, %dma_wait3A_295] : memref<2560x1x125xi32, #tpu.memory_space<hbm>> -> memref<1x1x125xi32, #tpu.memory_space<hbm>>
        %dma_wait3A_297 = tpu.memref_squeeze %dma_wait3A_296 : memref<1x1x125xi32, #tpu.memory_space<hbm>> -> memref<1x125xi32, #tpu.memory_space<hbm>>
        tpu.wait_dma2 semaphore(%arg27 : memref<!tpu.dma_semaphore, #tpu.memory_space<semaphore_mem>>) src(%dma_wait3A_297 : memref<1x125xi32, #tpu.memory_space<hbm>>) dst(%arg13 : memref<1x125xi32, #tpu.memory_space<vmem>>)
        %add3A_298 = arith.addi %mul3A_2, %add3A_212 : i32
        %add3A_299 = arith.constant 2 : i32
        %add3A_300 = arith.addi %add3A_298, %add3A_299 : i32
        %dma_wait3A_301 = arith.constant 0 : i32
        %dma_wait3A_302 = arith.constant 0 : i32
        %dma_wait3A_303 = tpu.memref_slice %arg4[%add3A_300, %dma_wait3A_301, %dma_wait3A_302] : memref<2560x1x125xi32, #tpu.memory_space<hbm>> -> memref<1x1x125xi32, #tpu.memory_space<hbm>>
        %dma_wait3A_304 = tpu.memref_squeeze %dma_wait3A_303 : memref<1x1x125xi32, #tpu.memory_space<hbm>> -> memref<1x125xi32, #tpu.memory_space<hbm>>
        %dma_wait3A_305 = arith.constant 0 : i32
        %dma_wait3A_306 = arith.constant 0 : i32
        %dma_wait3A_307 = tpu.memref_slice %arg4[%add3A_300, %dma_wait3A_305, %dma_wait3A_306] : memref<2560x1x125xi32, #tpu.memory_space<hbm>> -> memref<1x1x125xi32, #tpu.memory_space<hbm>>
        %dma_wait3A_308 = tpu.memref_squeeze %dma_wait3A_307 : memref<1x1x125xi32, #tpu.memory_space<hbm>> -> memref<1x125xi32, #tpu.memory_space<hbm>>
        tpu.wait_dma2 semaphore(%arg27 : memref<!tpu.dma_semaphore, #tpu.memory_space<semaphore_mem>>) src(%dma_wait3A_308 : memref<1x125xi32, #tpu.memory_space<hbm>>) dst(%arg17 : memref<1x125xi32, #tpu.memory_space<vmem>>)
        %dma_start3A_309 = arith.constant 0 : i32
        %dma_start3A_310 = arith.constant 0 : i32
        %dma_start3A_311 = tpu.memref_slice %arg13[%dma_start3A_309, %dma_start3A_310] : memref<1x125xi32, #tpu.memory_space<vmem>> -> memref<1x125xi32, #tpu.memory_space<vmem>>
        %dma_start3A_312 = tpu.memref_squeeze %dma_start3A_311 : memref<1x125xi32, #tpu.memory_space<vmem>> -> memref<125xi32, #tpu.memory_space<vmem>>
        %dma_start3A_313 = arith.constant 0 : i32
        %dma_start3A_314 = arith.constant 0 : i32
        %dma_start3A_315 = tpu.memref_slice %arg2[%dma_start3A_313, %dma_start3A_314] : memref<10000x128xf32, #tpu.memory_space<hbm>> -> memref<10000x128xf32, #tpu.memory_space<hbm>>
        tpu.enqueue_indirect_dma source(%dma_start3A_315 : memref<10000x128xf32, #tpu.memory_space<hbm>>) target(%arg19 : memref<125x128xf32, #tpu.memory_space<vmem>>) offsets(%dma_start3A_312 : memref<125xi32, #tpu.memory_space<vmem>>) semaphore(%arg21 : memref<!tpu.dma_semaphore, #tpu.memory_space<semaphore_mem>>)
      } else {
      }
      %mul3A_235 = arith.constant 4 : i32
      %mul3A_236 = arith.muli %mul3A_235, %scan3A_186 : i32
      %add3A_237 = arith.constant 2 : i32
      %add3A_238 = arith.addi %mul3A_236, %add3A_237 : i32
      %dma_wait3A_239 = arith.constant 0 : i32
      %dma_wait3A_240 = arith.constant 0 : i32
      %dma_wait3A_241 = tpu.memref_slice %arg12[%dma_wait3A_239, %dma_wait3A_240] : memref<1x125xi32, #tpu.memory_space<vmem>> -> memref<1x125xi32, #tpu.memory_space<vmem>>
      %dma_wait3A_242 = tpu.memref_squeeze %dma_wait3A_241 : memref<1x125xi32, #tpu.memory_space<vmem>> -> memref<125xi32, #tpu.memory_space<vmem>>
      %dma_wait3A_243 = arith.constant 0 : i32
      %dma_wait3A_244 = arith.constant 0 : i32
      %dma_wait3A_245 = tpu.memref_slice %arg2[%dma_wait3A_243, %dma_wait3A_244] : memref<10000x128xf32, #tpu.memory_space<hbm>> -> memref<10000x128xf32, #tpu.memory_space<hbm>>
      tpu.wait_indirect_dma semaphore(%arg20 : memref<!tpu.dma_semaphore, #tpu.memory_space<semaphore_mem>>) src(%dma_wait3A_245 : memref<10000x128xf32, #tpu.memory_space<hbm>>) dst(%arg18 : memref<125x128xf32, #tpu.memory_space<vmem>>)
      %run_scoped3A_246 = arith.constant 0 : i32
      "tpu.region"() ({
        %run_scoped3A_287 = tpu.sem_alloc : memref<!tpu.dma_semaphore, #tpu.memory_space<semaphore_mem>>
        %dma_start3A_288 = arith.constant 0 : i32
        %dma_start3A_289 = tpu.memref_slice %arg16[%run_scoped3A_246, %dma_start3A_288] : memref<1x125xi32, #tpu.memory_space<vmem>> -> memref<1x125xi32, #tpu.memory_space<vmem>>
        %dma_start3A_290 = tpu.memref_squeeze %dma_start3A_289 : memref<1x125xi32, #tpu.memory_space<vmem>> -> memref<125xi32, #tpu.memory_space<vmem>>
        %dma_start3A_291 = arith.constant 0 : i32
        %dma_start3A_292 = arith.constant 0 : i32
        %dma_start3A_293 = tpu.memref_slice %arg9[%dma_start3A_291, %dma_start3A_292] : memref<10240x128xf32, #tpu.memory_space<vmem_shared>> -> memref<10240x128xf32, #tpu.memory_space<vmem_shared>>
        tpu.enqueue_indirect_dma source(%arg18 : memref<125x128xf32, #tpu.memory_space<vmem>>) target(%dma_start3A_293 : memref<10240x128xf32, #tpu.memory_space<vmem_shared>>) offsets(%dma_start3A_290 : memref<125xi32, #tpu.memory_space<vmem>>) semaphore(%run_scoped3A_287 : memref<!tpu.dma_semaphore, #tpu.memory_space<semaphore_mem>>) {add = true}
        %dma_wait3A_294 = arith.constant 0 : i32
        %dma_wait3A_295 = tpu.memref_slice %arg16[%run_scoped3A_246, %dma_wait3A_294] : memref<1x125xi32, #tpu.memory_space<vmem>> -> memref<1x125xi32, #tpu.memory_space<vmem>>
        %dma_wait3A_296 = tpu.memref_squeeze %dma_wait3A_295 : memref<1x125xi32, #tpu.memory_space<vmem>> -> memref<125xi32, #tpu.memory_space<vmem>>
        %dma_wait3A_297 = arith.constant 0 : i32
        %dma_wait3A_298 = arith.constant 0 : i32
        %dma_wait3A_299 = tpu.memref_slice %arg9[%dma_wait3A_297, %dma_wait3A_298] : memref<10240x128xf32, #tpu.memory_space<vmem_shared>> -> memref<10240x128xf32, #tpu.memory_space<vmem_shared>>
        tpu.wait_indirect_dma semaphore(%run_scoped3A_287 : memref<!tpu.dma_semaphore, #tpu.memory_space<semaphore_mem>>) src(%arg18 : memref<125x128xf32, #tpu.memory_space<vmem>>) dst(%dma_wait3A_299 : memref<10240x128xf32, #tpu.memory_space<vmem_shared>>)
        tpu.yield
      }) : () -> ()
      %add3A_247 = arith.constant 4 : i32
      %add3A_248 = arith.addi %add3A_238, %add3A_247 : i32
      %lt3A_249 = arith.constant 80 : i32
      %lt3A_250 = arith.cmpi slt, %add3A_248, %lt3A_249 : i32
      %convert_element_type3A_251 = arith.extui %lt3A_250 : i1 to i32
      %cond3A_252 = arith.constant 0 : i32
      %cond3A_253 = arith.cmpi ne, %convert_element_type3A_251, %cond3A_252 : i32
      scf.if %cond3A_253 {
        %add3A_287 = arith.addi %mul3A_2, %add3A_238 : i32
        %add3A_288 = arith.constant 4 : i32
        %add3A_289 = arith.addi %add3A_287, %add3A_288 : i32
        %dma_start3A_290 = arith.constant 0 : i32
        %dma_start3A_291 = arith.constant 0 : i32
        %dma_start3A_292 = tpu.memref_slice %arg3[%add3A_289, %dma_start3A_290, %dma_start3A_291] : memref<2560x1x125xi32, #tpu.memory_space<hbm>> -> memref<1x1x125xi32, #tpu.memory_space<hbm>>
        %dma_start3A_293 = tpu.memref_squeeze %dma_start3A_292 : memref<1x1x125xi32, #tpu.memory_space<hbm>> -> memref<1x125xi32, #tpu.memory_space<hbm>>
        %dma_start3A_294 = arith.constant 0 : i32
        %dma_start3A_295 = arith.constant 0 : i32
        %dma_start3A_296 = tpu.memref_slice %arg3[%add3A_289, %dma_start3A_294, %dma_start3A_295] : memref<2560x1x125xi32, #tpu.memory_space<hbm>> -> memref<1x1x125xi32, #tpu.memory_space<hbm>>
        %dma_start3A_297 = tpu.memref_squeeze %dma_start3A_296 : memref<1x1x125xi32, #tpu.memory_space<hbm>> -> memref<1x125xi32, #tpu.memory_space<hbm>>
        tpu.enqueue_dma source(%dma_start3A_297 : memref<1x125xi32, #tpu.memory_space<hbm>>) target(%arg12 : memref<1x125xi32, #tpu.memory_space<vmem>>) target_semaphore(%arg26 : memref<!tpu.dma_semaphore, #tpu.memory_space<semaphore_mem>>)
        %add3A_298 = arith.addi %mul3A_2, %add3A_238 : i32
        %add3A_299 = arith.constant 4 : i32
        %add3A_300 = arith.addi %add3A_298, %add3A_299 : i32
        %dma_start3A_301 = arith.constant 0 : i32
        %dma_start3A_302 = arith.constant 0 : i32
        %dma_start3A_303 = tpu.memref_slice %arg4[%add3A_300, %dma_start3A_301, %dma_start3A_302] : memref<2560x1x125xi32, #tpu.memory_space<hbm>> -> memref<1x1x125xi32, #tpu.memory_space<hbm>>
        %dma_start3A_304 = tpu.memref_squeeze %dma_start3A_303 : memref<1x1x125xi32, #tpu.memory_space<hbm>> -> memref<1x125xi32, #tpu.memory_space<hbm>>
        %dma_start3A_305 = arith.constant 0 : i32
        %dma_start3A_306 = arith.constant 0 : i32
        %dma_start3A_307 = tpu.memref_slice %arg4[%add3A_300, %dma_start3A_305, %dma_start3A_306] : memref<2560x1x125xi32, #tpu.memory_space<hbm>> -> memref<1x1x125xi32, #tpu.memory_space<hbm>>
        %dma_start3A_308 = tpu.memref_squeeze %dma_start3A_307 : memref<1x1x125xi32, #tpu.memory_space<hbm>> -> memref<1x125xi32, #tpu.memory_space<hbm>>
        tpu.enqueue_dma source(%dma_start3A_308 : memref<1x125xi32, #tpu.memory_space<hbm>>) target(%arg16 : memref<1x125xi32, #tpu.memory_space<vmem>>) target_semaphore(%arg26 : memref<!tpu.dma_semaphore, #tpu.memory_space<semaphore_mem>>)
      } else {
      }
      %add3A_254 = arith.constant 2 : i32
      %add3A_255 = arith.addi %add3A_238, %add3A_254 : i32
      %lt3A_256 = arith.constant 80 : i32
      %lt3A_257 = arith.cmpi slt, %add3A_255, %lt3A_256 : i32
      %convert_element_type3A_258 = arith.extui %lt3A_257 : i1 to i32
      %cond3A_259 = arith.constant 0 : i32
      %cond3A_260 = arith.cmpi ne, %convert_element_type3A_258, %cond3A_259 : i32
      scf.if %cond3A_260 {
        %add3A_287 = arith.addi %mul3A_2, %add3A_238 : i32
        %add3A_288 = arith.constant 2 : i32
        %add3A_289 = arith.addi %add3A_287, %add3A_288 : i32
        %dma_wait3A_290 = arith.constant 0 : i32
        %dma_wait3A_291 = arith.constant 0 : i32
        %dma_wait3A_292 = tpu.memref_slice %arg3[%add3A_289, %dma_wait3A_290, %dma_wait3A_291] : memref<2560x1x125xi32, #tpu.memory_space<hbm>> -> memref<1x1x125xi32, #tpu.memory_space<hbm>>
        %dma_wait3A_293 = tpu.memref_squeeze %dma_wait3A_292 : memref<1x1x125xi32, #tpu.memory_space<hbm>> -> memref<1x125xi32, #tpu.memory_space<hbm>>
        %dma_wait3A_294 = arith.constant 0 : i32
        %dma_wait3A_295 = arith.constant 0 : i32
        %dma_wait3A_296 = tpu.memref_slice %arg3[%add3A_289, %dma_wait3A_294, %dma_wait3A_295] : memref<2560x1x125xi32, #tpu.memory_space<hbm>> -> memref<1x1x125xi32, #tpu.memory_space<hbm>>
        %dma_wait3A_297 = tpu.memref_squeeze %dma_wait3A_296 : memref<1x1x125xi32, #tpu.memory_space<hbm>> -> memref<1x125xi32, #tpu.memory_space<hbm>>
        tpu.wait_dma2 semaphore(%arg24 : memref<!tpu.dma_semaphore, #tpu.memory_space<semaphore_mem>>) src(%dma_wait3A_297 : memref<1x125xi32, #tpu.memory_space<hbm>>) dst(%arg10 : memref<1x125xi32, #tpu.memory_space<vmem>>)
        %add3A_298 = arith.addi %mul3A_2, %add3A_238 : i32
        %add3A_299 = arith.constant 2 : i32
        %add3A_300 = arith.addi %add3A_298, %add3A_299 : i32
        %dma_wait3A_301 = arith.constant 0 : i32
        %dma_wait3A_302 = arith.constant 0 : i32
        %dma_wait3A_303 = tpu.memref_slice %arg4[%add3A_300, %dma_wait3A_301, %dma_wait3A_302] : memref<2560x1x125xi32, #tpu.memory_space<hbm>> -> memref<1x1x125xi32, #tpu.memory_space<hbm>>
        %dma_wait3A_304 = tpu.memref_squeeze %dma_wait3A_303 : memref<1x1x125xi32, #tpu.memory_space<hbm>> -> memref<1x125xi32, #tpu.memory_space<hbm>>
        %dma_wait3A_305 = arith.constant 0 : i32
        %dma_wait3A_306 = arith.constant 0 : i32
        %dma_wait3A_307 = tpu.memref_slice %arg4[%add3A_300, %dma_wait3A_305, %dma_wait3A_306] : memref<2560x1x125xi32, #tpu.memory_space<hbm>> -> memref<1x1x125xi32, #tpu.memory_space<hbm>>
        %dma_wait3A_308 = tpu.memref_squeeze %dma_wait3A_307 : memref<1x1x125xi32, #tpu.memory_space<hbm>> -> memref<1x125xi32, #tpu.memory_space<hbm>>
        tpu.wait_dma2 semaphore(%arg24 : memref<!tpu.dma_semaphore, #tpu.memory_space<semaphore_mem>>) src(%dma_wait3A_308 : memref<1x125xi32, #tpu.memory_space<hbm>>) dst(%arg14 : memref<1x125xi32, #tpu.memory_space<vmem>>)
        %dma_start3A_309 = arith.constant 0 : i32
        %dma_start3A_310 = arith.constant 0 : i32
        %dma_start3A_311 = tpu.memref_slice %arg10[%dma_start3A_309, %dma_start3A_310] : memref<1x125xi32, #tpu.memory_space<vmem>> -> memref<1x125xi32, #tpu.memory_space<vmem>>
        %dma_start3A_312 = tpu.memref_squeeze %dma_start3A_311 : memref<1x125xi32, #tpu.memory_space<vmem>> -> memref<125xi32, #tpu.memory_space<vmem>>
        %dma_start3A_313 = arith.constant 0 : i32
        %dma_start3A_314 = arith.constant 0 : i32
        %dma_start3A_315 = tpu.memref_slice %arg2[%dma_start3A_313, %dma_start3A_314] : memref<10000x128xf32, #tpu.memory_space<hbm>> -> memref<10000x128xf32, #tpu.memory_space<hbm>>
        tpu.enqueue_indirect_dma source(%dma_start3A_315 : memref<10000x128xf32, #tpu.memory_space<hbm>>) target(%arg18 : memref<125x128xf32, #tpu.memory_space<vmem>>) offsets(%dma_start3A_312 : memref<125xi32, #tpu.memory_space<vmem>>) semaphore(%arg20 : memref<!tpu.dma_semaphore, #tpu.memory_space<semaphore_mem>>)
      } else {
      }
      %mul3A_261 = arith.constant 4 : i32
      %mul3A_262 = arith.muli %mul3A_261, %scan3A_186 : i32
      %add3A_263 = arith.constant 3 : i32
      %add3A_264 = arith.addi %mul3A_262, %add3A_263 : i32
      %dma_wait3A_265 = arith.constant 0 : i32
      %dma_wait3A_266 = arith.constant 0 : i32
      %dma_wait3A_267 = tpu.memref_slice %arg13[%dma_wait3A_265, %dma_wait3A_266] : memref<1x125xi32, #tpu.memory_space<vmem>> -> memref<1x125xi32, #tpu.memory_space<vmem>>
      %dma_wait3A_268 = tpu.memref_squeeze %dma_wait3A_267 : memref<1x125xi32, #tpu.memory_space<vmem>> -> memref<125xi32, #tpu.memory_space<vmem>>
      %dma_wait3A_269 = arith.constant 0 : i32
      %dma_wait3A_270 = arith.constant 0 : i32
      %dma_wait3A_271 = tpu.memref_slice %arg2[%dma_wait3A_269, %dma_wait3A_270] : memref<10000x128xf32, #tpu.memory_space<hbm>> -> memref<10000x128xf32, #tpu.memory_space<hbm>>
      tpu.wait_indirect_dma semaphore(%arg21 : memref<!tpu.dma_semaphore, #tpu.memory_space<semaphore_mem>>) src(%dma_wait3A_271 : memref<10000x128xf32, #tpu.memory_space<hbm>>) dst(%arg19 : memref<125x128xf32, #tpu.memory_space<vmem>>)
      %run_scoped3A_272 = arith.constant 0 : i32
      "tpu.region"() ({
        %run_scoped3A_287 = tpu.sem_alloc : memref<!tpu.dma_semaphore, #tpu.memory_space<semaphore_mem>>
        %dma_start3A_288 = arith.constant 0 : i32
        %dma_start3A_289 = tpu.memref_slice %arg17[%run_scoped3A_272, %dma_start3A_288] : memref<1x125xi32, #tpu.memory_space<vmem>> -> memref<1x125xi32, #tpu.memory_space<vmem>>
        %dma_start3A_290 = tpu.memref_squeeze %dma_start3A_289 : memref<1x125xi32, #tpu.memory_space<vmem>> -> memref<125xi32, #tpu.memory_space<vmem>>
        %dma_start3A_291 = arith.constant 0 : i32
        %dma_start3A_292 = arith.constant 0 : i32
        %dma_start3A_293 = tpu.memref_slice %arg9[%dma_start3A_291, %dma_start3A_292] : memref<10240x128xf32, #tpu.memory_space<vmem_shared>> -> memref<10240x128xf32, #tpu.memory_space<vmem_shared>>
        tpu.enqueue_indirect_dma source(%arg19 : memref<125x128xf32, #tpu.memory_space<vmem>>) target(%dma_start3A_293 : memref<10240x128xf32, #tpu.memory_space<vmem_shared>>) offsets(%dma_start3A_290 : memref<125xi32, #tpu.memory_space<vmem>>) semaphore(%run_scoped3A_287 : memref<!tpu.dma_semaphore, #tpu.memory_space<semaphore_mem>>) {add = true}
        %dma_wait3A_294 = arith.constant 0 : i32
        %dma_wait3A_295 = tpu.memref_slice %arg17[%run_scoped3A_272, %dma_wait3A_294] : memref<1x125xi32, #tpu.memory_space<vmem>> -> memref<1x125xi32, #tpu.memory_space<vmem>>
        %dma_wait3A_296 = tpu.memref_squeeze %dma_wait3A_295 : memref<1x125xi32, #tpu.memory_space<vmem>> -> memref<125xi32, #tpu.memory_space<vmem>>
        %dma_wait3A_297 = arith.constant 0 : i32
        %dma_wait3A_298 = arith.constant 0 : i32
        %dma_wait3A_299 = tpu.memref_slice %arg9[%dma_wait3A_297, %dma_wait3A_298] : memref<10240x128xf32, #tpu.memory_space<vmem_shared>> -> memref<10240x128xf32, #tpu.memory_space<vmem_shared>>
        tpu.wait_indirect_dma semaphore(%run_scoped3A_287 : memref<!tpu.dma_semaphore, #tpu.memory_space<semaphore_mem>>) src(%arg19 : memref<125x128xf32, #tpu.memory_space<vmem>>) dst(%dma_wait3A_299 : memref<10240x128xf32, #tpu.memory_space<vmem_shared>>)
        tpu.yield
      }) : () -> ()
      %add3A_273 = arith.constant 4 : i32
      %add3A_274 = arith.addi %add3A_264, %add3A_273 : i32
      %lt3A_275 = arith.constant 80 : i32
      %lt3A_276 = arith.cmpi slt, %add3A_274, %lt3A_275 : i32
      %convert_element_type3A_277 = arith.extui %lt3A_276 : i1 to i32
      %cond3A_278 = arith.constant 0 : i32
      %cond3A_279 = arith.cmpi ne, %convert_element_type3A_277, %cond3A_278 : i32
      scf.if %cond3A_279 {
        %add3A_287 = arith.addi %mul3A_2, %add3A_264 : i32
        %add3A_288 = arith.constant 4 : i32
        %add3A_289 = arith.addi %add3A_287, %add3A_288 : i32
        %dma_start3A_290 = arith.constant 0 : i32
        %dma_start3A_291 = arith.constant 0 : i32
        %dma_start3A_292 = tpu.memref_slice %arg3[%add3A_289, %dma_start3A_290, %dma_start3A_291] : memref<2560x1x125xi32, #tpu.memory_space<hbm>> -> memref<1x1x125xi32, #tpu.memory_space<hbm>>
        %dma_start3A_293 = tpu.memref_squeeze %dma_start3A_292 : memref<1x1x125xi32, #tpu.memory_space<hbm>> -> memref<1x125xi32, #tpu.memory_space<hbm>>
        %dma_start3A_294 = arith.constant 0 : i32
        %dma_start3A_295 = arith.constant 0 : i32
        %dma_start3A_296 = tpu.memref_slice %arg3[%add3A_289, %dma_start3A_294, %dma_start3A_295] : memref<2560x1x125xi32, #tpu.memory_space<hbm>> -> memref<1x1x125xi32, #tpu.memory_space<hbm>>
        %dma_start3A_297 = tpu.memref_squeeze %dma_start3A_296 : memref<1x1x125xi32, #tpu.memory_space<hbm>> -> memref<1x125xi32, #tpu.memory_space<hbm>>
        tpu.enqueue_dma source(%dma_start3A_297 : memref<1x125xi32, #tpu.memory_space<hbm>>) target(%arg13 : memref<1x125xi32, #tpu.memory_space<vmem>>) target_semaphore(%arg27 : memref<!tpu.dma_semaphore, #tpu.memory_space<semaphore_mem>>)
        %add3A_298 = arith.addi %mul3A_2, %add3A_264 : i32
        %add3A_299 = arith.constant 4 : i32
        %add3A_300 = arith.addi %add3A_298, %add3A_299 : i32
        %dma_start3A_301 = arith.constant 0 : i32
        %dma_start3A_302 = arith.constant 0 : i32
        %dma_start3A_303 = tpu.memref_slice %arg4[%add3A_300, %dma_start3A_301, %dma_start3A_302] : memref<2560x1x125xi32, #tpu.memory_space<hbm>> -> memref<1x1x125xi32, #tpu.memory_space<hbm>>
        %dma_start3A_304 = tpu.memref_squeeze %dma_start3A_303 : memref<1x1x125xi32, #tpu.memory_space<hbm>> -> memref<1x125xi32, #tpu.memory_space<hbm>>
        %dma_start3A_305 = arith.constant 0 : i32
        %dma_start3A_306 = arith.constant 0 : i32
        %dma_start3A_307 = tpu.memref_slice %arg4[%add3A_300, %dma_start3A_305, %dma_start3A_306] : memref<2560x1x125xi32, #tpu.memory_space<hbm>> -> memref<1x1x125xi32, #tpu.memory_space<hbm>>
        %dma_start3A_308 = tpu.memref_squeeze %dma_start3A_307 : memref<1x1x125xi32, #tpu.memory_space<hbm>> -> memref<1x125xi32, #tpu.memory_space<hbm>>
        tpu.enqueue_dma source(%dma_start3A_308 : memref<1x125xi32, #tpu.memory_space<hbm>>) target(%arg17 : memref<1x125xi32, #tpu.memory_space<vmem>>) target_semaphore(%arg27 : memref<!tpu.dma_semaphore, #tpu.memory_space<semaphore_mem>>)
      } else {
      }
      %add3A_280 = arith.constant 2 : i32
      %add3A_281 = arith.addi %add3A_264, %add3A_280 : i32
      %lt3A_282 = arith.constant 80 : i32
      %lt3A_283 = arith.cmpi slt, %add3A_281, %lt3A_282 : i32
      %convert_element_type3A_284 = arith.extui %lt3A_283 : i1 to i32
      %cond3A_285 = arith.constant 0 : i32
      %cond3A_286 = arith.cmpi ne, %convert_element_type3A_284, %cond3A_285 : i32
      scf.if %cond3A_286 {
        %add3A_287 = arith.addi %mul3A_2, %add3A_264 : i32
        %add3A_288 = arith.constant 2 : i32
        %add3A_289 = arith.addi %add3A_287, %add3A_288 : i32
        %dma_wait3A_290 = arith.constant 0 : i32
        %dma_wait3A_291 = arith.constant 0 : i32
        %dma_wait3A_292 = tpu.memref_slice %arg3[%add3A_289, %dma_wait3A_290, %dma_wait3A_291] : memref<2560x1x125xi32, #tpu.memory_space<hbm>> -> memref<1x1x125xi32, #tpu.memory_space<hbm>>
        %dma_wait3A_293 = tpu.memref_squeeze %dma_wait3A_292 : memref<1x1x125xi32, #tpu.memory_space<hbm>> -> memref<1x125xi32, #tpu.memory_space<hbm>>
        %dma_wait3A_294 = arith.constant 0 : i32
        %dma_wait3A_295 = arith.constant 0 : i32
        %dma_wait3A_296 = tpu.memref_slice %arg3[%add3A_289, %dma_wait3A_294, %dma_wait3A_295] : memref<2560x1x125xi32, #tpu.memory_space<hbm>> -> memref<1x1x125xi32, #tpu.memory_space<hbm>>
        %dma_wait3A_297 = tpu.memref_squeeze %dma_wait3A_296 : memref<1x1x125xi32, #tpu.memory_space<hbm>> -> memref<1x125xi32, #tpu.memory_space<hbm>>
        tpu.wait_dma2 semaphore(%arg25 : memref<!tpu.dma_semaphore, #tpu.memory_space<semaphore_mem>>) src(%dma_wait3A_297 : memref<1x125xi32, #tpu.memory_space<hbm>>) dst(%arg11 : memref<1x125xi32, #tpu.memory_space<vmem>>)
        %add3A_298 = arith.addi %mul3A_2, %add3A_264 : i32
        %add3A_299 = arith.constant 2 : i32
        %add3A_300 = arith.addi %add3A_298, %add3A_299 : i32
        %dma_wait3A_301 = arith.constant 0 : i32
        %dma_wait3A_302 = arith.constant 0 : i32
        %dma_wait3A_303 = tpu.memref_slice %arg4[%add3A_300, %dma_wait3A_301, %dma_wait3A_302] : memref<2560x1x125xi32, #tpu.memory_space<hbm>> -> memref<1x1x125xi32, #tpu.memory_space<hbm>>
        %dma_wait3A_304 = tpu.memref_squeeze %dma_wait3A_303 : memref<1x1x125xi32, #tpu.memory_space<hbm>> -> memref<1x125xi32, #tpu.memory_space<hbm>>
        %dma_wait3A_305 = arith.constant 0 : i32
        %dma_wait3A_306 = arith.constant 0 : i32
        %dma_wait3A_307 = tpu.memref_slice %arg4[%add3A_300, %dma_wait3A_305, %dma_wait3A_306] : memref<2560x1x125xi32, #tpu.memory_space<hbm>> -> memref<1x1x125xi32, #tpu.memory_space<hbm>>
        %dma_wait3A_308 = tpu.memref_squeeze %dma_wait3A_307 : memref<1x1x125xi32, #tpu.memory_space<hbm>> -> memref<1x125xi32, #tpu.memory_space<hbm>>
        tpu.wait_dma2 semaphore(%arg25 : memref<!tpu.dma_semaphore, #tpu.memory_space<semaphore_mem>>) src(%dma_wait3A_308 : memref<1x125xi32, #tpu.memory_space<hbm>>) dst(%arg15 : memref<1x125xi32, #tpu.memory_space<vmem>>)
        %dma_start3A_309 = arith.constant 0 : i32
        %dma_start3A_310 = arith.constant 0 : i32
        %dma_start3A_311 = tpu.memref_slice %arg11[%dma_start3A_309, %dma_start3A_310] : memref<1x125xi32, #tpu.memory_space<vmem>> -> memref<1x125xi32, #tpu.memory_space<vmem>>
        %dma_start3A_312 = tpu.memref_squeeze %dma_start3A_311 : memref<1x125xi32, #tpu.memory_space<vmem>> -> memref<125xi32, #tpu.memory_space<vmem>>
        %dma_start3A_313 = arith.constant 0 : i32
        %dma_start3A_314 = arith.constant 0 : i32
        %dma_start3A_315 = tpu.memref_slice %arg2[%dma_start3A_313, %dma_start3A_314] : memref<10000x128xf32, #tpu.memory_space<hbm>> -> memref<10000x128xf32, #tpu.memory_space<hbm>>
        tpu.enqueue_indirect_dma source(%dma_start3A_315 : memref<10000x128xf32, #tpu.memory_space<hbm>>) target(%arg19 : memref<125x128xf32, #tpu.memory_space<vmem>>) offsets(%dma_start3A_312 : memref<125xi32, #tpu.memory_space<vmem>>) semaphore(%arg21 : memref<!tpu.dma_semaphore, #tpu.memory_space<semaphore_mem>>)
      } else {
      }
    }
    %scan3A_143 = arith.constant 20 : i32
    %barrier3A_144 = arith.constant 0 : index
    tpu.barrier barrier_id(%barrier3A_144)
    %mul3A_145 = arith.constant 640 : i32
    %mul3A_146 = arith.muli %arg1, %mul3A_145 : i32
    %mul3A_147 = arith.constant 640 : i32
    %mul3A_148 = arith.muli %arg1, %mul3A_147 : i32
    "tpu.region"() ({
      %run_scoped3A = tpu.sem_alloc : memref<!tpu.dma_semaphore, #tpu.memory_space<semaphore_mem>>
      %dma_start3A_186 = arith.constant 0 : i32
      %dma_start3A_187 = tpu.memref_slice %arg7[%arg0, %mul3A_148, %dma_start3A_186] : memref<2x10240x128xf32, #tpu.memory_space<hbm>> -> memref<1x640x128xf32, #tpu.memory_space<hbm>>
      %dma_start3A_188 = tpu.memref_squeeze %dma_start3A_187 : memref<1x640x128xf32, #tpu.memory_space<hbm>> -> memref<640x128xf32, #tpu.memory_space<hbm>>
      %dma_start3A_189 = arith.constant 0 : i32
      %dma_start3A_190 = tpu.memref_slice %arg9[%mul3A_146, %dma_start3A_189] : memref<10240x128xf32, #tpu.memory_space<vmem_shared>> -> memref<640x128xf32, #tpu.memory_space<vmem_shared>>
      tpu.enqueue_dma source(%dma_start3A_190 : memref<640x128xf32, #tpu.memory_space<vmem_shared>>) target(%dma_start3A_188 : memref<640x128xf32, #tpu.memory_space<hbm>>) target_semaphore(%run_scoped3A : memref<!tpu.dma_semaphore, #tpu.memory_space<semaphore_mem>>)
      %dma_wait3A_191 = arith.constant 0 : i32
      %dma_wait3A_192 = tpu.memref_slice %arg7[%arg0, %mul3A_148, %dma_wait3A_191] : memref<2x10240x128xf32, #tpu.memory_space<hbm>> -> memref<1x640x128xf32, #tpu.memory_space<hbm>>
      %dma_wait3A_193 = tpu.memref_squeeze %dma_wait3A_192 : memref<1x640x128xf32, #tpu.memory_space<hbm>> -> memref<640x128xf32, #tpu.memory_space<hbm>>
      %dma_wait3A_194 = arith.constant 0 : i32
      %dma_wait3A_195 = tpu.memref_slice %arg9[%mul3A_146, %dma_wait3A_194] : memref<10240x128xf32, #tpu.memory_space<vmem_shared>> -> memref<640x128xf32, #tpu.memory_space<vmem_shared>>
      tpu.wait_dma2 semaphore(%run_scoped3A : memref<!tpu.dma_semaphore, #tpu.memory_space<semaphore_mem>>) src(%dma_wait3A_195 : memref<640x128xf32, #tpu.memory_space<vmem_shared>>) dst(%dma_wait3A_193 : memref<640x128xf32, #tpu.memory_space<hbm>>)
      tpu.yield
    }) : () -> ()
    %barrier3A_149 = arith.constant 0 : index
    tpu.barrier barrier_id(%barrier3A_149)
    %mul3A_150 = arith.constant 640 : i32
    %mul3A_151 = arith.muli %arg1, %mul3A_150 : i32
    %mul3A_152 = arith.constant 640 : i32
    %mul3A_153 = arith.muli %arg1, %mul3A_152 : i32
    "tpu.region"() ({
      %run_scoped3A = tpu.sem_alloc : memref<!tpu.dma_semaphore, #tpu.memory_space<semaphore_mem>>
      %dma_start3A_186 = arith.constant 0 : i32
      %dma_start3A_187 = tpu.memref_slice %arg9[%mul3A_153, %dma_start3A_186] : memref<10240x128xf32, #tpu.memory_space<vmem_shared>> -> memref<640x128xf32, #tpu.memory_space<vmem_shared>>
      %dma_start3A_188 = arith.constant 0 : i32
      %dma_start3A_189 = tpu.memref_slice %arg5[%mul3A_151, %dma_start3A_188] : memref<10240x128xf32, #tpu.memory_space<hbm>> -> memref<640x128xf32, #tpu.memory_space<hbm>>
      tpu.enqueue_dma source(%dma_start3A_189 : memref<640x128xf32, #tpu.memory_space<hbm>>) target(%dma_start3A_187 : memref<640x128xf32, #tpu.memory_space<vmem_shared>>) target_semaphore(%run_scoped3A : memref<!tpu.dma_semaphore, #tpu.memory_space<semaphore_mem>>)
      %dma_wait3A_190 = arith.constant 0 : i32
      %dma_wait3A_191 = tpu.memref_slice %arg9[%mul3A_153, %dma_wait3A_190] : memref<10240x128xf32, #tpu.memory_space<vmem_shared>> -> memref<640x128xf32, #tpu.memory_space<vmem_shared>>
      %dma_wait3A_192 = arith.constant 0 : i32
      %dma_wait3A_193 = tpu.memref_slice %arg5[%mul3A_151, %dma_wait3A_192] : memref<10240x128xf32, #tpu.memory_space<hbm>> -> memref<640x128xf32, #tpu.memory_space<hbm>>
      tpu.wait_dma2 semaphore(%run_scoped3A : memref<!tpu.dma_semaphore, #tpu.memory_space<semaphore_mem>>) src(%dma_wait3A_193 : memref<640x128xf32, #tpu.memory_space<hbm>>) dst(%dma_wait3A_191 : memref<640x128xf32, #tpu.memory_space<vmem_shared>>)
      tpu.yield
    }) : () -> ()
    "tpu.region"() ({
      %run_scoped3A = tpu.sem_alloc : memref<!tpu.dma_semaphore, #tpu.memory_space<semaphore_mem>>
      tpu.enqueue_dma source(%arg6 : memref<125x128xf32, #tpu.memory_space<hbm>>) target(%arg18 : memref<125x128xf32, #tpu.memory_space<vmem>>) target_semaphore(%run_scoped3A : memref<!tpu.dma_semaphore, #tpu.memory_space<semaphore_mem>>)
      tpu.wait_dma2 semaphore(%run_scoped3A : memref<!tpu.dma_semaphore, #tpu.memory_space<semaphore_mem>>) src(%arg6 : memref<125x128xf32, #tpu.memory_space<hbm>>) dst(%arg18 : memref<125x128xf32, #tpu.memory_space<vmem>>)
      tpu.yield
    }) : () -> ()
    %barrier3A_154 = arith.constant 0 : index
    tpu.barrier barrier_id(%barrier3A_154)
    %add3A_155 = arith.constant 0 : i32
    %add3A_156 = arith.addi %mul3A_2, %add3A_155 : i32
    %dma_start3A_157 = arith.constant 0 : i32
    %dma_start3A_158 = arith.constant 0 : i32
    %dma_start3A_159 = tpu.memref_slice %arg4[%add3A_156, %dma_start3A_157, %dma_start3A_158] : memref<2560x1x125xi32, #tpu.memory_space<hbm>> -> memref<1x1x125xi32, #tpu.memory_space<hbm>>
    %dma_start3A_160 = tpu.memref_squeeze %dma_start3A_159 : memref<1x1x125xi32, #tpu.memory_space<hbm>> -> memref<1x125xi32, #tpu.memory_space<hbm>>
    %dma_start3A_161 = arith.constant 0 : i32
    %dma_start3A_162 = arith.constant 0 : i32
    %dma_start3A_163 = tpu.memref_slice %arg4[%add3A_156, %dma_start3A_161, %dma_start3A_162] : memref<2560x1x125xi32, #tpu.memory_space<hbm>> -> memref<1x1x125xi32, #tpu.memory_space<hbm>>
    %dma_start3A_164 = tpu.memref_squeeze %dma_start3A_163 : memref<1x1x125xi32, #tpu.memory_space<hbm>> -> memref<1x125xi32, #tpu.memory_space<hbm>>
    tpu.enqueue_dma source(%dma_start3A_164 : memref<1x125xi32, #tpu.memory_space<hbm>>) target(%arg14 : memref<1x125xi32, #tpu.memory_space<vmem>>) target_semaphore(%arg24 : memref<!tpu.dma_semaphore, #tpu.memory_space<semaphore_mem>>)
    %add3A_165 = arith.constant 1 : i32
    %add3A_166 = arith.addi %mul3A_2, %add3A_165 : i32
    %dma_start3A_167 = arith.constant 0 : i32
    %dma_start3A_168 = arith.constant 0 : i32
    %dma_start3A_169 = tpu.memref_slice %arg4[%add3A_166, %dma_start3A_167, %dma_start3A_168] : memref<2560x1x125xi32, #tpu.memory_space<hbm>> -> memref<1x1x125xi32, #tpu.memory_space<hbm>>
    %dma_start3A_170 = tpu.memref_squeeze %dma_start3A_169 : memref<1x1x125xi32, #tpu.memory_space<hbm>> -> memref<1x125xi32, #tpu.memory_space<hbm>>
    %dma_start3A_171 = arith.constant 0 : i32
    %dma_start3A_172 = arith.constant 0 : i32
    %dma_start3A_173 = tpu.memref_slice %arg4[%add3A_166, %dma_start3A_171, %dma_start3A_172] : memref<2560x1x125xi32, #tpu.memory_space<hbm>> -> memref<1x1x125xi32, #tpu.memory_space<hbm>>
    %dma_start3A_174 = tpu.memref_squeeze %dma_start3A_173 : memref<1x1x125xi32, #tpu.memory_space<hbm>> -> memref<1x125xi32, #tpu.memory_space<hbm>>
    tpu.enqueue_dma source(%dma_start3A_174 : memref<1x125xi32, #tpu.memory_space<hbm>>) target(%arg15 : memref<1x125xi32, #tpu.memory_space<vmem>>) target_semaphore(%arg25 : memref<!tpu.dma_semaphore, #tpu.memory_space<semaphore_mem>>)
    %scan3A_175 = arith.constant 0 : i32
    %scan3A_176 = arith.constant 0 : i32
    %scan3A_177 = arith.constant 40 : i32
    %scan3A_178 = arith.addi %scan3A_176, %scan3A_177 : i32
    %scan3A_179 = arith.constant 1 : i32
    scf.for %scan3A_186 = %scan3A_176 to %scan3A_178 step %scan3A_179  : i32 {
      %mul3A_187 = arith.constant 2 : i32
      %mul3A_188 = arith.muli %mul3A_187, %scan3A_186 : i32
      %add3A_189 = arith.constant 0 : i32
      %add3A_190 = arith.addi %mul3A_188, %add3A_189 : i32
      %add3A_191 = arith.addi %mul3A_2, %add3A_190 : i32
      %dma_wait3A_192 = arith.constant 0 : i32
      %dma_wait3A_193 = arith.constant 0 : i32
      %dma_wait3A_194 = tpu.memref_slice %arg4[%add3A_191, %dma_wait3A_192, %dma_wait3A_193] : memref<2560x1x125xi32, #tpu.memory_space<hbm>> -> memref<1x1x125xi32, #tpu.memory_space<hbm>>
      %dma_wait3A_195 = tpu.memref_squeeze %dma_wait3A_194 : memref<1x1x125xi32, #tpu.memory_space<hbm>> -> memref<1x125xi32, #tpu.memory_space<hbm>>
      %dma_wait3A_196 = arith.constant 0 : i32
      %dma_wait3A_197 = arith.constant 0 : i32
      %dma_wait3A_198 = tpu.memref_slice %arg4[%add3A_191, %dma_wait3A_196, %dma_wait3A_197] : memref<2560x1x125xi32, #tpu.memory_space<hbm>> -> memref<1x1x125xi32, #tpu.memory_space<hbm>>
      %dma_wait3A_199 = tpu.memref_squeeze %dma_wait3A_198 : memref<1x1x125xi32, #tpu.memory_space<hbm>> -> memref<1x125xi32, #tpu.memory_space<hbm>>
      tpu.wait_dma2 semaphore(%arg24 : memref<!tpu.dma_semaphore, #tpu.memory_space<semaphore_mem>>) src(%dma_wait3A_199 : memref<1x125xi32, #tpu.memory_space<hbm>>) dst(%arg14 : memref<1x125xi32, #tpu.memory_space<vmem>>)
      %run_scoped3A = arith.constant 0 : i32
      "tpu.region"() ({
        %run_scoped3A_225 = tpu.sem_alloc : memref<!tpu.dma_semaphore, #tpu.memory_space<semaphore_mem>>
        %dma_start3A_226 = arith.constant 0 : i32
        %dma_start3A_227 = tpu.memref_slice %arg14[%run_scoped3A, %dma_start3A_226] : memref<1x125xi32, #tpu.memory_space<vmem>> -> memref<1x125xi32, #tpu.memory_space<vmem>>
        %dma_start3A_228 = tpu.memref_squeeze %dma_start3A_227 : memref<1x125xi32, #tpu.memory_space<vmem>> -> memref<125xi32, #tpu.memory_space<vmem>>
        %dma_start3A_229 = arith.constant 0 : i32
        %dma_start3A_230 = arith.constant 0 : i32
        %dma_start3A_231 = tpu.memref_slice %arg9[%dma_start3A_229, %dma_start3A_230] : memref<10240x128xf32, #tpu.memory_space<vmem_shared>> -> memref<10240x128xf32, #tpu.memory_space<vmem_shared>>
        tpu.enqueue_indirect_dma source(%arg18 : memref<125x128xf32, #tpu.memory_space<vmem>>) target(%dma_start3A_231 : memref<10240x128xf32, #tpu.memory_space<vmem_shared>>) offsets(%dma_start3A_228 : memref<125xi32, #tpu.memory_space<vmem>>) semaphore(%run_scoped3A_225 : memref<!tpu.dma_semaphore, #tpu.memory_space<semaphore_mem>>) {add = true}
        %dma_wait3A_232 = arith.constant 0 : i32
        %dma_wait3A_233 = tpu.memref_slice %arg14[%run_scoped3A, %dma_wait3A_232] : memref<1x125xi32, #tpu.memory_space<vmem>> -> memref<1x125xi32, #tpu.memory_space<vmem>>
        %dma_wait3A_234 = tpu.memref_squeeze %dma_wait3A_233 : memref<1x125xi32, #tpu.memory_space<vmem>> -> memref<125xi32, #tpu.memory_space<vmem>>
        %dma_wait3A_235 = arith.constant 0 : i32
        %dma_wait3A_236 = arith.constant 0 : i32
        %dma_wait3A_237 = tpu.memref_slice %arg9[%dma_wait3A_235, %dma_wait3A_236] : memref<10240x128xf32, #tpu.memory_space<vmem_shared>> -> memref<10240x128xf32, #tpu.memory_space<vmem_shared>>
        tpu.wait_indirect_dma semaphore(%run_scoped3A_225 : memref<!tpu.dma_semaphore, #tpu.memory_space<semaphore_mem>>) src(%arg18 : memref<125x128xf32, #tpu.memory_space<vmem>>) dst(%dma_wait3A_237 : memref<10240x128xf32, #tpu.memory_space<vmem_shared>>)
        tpu.yield
      }) : () -> ()
      %add3A_200 = arith.constant 2 : i32
      %add3A_201 = arith.addi %add3A_190, %add3A_200 : i32
      %lt3A = arith.constant 80 : i32
      %lt3A_202 = arith.cmpi slt, %add3A_201, %lt3A : i32
      %convert_element_type3A = arith.extui %lt3A_202 : i1 to i32
      %cond3A = arith.constant 0 : i32
      %cond3A_203 = arith.cmpi ne, %convert_element_type3A, %cond3A : i32
      scf.if %cond3A_203 {
        %add3A_225 = arith.addi %mul3A_2, %add3A_190 : i32
        %add3A_226 = arith.constant 2 : i32
        %add3A_227 = arith.addi %add3A_225, %add3A_226 : i32
        %dma_start3A_228 = arith.constant 0 : i32
        %dma_start3A_229 = arith.constant 0 : i32
        %dma_start3A_230 = tpu.memref_slice %arg4[%add3A_227, %dma_start3A_228, %dma_start3A_229] : memref<2560x1x125xi32, #tpu.memory_space<hbm>> -> memref<1x1x125xi32, #tpu.memory_space<hbm>>
        %dma_start3A_231 = tpu.memref_squeeze %dma_start3A_230 : memref<1x1x125xi32, #tpu.memory_space<hbm>> -> memref<1x125xi32, #tpu.memory_space<hbm>>
        %dma_start3A_232 = arith.constant 0 : i32
        %dma_start3A_233 = arith.constant 0 : i32
        %dma_start3A_234 = tpu.memref_slice %arg4[%add3A_227, %dma_start3A_232, %dma_start3A_233] : memref<2560x1x125xi32, #tpu.memory_space<hbm>> -> memref<1x1x125xi32, #tpu.memory_space<hbm>>
        %dma_start3A_235 = tpu.memref_squeeze %dma_start3A_234 : memref<1x1x125xi32, #tpu.memory_space<hbm>> -> memref<1x125xi32, #tpu.memory_space<hbm>>
        tpu.enqueue_dma source(%dma_start3A_235 : memref<1x125xi32, #tpu.memory_space<hbm>>) target(%arg14 : memref<1x125xi32, #tpu.memory_space<vmem>>) target_semaphore(%arg24 : memref<!tpu.dma_semaphore, #tpu.memory_space<semaphore_mem>>)
      } else {
      }
      %mul3A_204 = arith.constant 2 : i32
      %mul3A_205 = arith.muli %mul3A_204, %scan3A_186 : i32
      %add3A_206 = arith.constant 1 : i32
      %add3A_207 = arith.addi %mul3A_205, %add3A_206 : i32
      %add3A_208 = arith.addi %mul3A_2, %add3A_207 : i32
      %dma_wait3A_209 = arith.constant 0 : i32
      %dma_wait3A_210 = arith.constant 0 : i32
      %dma_wait3A_211 = tpu.memref_slice %arg4[%add3A_208, %dma_wait3A_209, %dma_wait3A_210] : memref<2560x1x125xi32, #tpu.memory_space<hbm>> -> memref<1x1x125xi32, #tpu.memory_space<hbm>>
      %dma_wait3A_212 = tpu.memref_squeeze %dma_wait3A_211 : memref<1x1x125xi32, #tpu.memory_space<hbm>> -> memref<1x125xi32, #tpu.memory_space<hbm>>
      %dma_wait3A_213 = arith.constant 0 : i32
      %dma_wait3A_214 = arith.constant 0 : i32
      %dma_wait3A_215 = tpu.memref_slice %arg4[%add3A_208, %dma_wait3A_213, %dma_wait3A_214] : memref<2560x1x125xi32, #tpu.memory_space<hbm>> -> memref<1x1x125xi32, #tpu.memory_space<hbm>>
      %dma_wait3A_216 = tpu.memref_squeeze %dma_wait3A_215 : memref<1x1x125xi32, #tpu.memory_space<hbm>> -> memref<1x125xi32, #tpu.memory_space<hbm>>
      tpu.wait_dma2 semaphore(%arg25 : memref<!tpu.dma_semaphore, #tpu.memory_space<semaphore_mem>>) src(%dma_wait3A_216 : memref<1x125xi32, #tpu.memory_space<hbm>>) dst(%arg15 : memref<1x125xi32, #tpu.memory_space<vmem>>)
      %run_scoped3A_217 = arith.constant 0 : i32
      "tpu.region"() ({
        %run_scoped3A_225 = tpu.sem_alloc : memref<!tpu.dma_semaphore, #tpu.memory_space<semaphore_mem>>
        %dma_start3A_226 = arith.constant 0 : i32
        %dma_start3A_227 = tpu.memref_slice %arg15[%run_scoped3A_217, %dma_start3A_226] : memref<1x125xi32, #tpu.memory_space<vmem>> -> memref<1x125xi32, #tpu.memory_space<vmem>>
        %dma_start3A_228 = tpu.memref_squeeze %dma_start3A_227 : memref<1x125xi32, #tpu.memory_space<vmem>> -> memref<125xi32, #tpu.memory_space<vmem>>
        %dma_start3A_229 = arith.constant 0 : i32
        %dma_start3A_230 = arith.constant 0 : i32
        %dma_start3A_231 = tpu.memref_slice %arg9[%dma_start3A_229, %dma_start3A_230] : memref<10240x128xf32, #tpu.memory_space<vmem_shared>> -> memref<10240x128xf32, #tpu.memory_space<vmem_shared>>
        tpu.enqueue_indirect_dma source(%arg18 : memref<125x128xf32, #tpu.memory_space<vmem>>) target(%dma_start3A_231 : memref<10240x128xf32, #tpu.memory_space<vmem_shared>>) offsets(%dma_start3A_228 : memref<125xi32, #tpu.memory_space<vmem>>) semaphore(%run_scoped3A_225 : memref<!tpu.dma_semaphore, #tpu.memory_space<semaphore_mem>>) {add = true}
        %dma_wait3A_232 = arith.constant 0 : i32
        %dma_wait3A_233 = tpu.memref_slice %arg15[%run_scoped3A_217, %dma_wait3A_232] : memref<1x125xi32, #tpu.memory_space<vmem>> -> memref<1x125xi32, #tpu.memory_space<vmem>>
        %dma_wait3A_234 = tpu.memref_squeeze %dma_wait3A_233 : memref<1x125xi32, #tpu.memory_space<vmem>> -> memref<125xi32, #tpu.memory_space<vmem>>
        %dma_wait3A_235 = arith.constant 0 : i32
        %dma_wait3A_236 = arith.constant 0 : i32
        %dma_wait3A_237 = tpu.memref_slice %arg9[%dma_wait3A_235, %dma_wait3A_236] : memref<10240x128xf32, #tpu.memory_space<vmem_shared>> -> memref<10240x128xf32, #tpu.memory_space<vmem_shared>>
        tpu.wait_indirect_dma semaphore(%run_scoped3A_225 : memref<!tpu.dma_semaphore, #tpu.memory_space<semaphore_mem>>) src(%arg18 : memref<125x128xf32, #tpu.memory_space<vmem>>) dst(%dma_wait3A_237 : memref<10240x128xf32, #tpu.memory_space<vmem_shared>>)
        tpu.yield
      }) : () -> ()
      %add3A_218 = arith.constant 2 : i32
      %add3A_219 = arith.addi %add3A_207, %add3A_218 : i32
      %lt3A_220 = arith.constant 80 : i32
      %lt3A_221 = arith.cmpi slt, %add3A_219, %lt3A_220 : i32
      %convert_element_type3A_222 = arith.extui %lt3A_221 : i1 to i32
      %cond3A_223 = arith.constant 0 : i32
      %cond3A_224 = arith.cmpi ne, %convert_element_type3A_222, %cond3A_223 : i32
      scf.if %cond3A_224 {
        %add3A_225 = arith.addi %mul3A_2, %add3A_207 : i32
        %add3A_226 = arith.constant 2 : i32
        %add3A_227 = arith.addi %add3A_225, %add3A_226 : i32
        %dma_start3A_228 = arith.constant 0 : i32
        %dma_start3A_229 = arith.constant 0 : i32
        %dma_start3A_230 = tpu.memref_slice %arg4[%add3A_227, %dma_start3A_228, %dma_start3A_229] : memref<2560x1x125xi32, #tpu.memory_space<hbm>> -> memref<1x1x125xi32, #tpu.memory_space<hbm>>
        %dma_start3A_231 = tpu.memref_squeeze %dma_start3A_230 : memref<1x1x125xi32, #tpu.memory_space<hbm>> -> memref<1x125xi32, #tpu.memory_space<hbm>>
        %dma_start3A_232 = arith.constant 0 : i32
        %dma_start3A_233 = arith.constant 0 : i32
        %dma_start3A_234 = tpu.memref_slice %arg4[%add3A_227, %dma_start3A_232, %dma_start3A_233] : memref<2560x1x125xi32, #tpu.memory_space<hbm>> -> memref<1x1x125xi32, #tpu.memory_space<hbm>>
        %dma_start3A_235 = tpu.memref_squeeze %dma_start3A_234 : memref<1x1x125xi32, #tpu.memory_space<hbm>> -> memref<1x125xi32, #tpu.memory_space<hbm>>
        tpu.enqueue_dma source(%dma_start3A_235 : memref<1x125xi32, #tpu.memory_space<hbm>>) target(%arg15 : memref<1x125xi32, #tpu.memory_space<vmem>>) target_semaphore(%arg25 : memref<!tpu.dma_semaphore, #tpu.memory_space<semaphore_mem>>)
      } else {
      }
    }
    %scan3A_180 = arith.constant 40 : i32
    %barrier3A_181 = arith.constant 0 : index
    tpu.barrier barrier_id(%barrier3A_181)
    %mul3A_182 = arith.constant 640 : i32
    %mul3A_183 = arith.muli %arg1, %mul3A_182 : i32
    %mul3A_184 = arith.constant 640 : i32
    %mul3A_185 = arith.muli %arg1, %mul3A_184 : i32
    "tpu.region"() ({
      %run_scoped3A = tpu.sem_alloc : memref<!tpu.dma_semaphore, #tpu.memory_space<semaphore_mem>>
      %dma_start3A_186 = arith.constant 0 : i32
      %dma_start3A_187 = tpu.memref_slice %arg8[%arg0, %mul3A_185, %dma_start3A_186] : memref<2x10240x128xf32, #tpu.memory_space<hbm>> -> memref<1x640x128xf32, #tpu.memory_space<hbm>>
      %dma_start3A_188 = tpu.memref_squeeze %dma_start3A_187 : memref<1x640x128xf32, #tpu.memory_space<hbm>> -> memref<640x128xf32, #tpu.memory_space<hbm>>
      %dma_start3A_189 = arith.constant 0 : i32
      %dma_start3A_190 = tpu.memref_slice %arg9[%mul3A_183, %dma_start3A_189] : memref<10240x128xf32, #tpu.memory_space<vmem_shared>> -> memref<640x128xf32, #tpu.memory_space<vmem_shared>>
      tpu.enqueue_dma source(%dma_start3A_190 : memref<640x128xf32, #tpu.memory_space<vmem_shared>>) target(%dma_start3A_188 : memref<640x128xf32, #tpu.memory_space<hbm>>) target_semaphore(%run_scoped3A : memref<!tpu.dma_semaphore, #tpu.memory_space<semaphore_mem>>)
      %dma_wait3A_191 = arith.constant 0 : i32
      %dma_wait3A_192 = tpu.memref_slice %arg8[%arg0, %mul3A_185, %dma_wait3A_191] : memref<2x10240x128xf32, #tpu.memory_space<hbm>> -> memref<1x640x128xf32, #tpu.memory_space<hbm>>
      %dma_wait3A_193 = tpu.memref_squeeze %dma_wait3A_192 : memref<1x640x128xf32, #tpu.memory_space<hbm>> -> memref<640x128xf32, #tpu.memory_space<hbm>>
      %dma_wait3A_194 = arith.constant 0 : i32
      %dma_wait3A_195 = tpu.memref_slice %arg9[%mul3A_183, %dma_wait3A_194] : memref<10240x128xf32, #tpu.memory_space<vmem_shared>> -> memref<640x128xf32, #tpu.memory_space<vmem_shared>>
      tpu.wait_dma2 semaphore(%run_scoped3A : memref<!tpu.dma_semaphore, #tpu.memory_space<semaphore_mem>>) src(%dma_wait3A_195 : memref<640x128xf32, #tpu.memory_space<vmem_shared>>) dst(%dma_wait3A_193 : memref<640x128xf32, #tpu.memory_space<hbm>>)
      tpu.yield
    }) : () -> ()
    return
  }
}

module attributes {stable_mosaic.version = 14 : i64} {
  func.func @_tc_body(%arg0: i32, %arg1: memref<2x2000x128xf32, #tpu.memory_space<vmem>>, %arg2: memref<2x2000x128xf32, #tpu.memory_space<vmem>>, %arg3: memref<2000x128xf32, #tpu.memory_space<vmem>>, %arg4: memref<256x128xf32, #tpu.memory_space<vmem>>, %arg5: memref<1x128xf32, #tpu.memory_space<vmem>>, %arg6: memref<2000x128xf32, #tpu.memory_space<vmem>>) attributes {dimension_semantics = [#tpu.dimension_semantics<arbitrary>], iteration_bounds = array<i64: 5>, scalar_prefetch = 0 : i64, scratch_operands = 0 : i64, tpu.core_type = #tpu.core_type<tc>, window_params = [{transform_indices = @transform_0, window_bounds = array<i64: 2, 2000, 128>}, {transform_indices = @transform_1, window_bounds = array<i64: 2, 2000, 128>}, {transform_indices = @transform_2, window_bounds = array<i64: 2000, 128>}, {pipeline_mode = #tpu.pipeline_mode<synchronous>, transform_indices = @transform_3, window_bounds = array<i64: 256, 128>}, {pipeline_mode = #tpu.pipeline_mode<synchronous>, transform_indices = @transform_4, window_bounds = array<i64: 1, 128>}, {transform_indices = @transform_5, window_bounds = array<i64: 2000, 128>}]} {
    %get3A = arith.constant 0 : index
    %get3A_0 = arith.constant 0 : index
    %get3A_1 = arith.constant 0 : index
    %get3A_2 = vector.load %arg1[%get3A, %get3A_0, %get3A_1] : memref<2x2000x128xf32, #tpu.memory_space<vmem>>, vector<1x2000x128xf32>
    %get3A_3 = vector.shape_cast %get3A_2 : vector<1x2000x128xf32> to vector<2000x128xf32>
    %get3A_4 = arith.constant 1 : index
    %get3A_5 = arith.constant 0 : index
    %get3A_6 = arith.constant 0 : index
    %get3A_7 = vector.load %arg1[%get3A_4, %get3A_5, %get3A_6] : memref<2x2000x128xf32, #tpu.memory_space<vmem>>, vector<1x2000x128xf32>
    %get3A_8 = vector.shape_cast %get3A_7 : vector<1x2000x128xf32> to vector<2000x128xf32>
    %add3A = arith.addf %get3A_3, %get3A_8 : vector<2000x128xf32>
    %get3A_9 = arith.constant 0 : index
    %get3A_10 = arith.constant 0 : index
    %get3A_11 = arith.constant 0 : index
    %get3A_12 = vector.load %arg2[%get3A_9, %get3A_10, %get3A_11] : memref<2x2000x128xf32, #tpu.memory_space<vmem>>, vector<1x2000x1xf32>
    %get3A_13 = vector.shape_cast %get3A_12 : vector<1x2000x1xf32> to vector<2000x1xf32>
    %get3A_14 = arith.constant 1 : index
    %get3A_15 = arith.constant 0 : index
    %get3A_16 = arith.constant 0 : index
    %get3A_17 = vector.load %arg2[%get3A_14, %get3A_15, %get3A_16] : memref<2x2000x128xf32, #tpu.memory_space<vmem>>, vector<1x2000x1xf32>
    %get3A_18 = vector.shape_cast %get3A_17 : vector<1x2000x1xf32> to vector<2000x1xf32>
    %add3A_19 = arith.addf %get3A_13, %get3A_18 : vector<2000x1xf32>
    %max3A = arith.constant 1.000000e+00 : f32
    %max3A_20 = vector.broadcast %max3A : f32 to vector<2000x1xf32>
    %max3A_21 = arith.maximumf %add3A_19, %max3A_20 : vector<2000x1xf32>
    %div3A = arith.constant 1.000000e+00 : f32
    %div3A_22 = vector.broadcast %div3A : f32 to vector<2000x1xf32>
    %div3A_23 = arith.divf %div3A_22, %max3A_21 : vector<2000x1xf32>
    %mul3A = vector.broadcast %div3A_23 : vector<2000x1xf32> to vector<2000x128xf32>
    %mul3A_24 = arith.mulf %add3A, %mul3A : vector<2000x128xf32>
    %get3A_25 = arith.constant 0 : index
    %get3A_26 = arith.constant 0 : index
    %get3A_27 = vector.load %arg3[%get3A_25, %get3A_26] : memref<2000x128xf32, #tpu.memory_space<vmem>>, vector<2000x128xf32>
    %concatenate3A = tpu.concatenate %mul3A_24, %get3A_27 in 1 : vector<2000x128xf32>, vector<2000x128xf32> -> vector<2000x256xf32>
    %get3A_28 = arith.constant 0 : index
    %get3A_29 = arith.constant 0 : index
    %get3A_30 = vector.load %arg4[%get3A_28, %get3A_29] : memref<256x128xf32, #tpu.memory_space<vmem>>, vector<256x128xf32>
    %dot_general3A = arith.constant dense<0.000000e+00> : vector<2000x128xf32>
    %dot_general3A_31 = tpu.matmul %concatenate3A, %get3A_30, %dot_general3A {dimension_numbers = #tpu.dot_dimension_numbers<[1], [0], [0], [1], [0, 0, 1, 1], [], []>, transpose_lhs_hint = false} : vector<2000x256xf32>, vector<256x128xf32>, vector<2000x128xf32> -> vector<2000x128xf32>
    %get3A_32 = arith.constant 0 : index
    %get3A_33 = arith.constant 0 : index
    %get3A_34 = vector.load %arg5[%get3A_32, %get3A_33] : memref<1x128xf32, #tpu.memory_space<vmem>>, vector<1x128xf32>
    %add3A_35 = vector.broadcast %get3A_34 : vector<1x128xf32> to vector<2000x128xf32>
    %add3A_36 = arith.addf %dot_general3A_31, %add3A_35 : vector<2000x128xf32>
    %max3A_37 = arith.constant 0.000000e+00 : f32
    %max3A_38 = vector.broadcast %max3A_37 : f32 to vector<2000x128xf32>
    %max3A_39 = arith.maximumf %add3A_36, %max3A_38 : vector<2000x128xf32>
    %swap3A = arith.constant 0 : index
    %swap3A_40 = arith.constant 0 : index
    %swap3A_41 = vector.load %arg6[%swap3A, %swap3A_40] : memref<2000x128xf32, #tpu.memory_space<vmem>>, vector<2000x128xf32>
    tpu.vector_store %arg6[%swap3A, %swap3A_40], %max3A_39 {strides = array<i32>} : memref<2000x128xf32, #tpu.memory_space<vmem>>, vector<2000x128xf32>,
    return
  }
  func.func @transform_0(%arg0: i32) -> (i32, i32, i32) {
    %c0_i32 = arith.constant 0 : i32
    %c0_i32_0 = arith.constant 0 : i32
    %c0_i32_1 = arith.constant 0 : i32
    return %c0_i32, %arg0, %c0_i32_0 : i32, i32, i32
  }
  func.func @transform_1(%arg0: i32) -> (i32, i32, i32) {
    %c0_i32 = arith.constant 0 : i32
    %c0_i32_0 = arith.constant 0 : i32
    %c0_i32_1 = arith.constant 0 : i32
    return %c0_i32, %arg0, %c0_i32_0 : i32, i32, i32
  }
  func.func @transform_2(%arg0: i32) -> (i32, i32) {
    %c0_i32 = arith.constant 0 : i32
    %c0_i32_0 = arith.constant 0 : i32
    return %arg0, %c0_i32 : i32, i32
  }
  func.func @transform_3(%arg0: i32) -> (i32, i32) {
    %c0_i32 = arith.constant 0 : i32
    %c0_i32_0 = arith.constant 0 : i32
    %c0_i32_1 = arith.constant 0 : i32
    return %c0_i32, %c0_i32_0 : i32, i32
  }
  func.func @transform_4(%arg0: i32) -> (i32, i32) {
    %c0_i32 = arith.constant 0 : i32
    %c0_i32_0 = arith.constant 0 : i32
    %c0_i32_1 = arith.constant 0 : i32
    return %c0_i32, %c0_i32_0 : i32, i32
  }
  func.func @transform_5(%arg0: i32) -> (i32, i32) {
    %c0_i32 = arith.constant 0 : i32
    %c0_i32_0 = arith.constant 0 : i32
    return %arg0, %c0_i32 : i32, i32
  }
}

module attributes {stable_mosaic.version = 14 : i64} {
  func.func @_tc_body(%arg0: i32, %arg1: memref<2x2000x128xf32, #tpu.memory_space<vmem>>, %arg2: memref<2x2000x128xf32, #tpu.memory_space<vmem>>, %arg3: memref<2000x128xf32, #tpu.memory_space<vmem>>, %arg4: memref<256x128xf32, #tpu.memory_space<vmem>>, %arg5: memref<1x128xf32, #tpu.memory_space<vmem>>, %arg6: memref<2000x128xf32, #tpu.memory_space<vmem>>) attributes {dimension_semantics = [#tpu.dimension_semantics<arbitrary>], iteration_bounds = array<i64: 5>, scalar_prefetch = 0 : i64, scratch_operands = 0 : i64, tpu.core_type = #tpu.core_type<tc>, window_params = [{transform_indices = @transform_0, window_bounds = array<i64: 2, 2000, 128>}, {transform_indices = @transform_1, window_bounds = array<i64: 2, 2000, 128>}, {transform_indices = @transform_2, window_bounds = array<i64: 2000, 128>}, {pipeline_mode = #tpu.pipeline_mode<synchronous>, transform_indices = @transform_3, window_bounds = array<i64: 256, 128>}, {pipeline_mode = #tpu.pipeline_mode<synchronous>, transform_indices = @transform_4, window_bounds = array<i64: 1, 128>}, {transform_indices = @transform_5, window_bounds = array<i64: 2000, 128>}]} {
    %get3A = arith.constant 0 : index
    %get3A_0 = arith.constant 0 : index
    %get3A_1 = arith.constant 0 : index
    %get3A_2 = vector.load %arg1[%get3A, %get3A_0, %get3A_1] : memref<2x2000x128xf32, #tpu.memory_space<vmem>>, vector<1x2000x128xf32>
    %get3A_3 = vector.shape_cast %get3A_2 : vector<1x2000x128xf32> to vector<2000x128xf32>
    %get3A_4 = arith.constant 1 : index
    %get3A_5 = arith.constant 0 : index
    %get3A_6 = arith.constant 0 : index
    %get3A_7 = vector.load %arg1[%get3A_4, %get3A_5, %get3A_6] : memref<2x2000x128xf32, #tpu.memory_space<vmem>>, vector<1x2000x128xf32>
    %get3A_8 = vector.shape_cast %get3A_7 : vector<1x2000x128xf32> to vector<2000x128xf32>
    %add3A = arith.addf %get3A_3, %get3A_8 : vector<2000x128xf32>
    %get3A_9 = arith.constant 0 : index
    %get3A_10 = arith.constant 0 : index
    %get3A_11 = arith.constant 0 : index
    %get3A_12 = vector.load %arg2[%get3A_9, %get3A_10, %get3A_11] : memref<2x2000x128xf32, #tpu.memory_space<vmem>>, vector<1x2000x1xf32>
    %get3A_13 = vector.shape_cast %get3A_12 : vector<1x2000x1xf32> to vector<2000x1xf32>
    %get3A_14 = arith.constant 1 : index
    %get3A_15 = arith.constant 0 : index
    %get3A_16 = arith.constant 0 : index
    %get3A_17 = vector.load %arg2[%get3A_14, %get3A_15, %get3A_16] : memref<2x2000x128xf32, #tpu.memory_space<vmem>>, vector<1x2000x1xf32>
    %get3A_18 = vector.shape_cast %get3A_17 : vector<1x2000x1xf32> to vector<2000x1xf32>
    %add3A_19 = arith.addf %get3A_13, %get3A_18 : vector<2000x1xf32>
    %max3A = arith.constant 1.000000e+00 : f32
    %max3A_20 = vector.broadcast %max3A : f32 to vector<2000x1xf32>
    %max3A_21 = arith.maximumf %add3A_19, %max3A_20 : vector<2000x1xf32>
    %div3A = arith.constant 1.000000e+00 : f32
    %div3A_22 = vector.broadcast %div3A : f32 to vector<2000x1xf32>
    %div3A_23 = arith.divf %div3A_22, %max3A_21 : vector<2000x1xf32>
    %mul3A = vector.broadcast %div3A_23 : vector<2000x1xf32> to vector<2000x128xf32>
    %mul3A_24 = arith.mulf %add3A, %mul3A : vector<2000x128xf32>
    %get3A_25 = arith.constant 0 : index
    %get3A_26 = arith.constant 0 : index
    %get3A_27 = vector.load %arg3[%get3A_25, %get3A_26] : memref<2000x128xf32, #tpu.memory_space<vmem>>, vector<2000x128xf32>
    %concatenate3A = tpu.concatenate %mul3A_24, %get3A_27 in 1 : vector<2000x128xf32>, vector<2000x128xf32> -> vector<2000x256xf32>
    %get3A_28 = arith.constant 0 : index
    %get3A_29 = arith.constant 0 : index
    %get3A_30 = vector.load %arg4[%get3A_28, %get3A_29] : memref<256x128xf32, #tpu.memory_space<vmem>>, vector<256x128xf32>
    %dot_general3A = arith.constant dense<0.000000e+00> : vector<2000x128xf32>
    %dot_general3A_31 = tpu.matmul %concatenate3A, %get3A_30, %dot_general3A {dimension_numbers = #tpu.dot_dimension_numbers<[1], [0], [0], [1], [0, 0, 1, 1], [], []>, transpose_lhs_hint = false} : vector<2000x256xf32>, vector<256x128xf32>, vector<2000x128xf32> -> vector<2000x128xf32>
    %get3A_32 = arith.constant 0 : index
    %get3A_33 = arith.constant 0 : index
    %get3A_34 = vector.load %arg5[%get3A_32, %get3A_33] : memref<1x128xf32, #tpu.memory_space<vmem>>, vector<1x128xf32>
    %add3A_35 = vector.broadcast %get3A_34 : vector<1x128xf32> to vector<2000x128xf32>
    %add3A_36 = arith.addf %dot_general3A_31, %add3A_35 : vector<2000x128xf32>
    %swap3A = arith.constant 0 : index
    %swap3A_37 = arith.constant 0 : index
    %swap3A_38 = vector.load %arg6[%swap3A, %swap3A_37] : memref<2000x128xf32, #tpu.memory_space<vmem>>, vector<2000x128xf32>
    tpu.vector_store %arg6[%swap3A, %swap3A_37], %add3A_36 {strides = array<i32>} : memref<2000x128xf32, #tpu.memory_space<vmem>>, vector<2000x128xf32>,
    return
  }
  func.func @transform_0(%arg0: i32) -> (i32, i32, i32) {
    %c0_i32 = arith.constant 0 : i32
    %c0_i32_0 = arith.constant 0 : i32
    %c0_i32_1 = arith.constant 0 : i32
    return %c0_i32, %arg0, %c0_i32_0 : i32, i32, i32
  }
  func.func @transform_1(%arg0: i32) -> (i32, i32, i32) {
    %c0_i32 = arith.constant 0 : i32
    %c0_i32_0 = arith.constant 0 : i32
    %c0_i32_1 = arith.constant 0 : i32
    return %c0_i32, %arg0, %c0_i32_0 : i32, i32, i32
  }
  func.func @transform_2(%arg0: i32) -> (i32, i32) {
    %c0_i32 = arith.constant 0 : i32
    %c0_i32_0 = arith.constant 0 : i32
    return %arg0, %c0_i32 : i32, i32
  }
  func.func @transform_3(%arg0: i32) -> (i32, i32) {
    %c0_i32 = arith.constant 0 : i32
    %c0_i32_0 = arith.constant 0 : i32
    %c0_i32_1 = arith.constant 0 : i32
    return %c0_i32, %c0_i32_0 : i32, i32
  }
  func.func @transform_4(%arg0: i32) -> (i32, i32) {
    %c0_i32 = arith.constant 0 : i32
    %c0_i32_0 = arith.constant 0 : i32
    %c0_i32_1 = arith.constant 0 : i32
    return %c0_i32, %c0_i32_0 : i32, i32
  }
  func.func @transform_5(%arg0: i32) -> (i32, i32) {
    %c0_i32 = arith.constant 0 : i32
    %c0_i32_0 = arith.constant 0 : i32
    return %arg0, %c0_i32 : i32, i32
  }
}

</mosaic_0001>

<sc_bundles>
// kernel: kernel.6.cloned.1.call-start
scs
__scs_entry_jumppad:
0x0: {  	(pc) =	sbr.rel $0x88, $3  }
0x1: {  	(tag) =	ssettag $0x0;
	lr =	simm.s32 $0x1  }
0x2: {  	[smem:$0x3F99] =	sst lr;
	_ =	strace $0xD0000000  }
0x3: {  	_ = 	snop  }
0x4: {  	_ = 	snop  }
0x5: {  	_ = 	snop  }
0x6: {  	_ = 	snop  }
0x7: {  	_ = 	snop  }
__scs_overlays_trampoline_lowered:
0x8: {  	[smem:$0x3FA8] =	sst s0  }
0x9: {  	[smem:$0x3FA9] =	sst s1  }
0xa: {  	[smem:$0x3FAA] =	sst s2  }
0xb: {  	[smem:$0x3FAB] =	sst s3  }
0xc: {  	[smem:$0x3FAC] =	sst s4  }
0xd: {  	[smem:$0x3FAD] =	sst s5  }
0xe: {  	[smem:$0x3FAE] =	sst s6  }
0xf: {  	[smem:$0x3FAF] =	sst s7  }
0x10: {  	[smem:$0x3FB0] =	sst s8  }
0x11: {  	[smem:$0x3FB1] =	sst s9;
	s0 =	simm.s32 @!p0 $0x0  }
0x12: {  	s1 =	sld [smem:$0x3F97];
	s0 =	simm.s32 @p0 $0x1  }
0x13: {  	[smem:$0x3FB2] =	sst s0;
	s0 =	simm.s32 @!p1 $0x0  }
0x14: {  	s2 =	sld [smem:$0x3F96];
	s0 =	simm.s32 @p1 $0x1  }
0x15: {  	[smem:$0x3FB3] =	sst s0;
	s0 =	simm.s32 @!p2 $0x0  }
0x16: {  	s3 =	sld [smem:$0x3FDB];
	s0 =	simm.s32 @p2 $0x1  }
0x17: {  	s4 =	simm.s32 $0x1BF5;
	[smem:$0x3FB5] =	sst s0  }
0x18: {  	s0 =	sld [smem:$0x3F98];
	_ =	swait.ge [sflag:s4], $0x0  }
0x19: {  	s7 =	sld [smem:$0x3F99]  }
0x1a: {  	s8 =	sadd.s32 $0xFFFFE003, lr  }
0x1b: {  	s9 =	sadd.s32 $0xFFFFFEF7, lr;
	s5 =	simm.s32 $0xFFFFFFFF;
	p2 =	slt.u32 s8, $0xFFFFF086  }
0x1c: {  	p1 =	slt.u32 s9, $0xF7A;
	s5 =	simm.s32 @!p2 $0x0  }
0x1d: {  	s5 =	simm.s32 @p1 $0x1;
	p0 =	seq.s32 s7, s2  }
0x1e: {  	s7 =	smul.u32 @!p0 $0xF7A, s2;
	p2 =	seq.s32 @!p0 s5, $0x0  }
0x1f: {  	s9 =	smul.u32 $0xF7A, s1;
	s8 =	simm.s32 @!p0 $0x1BF5;
	p2 =	por !p2, p0  }
0x20: {  	[sflag:s8] =	ssyncset.s32 @!p0 $0xFFFFF086;
	s6 =	sadd.s32 @!p0 s3, s7;
	s7 =	simm.s32 @!p0 $0x108  }
0x21: {  	s3 =	sadd.s32 s3, s9;
	s6 =	sadd.s32 @!p0 $0x88, s6;
	s7 =	simm.s32 @p2 $0x1082  }
0x22: {  	[simem:s7], [sflag:s8] =	dma.local @!p0 [hbm:s6], $0xF7A  }
0x23: {  	s9 =	sor.u32 $0xD0000000, s2;
	s6 =	simm.s32 $0x108;
	_ =	swait.ge @!p0 [sflag:s8], $0x0  }
0x24: {  	s3 =	sadd.s32 $0x88, s3;
	s6 =	simm.s32 @!p1 $0x1082;
	[sflag:s4] =	ssyncset.s32 $0xFFFFF086  }
0x25: {  	[simem:s6], [sflag:s4] =	dma.local [hbm:s3], $0xF7A  }
0x26: {  	[smem:$0x3F99] =	sst s1;
	(tag) =	ssettag s2;
	_ =	strace s9  }
0x27: {  	s1 =	sld [smem:$0x3FA9]  }
0x28: {  	s2 =	sld [smem:$0x3FAA]  }
0x29: {  	s4 =	sld [smem:$0x3FAC]  }
0x2a: {  	p0 =	seq.s32 s5, $0x0;
	s5 =	sld [smem:$0x3FAD]  }
0x2b: {  	s6 =	sld [smem:$0x3FAE]  }
0x2c: {  	s7 =	sld [smem:$0x3FAF]  }
0x2d: {  	s3 =	simm.s32 $0x108;
	s8 =	sld [smem:$0x3FB0]  }
0x2e: {  	s3 =	simm.s32 @!p0 $0x1082;
	s9 =	sld [smem:$0x3FB1]  }
0x2f: {  	lr =	sadd.s32 s0, s3;
	s0 =	sld [smem:$0x3FA8]  }
0x30: {  	s3 =	sld [smem:$0x3FAB]  }
0x31: {  	[smem:$0x3FB4] =	sst s10  }
0x32: {  	s10 =	sld [smem:$0x3FB2];
	_ =	sdelay $0x3  }
0x33: {  	p0 =	seq.s32 s10, $0x1;
	s10 =	sld [smem:$0x3FB4];
	_ =	sdelay $0x3  }
0x34: {  	[smem:$0x3FB4] =	sst s10  }
0x35: {  	s10 =	sld [smem:$0x3FB3];
	_ =	sdelay $0x3  }
0x36: {  	p1 =	seq.s32 s10, $0x1;
	s10 =	sld [smem:$0x3FB4];
	_ =	sdelay $0x3  }
0x37: {  	[smem:$0x3FB4] =	sst s10  }
0x38: {  	s10 =	sld [smem:$0x3FB5]  }
0x39: {  	_ = 	snop;
	(pc) =	sbr.ind lr, $3  }
0x3a: {  	_ = 	snop  }
0x3b: {  	_ = 	snop  }
0x3c: {  	p2 =	seq.s32 s10, $0x1;
	s10 =	sld [smem:$0x3FB4]  }
0x3d: {  	_ =	shalt  }
0x3e: {  	_ =	shalt  }
0x3f: {  	_ =	shalt  }
0x40: {  	_ =	shalt  }
0x41: {  	_ =	shalt  }
0x42: {  	_ =	shalt  }
0x43: {  	_ =	shalt  }
0x44: {  	_ =	shalt  }
0x45: {  	_ =	shalt  }
0x46: {  	_ =	shalt  }
0x47: {  	_ =	shalt  }
0x48: {  	_ =	shalt  }
0x49: {  	_ =	shalt  }
0x4a: {  	_ =	shalt  }
0x4b: {  	_ =	shalt  }
0x4c: {  	_ =	shalt  }
0x4d: {  	_ =	shalt  }
0x4e: {  	_ =	shalt  }
0x4f: {  	_ =	shalt  }
0x50: {  	_ =	shalt  }
0x51: {  	_ =	shalt  }
0x52: {  	_ =	shalt  }
0x53: {  	_ =	shalt  }
0x54: {  	_ =	shalt  }
0x55: {  	_ =	shalt  }
0x56: {  	_ =	shalt  }
0x57: {  	_ =	shalt  }
0x58: {  	_ =	shalt  }
0x59: {  	_ =	shalt  }
0x5a: {  	_ =	shalt  }
0x5b: {  	_ =	shalt  }
0x5c: {  	_ =	shalt  }
0x5d: {  	_ =	shalt  }
0x5e: {  	_ =	shalt  }
0x5f: {  	_ =	shalt  }
0x60: {  	_ =	shalt  }
0x61: {  	_ =	shalt  }
0x62: {  	_ =	shalt  }
0x63: {  	_ =	shalt  }
0x64: {  	_ =	shalt  }
0x65: {  	_ =	shalt  }
0x66: {  	_ =	shalt  }
0x67: {  	_ =	shalt  }
0x68: {  	_ =	shalt  }
0x69: {  	_ =	shalt  }
0x6a: {  	_ =	shalt  }
0x6b: {  	_ =	shalt  }
0x6c: {  	_ =	shalt  }
0x6d: {  	_ =	shalt  }
0x6e: {  	_ =	shalt  }
0x6f: {  	_ =	shalt  }
0x70: {  	_ =	shalt  }
0x71: {  	_ =	shalt  }
0x72: {  	_ =	shalt  }
0x73: {  	_ =	shalt  }
0x74: {  	_ =	shalt  }
0x75: {  	_ =	shalt  }
0x76: {  	_ =	shalt  }
0x77: {  	_ =	shalt  }
0x78: {  	_ =	shalt  }
0x79: {  	_ =	shalt  }
0x7a: {  	_ =	shalt  }
0x7b: {  	_ =	shalt  }
0x7c: {  	_ =	shalt  }
0x7d: {  	_ =	shalt  }
0x7e: {  	_ =	shalt  }
0x7f: {  	_ =	shalt  }
0x80: {  	_ =	shalt  }
0x81: {  	_ =	shalt  }
0x82: {  	_ =	shalt  }
0x83: {  	_ =	shalt  }
0x84: {  	_ =	shalt  }
0x85: {  	_ =	shalt  }
0x86: {  	_ =	shalt  }
0x87: {  	_ =	shalt  }
.Lfunc_end0:
.L_simem_size_0:
called_computation_lowered:
.L_overlay_start_0:
0x88: {  	s2 =	sld [smem:$0x3FD9]  }
0x89: {  	s3 =	sld [smem:$0x3FFE];
	_ =	sdelay $0x1  }
0x8a: {  	s1 =	srdreg.scid  }
0x8b: {  	s0 =	sand.u32 $0x1, s1  }
0x8c: {  	s17 =	sshll.u32 s0, $0xA;
	s2 =	sadd.s32 s3, s2  }
0x8d: {  	s2 =	sadd.s32 s2, s17  }
0x8e: {  	[smem:$0x3FC0] =	sst s2  }
0x8f: {  	_ = 	snop  }
0x90: {  	s2 =	sld [smem:$0x3FC9]  }
0x91: {  	s18 =	sld [smem:$0x3FD0];
	(tm) =	ssettm $0x1  }
0x92: {  	s4 =	sld [smem:$0x3FFB];
	_ =	sdelay $0x3  }
0x93: {  	_ =	strace s4  }
0x94: {  	s4 =	sld [smem:$0x3FFC];
	_ =	sdelay $0x3  }
0x95: {  	_ =	strace s4  }
0x96: {  	s4 =	sld [smem:$0x3FFD];
	_ =	sdelay $0x3  }
0x97: {  	_ =	strace s4  }
0x98: {  	_ =	strace $0x8FFFFFFF  }
0x99: {  	s19 =	sld [smem:$0x3FDB];
	_ =	sdelay $0x1  }
0x9a: {  	s5 =	simm.s32 $_scs_section_size  }
0x9b: {  	s6 =	simm.s32 $_size__tile_overlayer_lowered;
	s7 =	simm.s32 $_tile_overlayer_lowered  }
0x9c: {  	s22 =	simm.s32 $0x1BFF;
	s21 =	sshll.u32 s7, $0x1;
	s4 =	sadd.s32 s5, s19  }
0x9d: {  	s8 =	simm.s32 $0x0;
	s20 =	sshll.u32 s6, $0x1;
	s6 =	sadd.s32 s21, s4  }
0x9e: {  	[timem:s8], [sflag:s22] =	dma.local [hbm:s6], s20  }
0x9f: {  	_ =	swait.ge [sflag:s22], s20  }
0xa0: {  	s5 =	ssub.s32 $0x0, s20;
	[sflag:s22] =	ssyncset.done $0x0  }
0xa1: {  	[sflag:s22] =	ssyncadd.s32 s5;
	_ =	sdelay $0x1  }
0xa2: {  	s23 =	simm.s32 $0x1B8B  }
0xa3: {  	_ =	swait.ge [sflag:s23], $0x1  }
0xa4: {  	[sflag:s23] =	ssyncset.done $0x0  }
0xa5: {  	s25 =	simm.s32 $0x1B8E;
	s24 =	sld [smem:$0x3FFE];
	[sflag:s23] =	ssyncadd.s32 $0xFFFFFFFF  }
0xa6: {  	s26 =	simm.s32 $execute0_lowered;
	[smem:$0x3FD2] =	sst s25  }
0xa7: {  	s6 =	sshll.u32 s26, $0x1;
	_ =	strace $0x80000046;
	[dreg:$0x1] =	wrdreg $0xFFFFFFFF  }
0xa8: {  	s28 =	simm.s32 $_size_execute0_lowered;
	s4 =	sadd.s32 s4, s6;
	[dreg:$0x0] =	wrdreg $0x0  }
0xa9: {  	s6 =	sshll.u32 s28, $0x1;
	[dreg:$0x2] =	wrdreg s4  }
0xaa: {  	[dreg:$0x3] =	wrdreg s6  }
0xab: {  	[dreg:$0x4] =	wrdreg $0xC0  }
0xac: {  	_ =	task [dreg:s8], $0x5FFFF  }
0xad: {  	[dreg:$0x1] =	wrdreg $0xFFFFFFFF  }
0xae: {  	[dreg:$0x0] =	wrdreg $0x60  }
0xaf: {  	[dreg:$0x2] =	wrdreg s2  }
0xb0: {  	[dreg:$0x3] =	wrdreg s24  }
0xb1: {  	[dreg:$0x4] =	wrdreg s18  }
0xb2: {  	[dreg:$0x5] =	wrdreg $0x0  }
0xb3: {  	[dreg:$0x6] =	wrdreg $0x9  }
0xb4: {  	_ =	task.clear_ibuf [dreg:s8], $0x7FFFF;
	_ =	strace $0x90000046  }
0xb5: {  	s29 =	simm.s32 $0x9;
	_ =	strace $0x80000048  }
0xb6: {  	_ =	swait.ge [sflag:s29], $0x1  }
0xb7: {  	[sflag:s29] =	ssyncadd.s32 $0xFFFFFFFF  }
0xb8: {  	_ =	strace $0x90000048  }
0xb9: {  	_ =	sfence  }
0xba: {  	s30 =	sld [smem:$0x0];
	_ =	sdelay $0x2  }
0xbb: {  	s31 =	sshll.u32 s1, $0xD;
	s1 =	sshrl.u32 s1, $0x2  }
0xbc: {  	s3 =	sand.u32 $0x4000, s31;
	s1 =	sadd.s32 s1, s30  }
0xbd: {  	s0 =	sor.u32 s3, s0;
	s1 =	sshll.u32 s1, $0x11  }
0xbe: {  	s0 =	sor.u32 s1, s0  }
0xbf: {  	s0 =	sadd.s32 $0x8F2B, s0  }
0xc0: {  	[sflag:s0] =	ssyncadd.remote.s32 $0x1  }
0xc1: {  	_ =	sfence.sel $0xFFFF  }
0xc2: {  	[dreg:$0x0] =	wrdreg $0xFFFFFFFF;
	(pc) =	sbr.abs _section_cstart, $3  }
0xc3: {  	[dreg:$0x1] =	wrdreg $0xFFFFFFFF  }
0xc4: {  	_ =	task.clear_ibuf [dreg:s8], $0x2FFFF;
	_ =	strace $0x9FFFFFFF  }
0xc5: {  	(tm) =	ssettm $0x7FFFFFFF  }
tec
execute0_lowered:
.L_overlay_start_1:
0x0: {  	(tag) =	ssettag $0x1  }
0x1: {  	s1 =	rddreg [dreg:$0x0]  }
0x2: {  	s0 =	rddreg [dreg:$0x1]  }
0x3: {  	s4 =	rddreg [dreg:$0x3]  }
0x4: {  	s14 =	stileid.u32;
	s2 =	srdreg.scid  }
0x5: {  	s5 =	simm.s32 $0x0;
	s28 =	simm.s32 $0x14100;
	s29 =	simm.s32 $0x14300  }
0x6: {  	s30 =	simm.s32 $0x14180;
	s31 =	simm.s32 $0x14380;
	s3 =	smul.u32 $0x14000, s14  }
0x7: {  	s2 =	sand.u32 $0x1, s2;
	[smem:$0x7FF] =	sst s5;
	s9 =	sadd.s32 $0x2000, s0  }
0x8: {  	s11 =	sadd.s32 $0xC000, s0;
	s10 =	sshll.u32 s14, $0x1;
	s12 =	smul.u32 $0x50000, s14  }
0x9: {  	s25 =	sshll.u32 s14, $0x6;
	s6 =	smul.u32 $0x140000, s2;
	_ =	strace $0x80000047  }
0xa: {  	s22 =	ssub.s32 $0x2, s2;
	s23 =	sor.u32 s2, s10;
	s10 =	sor.u32 $0x1C07, s25  }
0xb: {  	s7 =	sshrl.u32 s3, $0x3;
	s8 =	sshrl.u32 s22, $0x1;
	s13 =	smul.u32 $0x500, s23  }
0xc: {  	s24 =	sshrl.u32 s12, $0x2;
	s23 =	smul.u32 $0x500, s2;
	s2 =	simm.s32 $0x7D  }
0xd: {  	[dreg:$0x7] =	wrdreg s10;
	s3 =	sadd.s32 s3, s6;
	s26 =	sadd.s32 s24, s4  }
0xe: {  	s21 =	sadd.s32 s7, s0;
	s3 =	sshrl.u32 s3, $0x3;
	[dreg:$0x5] =	wrdreg s26  }
0xf: {  	s12 =	sadd.s32 $0x16000, s21;
	s7 =	sadd.s32 s9, s13;
	s15 =	sor.u32 $0x10, s13  }
0x10: {  	s17 =	sor.u32 $0x20, s13;
	s0 =	sadd.s32 s3, s0;
	[dreg:$0x8] =	wrdreg s7  }
0x11: {  	s3 =	ssub.s32 s22, s8;
	s8 =	sadd.s32 s11, s13;
	[dreg:$0x6] =	wrdreg s12  }
0x12: {  	s19 =	sor.u32 $0x30, s13;
	s16 =	sadd.s32 s9, s15;
	[dreg:$0x9] =	wrdreg s8  }
0x13: {  	s21 =	smul.u32 $0xA00, s14;
	s6 =	sadd.s32 s11, s15;
	[dreg:$0xa] =	wrdreg s16  }
0x14: {  	s14 =	simm.s32 $0x2;
	s18 =	sadd.s32 s9, s17;
	[dreg:$0xb] =	wrdreg s6  }
0x15: {  	s20 =	sadd.s32 s9, s19;
	s13 =	simm.s32 $0x5;
	[dreg:$0xc] =	wrdreg s18  }
0x16: {  	s15 =	simm.s32 $0x6;
	s6 =	sadd.s32 s11, s17;
	[dreg:$0xe] =	wrdreg s20  }
0x17: {  	s22 =	sadd.s32 $0x3E000, s0;
	s0 =	sadd.s32 $0x8E000, s0;
	s24 =	smax.u32 s3, $0x1  }
0x18: {  	s25 =	sadd.s32 s21, s9;
	s26 =	sadd.s32 s21, s11;
	[dreg:$0xd] =	wrdreg s6  }
0x19: {  	s3 =	simm.s32 $0x14400;
	s9 =	simm.s32 $0x18400;
	[dreg:$0x10] =	wrdreg s22  }
0x1a: {  	s16 =	simm.s32 $0x0;
	s6 =	sadd.s32 s11, s19;
	[dreg:$0x11] =	wrdreg s0  }
0x1b: {  	[dreg:$0x12] =	wrdreg s24;
	s20 =	sadd.s32 s23, s25;
	s21 =	sadd.s32 s23, s26  }
0x1c: {  	s22 =	simm.s32 $0x7;
	s23 =	simm.s32 $0x14000;
	s24 =	simm.s32 $0x14200  }
0x1d: {  	s25 =	simm.s32 $0x14080;
	s26 =	simm.s32 $0x14280;
	s0 =	simm.s32 $0x3  }
0x1e: {  	s11 =	simm.s32 $0x1;
	[dreg:$0xf] =	wrdreg s6;
	s6 =	simm.s32 $0x4  }
.LBB2_1:
0x1f: {  	s7 =	rddreg [dreg:$0x5]  }
0x20: {  	s17 =	sshrl.u32 s7, $0x3  }
0x21: {  	[spmem:s17], [sflag:s10] =	dma.local [hbm:s12], $0x2800  }
0x22: {  	_ =	swait.ge [sflag:s22], $0x2800  }
0x23: {  	[sflag:s22] =	ssyncset.done $0x0  }
0x24: {  	[sflag:s22] =	ssyncadd.s32 $0xFFFFD800  }
0x25: {  	[bflag:$0x0] =	sbarrier.arrive $0xFFFF  }
0x26: {  	s12 =	rddreg [dreg:$0x8]  }
0x27: {  	[tilespmem:s23], [sflag:$0x3] =	stream.linear.gather [hbm4b:s12+s5], $0x80, $0x38;
	[tilespmem:$0x1C400] =	vst v63  }
0x28: {  	s18 =	rddreg [dreg:$0x9]  }
0x29: {  	[tilespmem:s24], [sflag:$0x3] =	stream.linear.gather [hbm4b:s18+s5], $0x80, $0x38;
	[tilespmem:$0x1C400] =	vst v63  }
0x2a: {  	s19 =	rddreg [dreg:$0xa]  }
0x2b: {  	[tilespmem:s25], [sflag:$0x4] =	stream.linear.gather [hbm4b:s19+s5], $0x80, $0x38;
	[tilespmem:$0x1C400] =	vst v63  }
0x2c: {  	s8 =	rddreg [dreg:$0xb]  }
0x2d: {  	[tilespmem:s26], [sflag:$0x4] =	stream.linear.gather [hbm4b:s8+s5], $0x80, $0x38;
	[tilespmem:$0x1C400] =	vst v63  }
0x2e: {  	s10 =	rddreg [dreg:$0xc]  }
0x2f: {  	[tilespmem:s28], [sflag:$0x5] =	stream.linear.gather [hbm4b:s10+s5], $0x80, $0x38;
	[tilespmem:$0x1C400] =	vst v63  }
0x30: {  	s12 =	rddreg [dreg:$0xd]  }
0x31: {  	[tilespmem:s29], [sflag:$0x5] =	stream.linear.gather [hbm4b:s12+s5], $0x80, $0x38;
	[tilespmem:$0x1C400] =	vst v63  }
0x32: {  	s18 =	rddreg [dreg:$0xe]  }
0x33: {  	[tilespmem:s30], [sflag:$0x6] =	stream.linear.gather [hbm4b:s18+s5], $0x80, $0x38;
	[tilespmem:$0x1C400] =	vst v63  }
0x34: {  	s19 =	rddreg [dreg:$0xf]  }
0x35: {  	[tilespmem:s31], [sflag:$0x6] =	stream.linear.gather [hbm4b:s19+s5], $0x80, $0x38;
	[tilespmem:$0x1C400] =	vst v63  }
0x36: {  	_ =	swait.ge [sflag:s0], $0x80  }
0x37: {  	[sflag:s0] =	ssyncset.done $0x0  }
0x38: {  	[sflag:s0] =	ssyncadd.s32 $0xFFFFFF80  }
0x39: {  	_ =	swait.ge [sflag:s0], $0x80  }
0x3a: {  	[sflag:s0] =	ssyncset.done $0x0  }
0x3b: {  	[sflag:s0] =	ssyncadd.s32 $0xFFFFFF80  }
0x3c: {  	[tilespmem:s3], [sflag:$0x1] =	stream.indirect.gather [hbm4b:s1+s2], $0x80, s23, s2, $0xb8;
	[tilespmem:$0x1C400] =	vst v63  }
0x3d: {  	_ =	swait.ge [sflag:s6], $0x80  }
0x3e: {  	[sflag:s6] =	ssyncset.done $0x0  }
0x3f: {  	[sflag:s6] =	ssyncadd.s32 $0xFFFFFF80  }
0x40: {  	_ =	swait.ge [sflag:s6], $0x80  }
0x41: {  	[sflag:s6] =	ssyncset.done $0x0  }
0x42: {  	s18 =	simm.s32 $0x0;
	[sflag:s6] =	ssyncadd.s32 $0xFFFFFF80  }
0x43: {  	[tilespmem:s9], [sflag:$0x2] =	stream.indirect.gather [hbm4b:s1+s2], $0x80, s25, s2, $0xb8;
	[tilespmem:$0x1C400] =	vst v63  }
.LBB2_2:
0x44: {  	_ =	swait.ge [sflag:s11], $0x3E80  }
0x45: {  	[sflag:s11] =	ssyncset.done $0x0  }
0x46: {  	[sflag:s11] =	ssyncadd.s32 $0xFFFFC180  }
0x47: {  	[spmem:s4] =	stream.indirect.scatter.add.f32 [tilespmem:s3], [sflag:$0x7], $0x80, s24, s2, $0xb8;
	[tilespmem:$0x1C400] =	vst v63  }
0x48: {  	p0 =	seq.s32 s18, $0x4C0;
	_ =	swait.ge [sflag:s22], $0x3E80  }
0x49: {  	s19 =	sadd.s32 @!p0 s18, s20;
	s10 =	simm.s32 @!p0 $0x0;
	[sflag:s22] =	ssyncset.done $0x0  }
0x4a: {  	s12 =	simm.s32 @!p0 $0x14000;
	s7 =	sadd.s32 @!p0 $0x40, s19;
	[sflag:s22] =	ssyncadd.s32 $0xFFFFC180  }
0x4b: {  	[tilespmem:s12], [sflag:$0x3] =	stream.linear.gather @!p0 [hbm4b:s7+s10], $0x80, $0x38;
	[tilespmem:$0x1C400] =	vst v63  }
0x4c: {  	s7 =	sadd.s32 @!p0 s18, s21  }
0x4d: {  	s8 =	simm.s32 @!p0 $0x14200;
	s12 =	sadd.s32 @!p0 $0x40, s7  }
0x4e: {  	[tilespmem:s8], [sflag:$0x3] =	stream.linear.gather @!p0 [hbm4b:s12+s10], $0x80, $0x38;
	[tilespmem:$0x1C400] =	vst v63  }
0x4f: {  	_ =	swait.ge [sflag:s13], $0x80  }
0x50: {  	[sflag:s13] =	ssyncset.done $0x0  }
0x51: {  	[sflag:s13] =	ssyncadd.s32 $0xFFFFFF80  }
0x52: {  	_ =	swait.ge [sflag:s13], $0x80  }
0x53: {  	[sflag:s13] =	ssyncset.done $0x0  }
0x54: {  	[sflag:s13] =	ssyncadd.s32 $0xFFFFFF80  }
0x55: {  	[tilespmem:s3], [sflag:$0x1] =	stream.indirect.gather [hbm4b:s1+s2], $0x80, s28, s2, $0xb8;
	[tilespmem:$0x1C400] =	vst v63  }
0x56: {  	_ =	swait.ge [sflag:s14], $0x3E80  }
0x57: {  	[sflag:s14] =	ssyncset.done $0x0  }
0x58: {  	[sflag:s14] =	ssyncadd.s32 $0xFFFFC180  }
0x59: {  	[spmem:s4] =	stream.indirect.scatter.add.f32 [tilespmem:s9], [sflag:$0x7], $0x80, s26, s2, $0xb8;
	[tilespmem:$0x1C400] =	vst v63  }
0x5a: {  	_ =	swait.ge [sflag:s22], $0x3E80  }
0x5b: {  	[sflag:s22] =	ssyncset.done $0x0  }
0x5c: {  	s8 =	sadd.s32 @!p0 $0x50, s19;
	s12 =	simm.s32 @!p0 $0x14080;
	[sflag:s22] =	ssyncadd.s32 $0xFFFFC180  }
0x5d: {  	[tilespmem:s12], [sflag:$0x4] =	stream.linear.gather @!p0 [hbm4b:s8+s10], $0x80, $0x38;
	[tilespmem:$0x1C400] =	vst v63  }
0x5e: {  	s7 =	sadd.s32 @!p0 $0x50, s7;
	s8 =	simm.s32 @!p0 $0x14280  }
0x5f: {  	[tilespmem:s8], [sflag:$0x4] =	stream.linear.gather @!p0 [hbm4b:s7+s10], $0x80, $0x38;
	[tilespmem:$0x1C400] =	vst v63  }
0x60: {  	_ =	swait.ge [sflag:s15], $0x80  }
0x61: {  	[sflag:s15] =	ssyncset.done $0x0  }
0x62: {  	[sflag:s15] =	ssyncadd.s32 $0xFFFFFF80  }
0x63: {  	_ =	swait.ge [sflag:s15], $0x80  }
0x64: {  	[sflag:s15] =	ssyncset.done $0x0  }
0x65: {  	[sflag:s15] =	ssyncadd.s32 $0xFFFFFF80  }
0x66: {  	[tilespmem:s9], [sflag:$0x2] =	stream.indirect.gather [hbm4b:s1+s2], $0x80, s30, s2, $0xb8;
	[tilespmem:$0x1C400] =	vst v63  }
0x67: {  	_ =	swait.ge [sflag:s11], $0x3E80  }
0x68: {  	[sflag:s11] =	ssyncset.done $0x0  }
.Ltmp0:
0x69: {  	[sflag:s11] =	ssyncadd.s32 $0xFFFFC180;
	(pc) =	sbr.rel @p0 .LBB2_4-.Ltmp0, $4  }
0x6a: {  	[spmem:s4] =	stream.indirect.scatter.add.f32 [tilespmem:s3], [sflag:$0x7], $0x80, s29, s2, $0xb8;
	[tilespmem:$0x1C400] =	vst v63  }
0x6b: {  	_ =	swait.ge [sflag:s22], $0x3E80  }
0x6c: {  	[sflag:s22] =	ssyncset.done $0x0  }
0x6d: {  	[sflag:s22] =	ssyncadd.s32 $0xFFFFC180  }
0x6e: {  	s7 =	sadd.s32 s18, s20  }
0x6f: {  	s12 =	sadd.s32 s18, s21;
	s8 =	sadd.s32 $0x60, s7  }
0x70: {  	[tilespmem:s28], [sflag:$0x5] =	stream.linear.gather [hbm4b:s8+s5], $0x80, $0x38;
	[tilespmem:$0x1C400] =	vst v63  }
0x71: {  	s10 =	sadd.s32 $0x60, s12  }
0x72: {  	[tilespmem:s29], [sflag:$0x5] =	stream.linear.gather [hbm4b:s10+s5], $0x80, $0x38;
	[tilespmem:$0x1C400] =	vst v63  }
0x73: {  	_ =	swait.ge [sflag:s0], $0x80  }
0x74: {  	[sflag:s0] =	ssyncset.done $0x0  }
0x75: {  	[sflag:s0] =	ssyncadd.s32 $0xFFFFFF80  }
0x76: {  	_ =	swait.ge [sflag:s0], $0x80  }
0x77: {  	[sflag:s0] =	ssyncset.done $0x0  }
0x78: {  	[sflag:s0] =	ssyncadd.s32 $0xFFFFFF80  }
0x79: {  	[tilespmem:s3], [sflag:$0x1] =	stream.indirect.gather [hbm4b:s1+s2], $0x80, s23, s2, $0xb8;
	[tilespmem:$0x1C400] =	vst v63  }
0x7a: {  	_ =	swait.ge [sflag:s14], $0x3E80  }
0x7b: {  	[sflag:s14] =	ssyncset.done $0x0  }
0x7c: {  	[sflag:s14] =	ssyncadd.s32 $0xFFFFC180  }
0x7d: {  	[spmem:s4] =	stream.indirect.scatter.add.f32 [tilespmem:s9], [sflag:$0x7], $0x80, s31, s2, $0xb8;
	[tilespmem:$0x1C400] =	vst v63  }
0x7e: {  	_ =	swait.ge [sflag:s22], $0x3E80  }
0x7f: {  	[sflag:s22] =	ssyncset.done $0x0  }
0x80: {  	s7 =	sadd.s32 $0x70, s7;
	[sflag:s22] =	ssyncadd.s32 $0xFFFFC180  }
0x81: {  	[tilespmem:s30], [sflag:$0x6] =	stream.linear.gather [hbm4b:s7+s5], $0x80, $0x38;
	[tilespmem:$0x1C400] =	vst v63  }
0x82: {  	s19 =	sadd.s32 $0x70, s12  }
0x83: {  	[tilespmem:s31], [sflag:$0x6] =	stream.linear.gather [hbm4b:s19+s5], $0x80, $0x38;
	[tilespmem:$0x1C400] =	vst v63  }
0x84: {  	_ =	swait.ge [sflag:s6], $0x80  }
0x85: {  	[sflag:s6] =	ssyncset.done $0x0  }
.Ltmp1:
0x86: {  	[sflag:s6] =	ssyncadd.s32 $0xFFFFFF80;
	(pc) =	sbr.rel .LBB2_2-.Ltmp1, $4  }
0x87: {  	_ =	swait.ge [sflag:s6], $0x80  }
0x88: {  	[sflag:s6] =	ssyncset.done $0x0  }
0x89: {  	s18 =	sadd.s32 $0x40, s18;
	[sflag:s6] =	ssyncadd.s32 $0xFFFFFF80  }
0x8a: {  	[tilespmem:s9], [sflag:$0x2] =	stream.indirect.gather [hbm4b:s1+s2], $0x80, s25, s2, $0xb8;
	[tilespmem:$0x1C400] =	vst v63  }
.LBB2_4:
0x8b: {  	_ =	swait.ge [sflag:s14], $0x3E80  }
0x8c: {  	[sflag:s14] =	ssyncset.done $0x0  }
0x8d: {  	[sflag:s14] =	ssyncadd.s32 $0xFFFFC180  }
0x8e: {  	[spmem:s4] =	stream.indirect.scatter.add.f32 [tilespmem:s9], [sflag:$0x7], $0x80, s31, s2, $0xb8;
	[tilespmem:$0x1C400] =	vst v63  }
0x8f: {  	_ =	swait.ge [sflag:s22], $0x3E80  }
0x90: {  	[sflag:s22] =	ssyncset.done $0x0  }
0x91: {  	[sflag:s22] =	ssyncadd.s32 $0xFFFFC180  }
0x92: {  	[bflag:$0x0] =	sbarrier.arrive $0xFFFF  }
0x93: {  	s10 =	rddreg [dreg:$0x7]  }
0x94: {  	s7 =	rddreg [dreg:$0x10]  }
0x95: {  	[hbm:s7], [sflag:s10] =	dma.local [spmem:s17], $0x2800  }
0x96: {  	_ =	swait.ge [sflag:s22], $0x2800  }
0x97: {  	[sflag:s22] =	ssyncset.done $0x0  }
0x98: {  	[sflag:s22] =	ssyncadd.s32 $0xFFFFD800  }
0x99: {  	[bflag:$0x0] =	sbarrier.arrive $0xFFFF  }
0x9a: {  	s12 =	rddreg [dreg:$0x6]  }
0x9b: {  	[spmem:s17], [sflag:s10] =	dma.local [hbm:s12], $0x2800  }
0x9c: {  	_ =	swait.ge [sflag:s22], $0x2800  }
0x9d: {  	[sflag:s22] =	ssyncset.done $0x0  }
0x9e: {  	[sflag:s22] =	ssyncadd.s32 $0xFFFFD800  }
0x9f: {  	s19 =	rddreg [dreg:$0x2]  }
0xa0: {  	[tilespmem:s3], [sflag:$0x7] =	stream.linear.gather [hbm4b:s19+s5], $0x3E80, $0x38;
	[tilespmem:$0x1C400] =	vst v63  }
0xa1: {  	_ =	swait.ge [sflag:s22], $0x3E80  }
0xa2: {  	[sflag:s22] =	ssyncset.done $0x0  }
0xa3: {  	[sflag:s22] =	ssyncadd.s32 $0xFFFFC180  }
0xa4: {  	[bflag:$0x0] =	sbarrier.arrive $0xFFFF  }
0xa5: {  	s8 =	rddreg [dreg:$0x9]  }
0xa6: {  	[tilespmem:s24], [sflag:$0x3] =	stream.linear.gather [hbm4b:s8+s5], $0x80, $0x38;
	[tilespmem:$0x1C400] =	vst v63  }
0xa7: {  	s18 =	rddreg [dreg:$0xb]  }
0xa8: {  	[tilespmem:s26], [sflag:$0x4] =	stream.linear.gather [hbm4b:s18+s5], $0x80, $0x38;
	[tilespmem:$0x1C400] =	vst v63  }
0xa9: {  	_ =	swait.ge [sflag:s0], $0x80  }
0xaa: {  	[sflag:s0] =	ssyncset.done $0x0  }
0xab: {  	[sflag:s0] =	ssyncadd.s32 $0xFFFFFF80  }
0xac: {  	[spmem:s4] =	stream.indirect.scatter.add.f32 [tilespmem:s3], [sflag:$0x7], $0x80, s24, s2, $0xb8;
	[tilespmem:$0x1C400] =	vst v63  }
0xad: {  	_ =	swait.ge [sflag:s22], $0x3E80  }
0xae: {  	s19 =	sadd.s32 $0xFFFFFB20, s21;
	[sflag:s22] =	ssyncset.done $0x0  }
0xaf: {  	s8 =	sadd.s32 $0x500, s19;
	[sflag:s22] =	ssyncadd.s32 $0xFFFFC180  }
0xb0: {  	[tilespmem:s24], [sflag:$0x3] =	stream.linear.gather [hbm4b:s8+s5], $0x80, $0x38;
	[tilespmem:$0x1C400] =	vst v63  }
0xb1: {  	_ =	swait.ge [sflag:s6], $0x80  }
0xb2: {  	[sflag:s6] =	ssyncset.done $0x0  }
0xb3: {  	[sflag:s6] =	ssyncadd.s32 $0xFFFFFF80  }
0xb4: {  	[spmem:s4] =	stream.indirect.scatter.add.f32 [tilespmem:s3], [sflag:$0x7], $0x80, s26, s2, $0xb8;
	[tilespmem:$0x1C400] =	vst v63  }
0xb5: {  	_ =	swait.ge [sflag:s22], $0x3E80  }
0xb6: {  	[sflag:s22] =	ssyncset.done $0x0  }
0xb7: {  	s19 =	sadd.s32 $0x510, s19;
	s18 =	simm.s32 $0xFFFFFB40;
	[sflag:s22] =	ssyncadd.s32 $0xFFFFC180  }
.LBB2_5:
0xb8: {  	[tilespmem:s26], [sflag:$0x4] =	stream.linear.gather [hbm4b:s19+s5], $0x80, $0x38;
	[tilespmem:$0x1C400] =	vst v63  }
0xb9: {  	s7 =	smov.u32 s18  }
0xba: {  	p0 =	sne.s32 s18, $0xFFFFFFE0;
	s18 =	sadd.s32 $0x20, s18;
	_ =	swait.ge [sflag:s0], $0x80  }
0xbb: {  	[sflag:s0] =	ssyncset.done $0x0  }
0xbc: {  	[sflag:s0] =	ssyncadd.s32 $0xFFFFFF80  }
0xbd: {  	[spmem:s4] =	stream.indirect.scatter.add.f32 [tilespmem:s3], [sflag:$0x7], $0x80, s24, s2, $0xb8;
	[tilespmem:$0x1C400] =	vst v63  }
0xbe: {  	_ =	swait.ge [sflag:s22], $0x3E80  }
0xbf: {  	s7 =	sadd.s32 s7, s21;
	[sflag:s22] =	ssyncset.done $0x0  }
0xc0: {  	s8 =	sadd.s32 $0x500, s7;
	[sflag:s22] =	ssyncadd.s32 $0xFFFFC180  }
0xc1: {  	[tilespmem:s24], [sflag:$0x3] =	stream.linear.gather [hbm4b:s8+s5], $0x80, $0x38;
	[tilespmem:$0x1C400] =	vst v63  }
0xc2: {  	_ =	swait.ge [sflag:s6], $0x80  }
0xc3: {  	[sflag:s6] =	ssyncset.done $0x0  }
.Ltmp2:
0xc4: {  	[sflag:s6] =	ssyncadd.s32 $0xFFFFFF80;
	(pc) =	sbr.rel @p0 .LBB2_5-.Ltmp2, $4  }
0xc5: {  	[spmem:s4] =	stream.indirect.scatter.add.f32 [tilespmem:s3], [sflag:$0x7], $0x80, s26, s2, $0xb8;
	[tilespmem:$0x1C400] =	vst v63  }
0xc6: {  	_ =	swait.ge [sflag:s22], $0x3E80  }
0xc7: {  	[sflag:s22] =	ssyncset.done $0x0  }
0xc8: {  	s19 =	sadd.s32 $0x510, s7;
	[sflag:s22] =	ssyncadd.s32 $0xFFFFC180  }
0xc9: {  	[tilespmem:s26], [sflag:$0x4] =	stream.linear.gather [hbm4b:s19+s5], $0x80, $0x38;
	[tilespmem:$0x1C400] =	vst v63  }
0xca: {  	_ =	swait.ge [sflag:s0], $0x80  }
0xcb: {  	[sflag:s0] =	ssyncset.done $0x0  }
0xcc: {  	[sflag:s0] =	ssyncadd.s32 $0xFFFFFF80  }
0xcd: {  	[spmem:s4] =	stream.indirect.scatter.add.f32 [tilespmem:s3], [sflag:$0x7], $0x80, s24, s2, $0xb8;
	[tilespmem:$0x1C400] =	vst v63  }
0xce: {  	_ =	swait.ge [sflag:s22], $0x3E80  }
0xcf: {  	[sflag:s22] =	ssyncset.done $0x0  }
0xd0: {  	[sflag:s22] =	ssyncadd.s32 $0xFFFFC180  }
0xd1: {  	_ =	swait.ge [sflag:s6], $0x80  }
0xd2: {  	[sflag:s6] =	ssyncset.done $0x0  }
0xd3: {  	[sflag:s6] =	ssyncadd.s32 $0xFFFFFF80  }
0xd4: {  	[spmem:s4] =	stream.indirect.scatter.add.f32 [tilespmem:s3], [sflag:$0x7], $0x80, s26, s2, $0xb8;
	[tilespmem:$0x1C400] =	vst v63  }
0xd5: {  	_ =	swait.ge [sflag:s22], $0x3E80  }
0xd6: {  	[sflag:s22] =	ssyncset.done $0x0  }
0xd7: {  	[sflag:s22] =	ssyncadd.s32 $0xFFFFC180  }
0xd8: {  	[bflag:$0x0] =	sbarrier.arrive $0xFFFF  }
0xd9: {  	s7 =	rddreg [dreg:$0x11]  }
0xda: {  	[hbm:s7], [sflag:s10] =	dma.local [spmem:s17], $0x2800  }
0xdb: {  	_ =	swait.ge [sflag:s22], $0x2800  }
0xdc: {  	s16 =	sadd.s32 $0x1, s16;
	s19 =	rddreg [dreg:$0x12]  }
0xdd: {  	p0 =	sne.s32 s16, s19  }
.Ltmp3:
0xde: {  	_ = 	snop;
	(pc) =	sbr.rel @p0 .LBB2_1-.Ltmp3, $3  }
0xdf: {  	_ =	sdelay $0x1  }
0xe0: {  	[sflag:s22] =	ssyncset.done $0x0  }
0xe1: {  	[sflag:s22] =	ssyncadd.s32 $0xFFFFD800  }
0xe2: {  	_ =	sfence.sel $0x180000  }
0xe3: {  	[bflag:$0x0] =	sbarrier.arrive $0xFFFF  }
0xe4: {  	_ =	strace $0x90000047  }
0xe5: {  	s0 =	stileid.u32;
	[bflag:$0x2] =	sbarrier.arrive $0xFFFF  }
0xe6: {  	p0 =	sne.s32 s0, $0x0;
	s0 =	rddreg [dreg:$0x4]  }
0xe7: {  	s0 =	sadd.s32 @!p0 $0x100000, s0  }
0xe8: {  	[sflag:s0] =	ssyncadd.tile.s32 @!p0 $0x1;
	_ =	shalt  }
.Lfunc_end2:
_tile_overlayer_lowered:
.L_overlay_start_2:
0xe9: {  	(tag) =	ssettag $0x2  }
0xea: {  	s0 =	rddreg [dreg:$0x0];
	s2 =	stileid.u32  }
0xeb: {  	s1 =	rddreg [dreg:$0x1];
	p0 =	sne.s32 s2, $0x0  }
0xec: {  	s3 =	rddreg [dreg:$0x2];
	[bflag:$0x3] =	sbarrier.arrive $0xFFFF;
	s2 =	simm.s32 @!p0 $0x1C07  }
0xed: {  	[timem:s3], [sflag:s2] =	dma.local @!p0 [hbm:s0], s1  }
0xee: {  	s0 =	simm.s32 @!p0 $0x7  }
0xef: {  	_ =	swait.ge @!p0 [sflag:s0], s1  }
0xf0: {  	s1 =	ssub.s32 @!p0 $0x0, s1;
	[sflag:s0] =	ssyncset.done @!p0 $0x0  }
0xf1: {  	[sflag:s0] =	ssyncadd.s32 @!p0 s1  }
0xf2: {  	[bflag:$0x3] =	sbarrier.arrive $0xFFFF  }
0xf3: {  	_ =	shalt  }

// kernel: kernel.9.cloned.1.call-start
scs
__scs_entry_jumppad:
0x0: {  	(pc) =	sbr.rel $0x88, $3  }
0x1: {  	(tag) =	ssettag $0x0;
	lr =	simm.s32 $0x1  }
0x2: {  	[smem:$0x3F99] =	sst lr;
	_ =	strace $0xD0000000  }
0x3: {  	_ = 	snop  }
0x4: {  	_ = 	snop  }
0x5: {  	_ = 	snop  }
0x6: {  	_ = 	snop  }
0x7: {  	_ = 	snop  }
__scs_overlays_trampoline_lowered:
0x8: {  	[smem:$0x3FA8] =	sst s0  }
0x9: {  	[smem:$0x3FA9] =	sst s1  }
0xa: {  	[smem:$0x3FAA] =	sst s2  }
0xb: {  	[smem:$0x3FAB] =	sst s3  }
0xc: {  	[smem:$0x3FAC] =	sst s4  }
0xd: {  	[smem:$0x3FAD] =	sst s5  }
0xe: {  	[smem:$0x3FAE] =	sst s6  }
0xf: {  	[smem:$0x3FAF] =	sst s7  }
0x10: {  	[smem:$0x3FB0] =	sst s8  }
0x11: {  	[smem:$0x3FB1] =	sst s9;
	s0 =	simm.s32 @!p0 $0x0  }
0x12: {  	s1 =	sld [smem:$0x3F97];
	s0 =	simm.s32 @p0 $0x1  }
0x13: {  	[smem:$0x3FB2] =	sst s0;
	s0 =	simm.s32 @!p1 $0x0  }
0x14: {  	s2 =	sld [smem:$0x3F96];
	s0 =	simm.s32 @p1 $0x1  }
0x15: {  	[smem:$0x3FB3] =	sst s0;
	s0 =	simm.s32 @!p2 $0x0  }
0x16: {  	s3 =	sld [smem:$0x3FDB];
	s0 =	simm.s32 @p2 $0x1  }
0x17: {  	s4 =	simm.s32 $0x1BF5;
	[smem:$0x3FB5] =	sst s0  }
0x18: {  	s0 =	sld [smem:$0x3F98];
	_ =	swait.ge [sflag:s4], $0x0  }
0x19: {  	s7 =	sld [smem:$0x3F99]  }
0x1a: {  	s8 =	sadd.s32 $0xFFFFE003, lr  }
0x1b: {  	s9 =	sadd.s32 $0xFFFFFEF7, lr;
	s5 =	simm.s32 $0xFFFFFFFF;
	p2 =	slt.u32 s8, $0xFFFFF086  }
0x1c: {  	p1 =	slt.u32 s9, $0xF7A;
	s5 =	simm.s32 @!p2 $0x0  }
0x1d: {  	s5 =	simm.s32 @p1 $0x1;
	p0 =	seq.s32 s7, s2  }
0x1e: {  	s7 =	smul.u32 @!p0 $0xF7A, s2;
	p2 =	seq.s32 @!p0 s5, $0x0  }
0x1f: {  	s9 =	smul.u32 $0xF7A, s1;
	s8 =	simm.s32 @!p0 $0x1BF5;
	p2 =	por !p2, p0  }
0x20: {  	[sflag:s8] =	ssyncset.s32 @!p0 $0xFFFFF086;
	s6 =	sadd.s32 @!p0 s3, s7;
	s7 =	simm.s32 @!p0 $0x108  }
0x21: {  	s3 =	sadd.s32 s3, s9;
	s6 =	sadd.s32 @!p0 $0x88, s6;
	s7 =	simm.s32 @p2 $0x1082  }
0x22: {  	[simem:s7], [sflag:s8] =	dma.local @!p0 [hbm:s6], $0xF7A  }
0x23: {  	s9 =	sor.u32 $0xD0000000, s2;
	s6 =	simm.s32 $0x108;
	_ =	swait.ge @!p0 [sflag:s8], $0x0  }
0x24: {  	s3 =	sadd.s32 $0x88, s3;
	s6 =	simm.s32 @!p1 $0x1082;
	[sflag:s4] =	ssyncset.s32 $0xFFFFF086  }
0x25: {  	[simem:s6], [sflag:s4] =	dma.local [hbm:s3], $0xF7A  }
0x26: {  	[smem:$0x3F99] =	sst s1;
	(tag) =	ssettag s2;
	_ =	strace s9  }
0x27: {  	s1 =	sld [smem:$0x3FA9]  }
0x28: {  	s2 =	sld [smem:$0x3FAA]  }
0x29: {  	s4 =	sld [smem:$0x3FAC]  }
0x2a: {  	p0 =	seq.s32 s5, $0x0;
	s5 =	sld [smem:$0x3FAD]  }
0x2b: {  	s6 =	sld [smem:$0x3FAE]  }
0x2c: {  	s7 =	sld [smem:$0x3FAF]  }
0x2d: {  	s3 =	simm.s32 $0x108;
	s8 =	sld [smem:$0x3FB0]  }
0x2e: {  	s3 =	simm.s32 @!p0 $0x1082;
	s9 =	sld [smem:$0x3FB1]  }
0x2f: {  	lr =	sadd.s32 s0, s3;
	s0 =	sld [smem:$0x3FA8]  }
0x30: {  	s3 =	sld [smem:$0x3FAB]  }
0x31: {  	[smem:$0x3FB4] =	sst s10  }
0x32: {  	s10 =	sld [smem:$0x3FB2];
	_ =	sdelay $0x3  }
0x33: {  	p0 =	seq.s32 s10, $0x1;
	s10 =	sld [smem:$0x3FB4];
	_ =	sdelay $0x3  }
0x34: {  	[smem:$0x3FB4] =	sst s10  }
0x35: {  	s10 =	sld [smem:$0x3FB3];
	_ =	sdelay $0x3  }
0x36: {  	p1 =	seq.s32 s10, $0x1;
	s10 =	sld [smem:$0x3FB4];
	_ =	sdelay $0x3  }
0x37: {  	[smem:$0x3FB4] =	sst s10  }
0x38: {  	s10 =	sld [smem:$0x3FB5]  }
0x39: {  	_ = 	snop;
	(pc) =	sbr.ind lr, $3  }
0x3a: {  	_ = 	snop  }
0x3b: {  	_ = 	snop  }
0x3c: {  	p2 =	seq.s32 s10, $0x1;
	s10 =	sld [smem:$0x3FB4]  }
0x3d: {  	_ =	shalt  }
0x3e: {  	_ =	shalt  }
0x3f: {  	_ =	shalt  }
0x40: {  	_ =	shalt  }
0x41: {  	_ =	shalt  }
0x42: {  	_ =	shalt  }
0x43: {  	_ =	shalt  }
0x44: {  	_ =	shalt  }
0x45: {  	_ =	shalt  }
0x46: {  	_ =	shalt  }
0x47: {  	_ =	shalt  }
0x48: {  	_ =	shalt  }
0x49: {  	_ =	shalt  }
0x4a: {  	_ =	shalt  }
0x4b: {  	_ =	shalt  }
0x4c: {  	_ =	shalt  }
0x4d: {  	_ =	shalt  }
0x4e: {  	_ =	shalt  }
0x4f: {  	_ =	shalt  }
0x50: {  	_ =	shalt  }
0x51: {  	_ =	shalt  }
0x52: {  	_ =	shalt  }
0x53: {  	_ =	shalt  }
0x54: {  	_ =	shalt  }
0x55: {  	_ =	shalt  }
0x56: {  	_ =	shalt  }
0x57: {  	_ =	shalt  }
0x58: {  	_ =	shalt  }
0x59: {  	_ =	shalt  }
0x5a: {  	_ =	shalt  }
0x5b: {  	_ =	shalt  }
0x5c: {  	_ =	shalt  }
0x5d: {  	_ =	shalt  }
0x5e: {  	_ =	shalt  }
0x5f: {  	_ =	shalt  }
0x60: {  	_ =	shalt  }
0x61: {  	_ =	shalt  }
0x62: {  	_ =	shalt  }
0x63: {  	_ =	shalt  }
0x64: {  	_ =	shalt  }
0x65: {  	_ =	shalt  }
0x66: {  	_ =	shalt  }
0x67: {  	_ =	shalt  }
0x68: {  	_ =	shalt  }
0x69: {  	_ =	shalt  }
0x6a: {  	_ =	shalt  }
0x6b: {  	_ =	shalt  }
0x6c: {  	_ =	shalt  }
0x6d: {  	_ =	shalt  }
0x6e: {  	_ =	shalt  }
0x6f: {  	_ =	shalt  }
0x70: {  	_ =	shalt  }
0x71: {  	_ =	shalt  }
0x72: {  	_ =	shalt  }
0x73: {  	_ =	shalt  }
0x74: {  	_ =	shalt  }
0x75: {  	_ =	shalt  }
0x76: {  	_ =	shalt  }
0x77: {  	_ =	shalt  }
0x78: {  	_ =	shalt  }
0x79: {  	_ =	shalt  }
0x7a: {  	_ =	shalt  }
0x7b: {  	_ =	shalt  }
0x7c: {  	_ =	shalt  }
0x7d: {  	_ =	shalt  }
0x7e: {  	_ =	shalt  }
0x7f: {  	_ =	shalt  }
0x80: {  	_ =	shalt  }
0x81: {  	_ =	shalt  }
0x82: {  	_ =	shalt  }
0x83: {  	_ =	shalt  }
0x84: {  	_ =	shalt  }
0x85: {  	_ =	shalt  }
0x86: {  	_ =	shalt  }
0x87: {  	_ =	shalt  }
.Lfunc_end0:
.L_simem_size_0:
called_computation.1_lowered:
.L_overlay_start_0:
0x88: {  	s2 =	sld [smem:$0x3FD9]  }
0x89: {  	s3 =	sld [smem:$0x3FFE];
	_ =	sdelay $0x1  }
0x8a: {  	s1 =	srdreg.scid  }
0x8b: {  	s0 =	sand.u32 $0x1, s1  }
0x8c: {  	s17 =	sshll.u32 s0, $0xA;
	s2 =	sadd.s32 s3, s2  }
0x8d: {  	s2 =	sadd.s32 s2, s17  }
0x8e: {  	[smem:$0x3FC0] =	sst s2  }
0x8f: {  	_ = 	snop  }
0x90: {  	s2 =	sld [smem:$0x3FD0];
	(tm) =	ssettm $0x1  }
0x91: {  	s18 =	sld [smem:$0x3FFB];
	_ =	sdelay $0x3  }
0x92: {  	_ =	strace s18  }
0x93: {  	s3 =	sld [smem:$0x3FFC];
	_ =	sdelay $0x3  }
0x94: {  	_ =	strace s3  }
0x95: {  	s3 =	sld [smem:$0x3FFD];
	_ =	sdelay $0x3  }
0x96: {  	_ =	strace s3  }
0x97: {  	_ =	strace $0x8FFFFFFF  }
0x98: {  	s19 =	sld [smem:$0x3FDB];
	_ =	sdelay $0x1  }
0x99: {  	s4 =	simm.s32 $_scs_section_size  }
0x9a: {  	s5 =	simm.s32 $_size__tile_overlayer_lowered;
	s6 =	simm.s32 $_tile_overlayer_lowered  }
0x9b: {  	s22 =	simm.s32 $0x1BFF;
	s21 =	sshll.u32 s6, $0x1;
	s3 =	sadd.s32 s4, s19  }
0x9c: {  	s7 =	simm.s32 $0x0;
	s20 =	sshll.u32 s5, $0x1;
	s5 =	sadd.s32 s21, s3  }
0x9d: {  	[timem:s7], [sflag:s22] =	dma.local [hbm:s5], s20  }
0x9e: {  	_ =	swait.ge [sflag:s22], s20  }
0x9f: {  	s4 =	ssub.s32 $0x0, s20;
	[sflag:s22] =	ssyncset.done $0x0  }
0xa0: {  	[sflag:s22] =	ssyncadd.s32 s4;
	_ =	sdelay $0x1  }
0xa1: {  	s23 =	simm.s32 $0x1B8B  }
0xa2: {  	_ =	swait.ge [sflag:s23], $0x1  }
0xa3: {  	[sflag:s23] =	ssyncset.done $0x0  }
0xa4: {  	s25 =	simm.s32 $0x1B8E;
	s24 =	sld [smem:$0x3FFE];
	[sflag:s23] =	ssyncadd.s32 $0xFFFFFFFF  }
0xa5: {  	s26 =	simm.s32 $execute0_lowered;
	[smem:$0x3FD2] =	sst s25  }
0xa6: {  	s5 =	sshll.u32 s26, $0x1;
	_ =	strace $0x80000049;
	[dreg:$0x1] =	wrdreg $0xFFFFFFFF  }
0xa7: {  	s28 =	simm.s32 $_size_execute0_lowered;
	s3 =	sadd.s32 s3, s5;
	[dreg:$0x0] =	wrdreg $0x0  }
0xa8: {  	s5 =	sshll.u32 s28, $0x1;
	[dreg:$0x2] =	wrdreg s3  }
0xa9: {  	[dreg:$0x3] =	wrdreg s5  }
0xaa: {  	[dreg:$0x4] =	wrdreg $0xC0  }
0xab: {  	_ =	task [dreg:s7], $0x5FFFF  }
0xac: {  	[dreg:$0x1] =	wrdreg $0xFFFFFFFF  }
0xad: {  	[dreg:$0x0] =	wrdreg $0x60  }
0xae: {  	[dreg:$0x2] =	wrdreg s2  }
0xaf: {  	[dreg:$0x3] =	wrdreg s24  }
0xb0: {  	[dreg:$0x4] =	wrdreg $0x0  }
0xb1: {  	[dreg:$0x5] =	wrdreg $0x9  }
0xb2: {  	_ =	task.clear_ibuf [dreg:s7], $0x6FFFF;
	_ =	strace $0x90000049  }
0xb3: {  	s29 =	simm.s32 $0x9;
	_ =	strace $0x8000004B  }
0xb4: {  	_ =	swait.ge [sflag:s29], $0x1  }
0xb5: {  	[sflag:s29] =	ssyncadd.s32 $0xFFFFFFFF  }
0xb6: {  	_ =	strace $0x9000004B  }
0xb7: {  	_ =	sfence  }
0xb8: {  	s30 =	sld [smem:$0x0];
	_ =	sdelay $0x2  }
0xb9: {  	s31 =	sshll.u32 s1, $0xD;
	s1 =	sshrl.u32 s1, $0x2  }
0xba: {  	s3 =	sand.u32 $0x4000, s31;
	s1 =	sadd.s32 s1, s30  }
0xbb: {  	s0 =	sor.u32 s3, s0;
	s1 =	sshll.u32 s1, $0x11  }
0xbc: {  	s0 =	sor.u32 s1, s0  }
0xbd: {  	s0 =	sadd.s32 $0x8F2B, s0  }
0xbe: {  	[sflag:s0] =	ssyncadd.remote.s32 $0x1  }
0xbf: {  	_ =	sfence.sel $0xFFFF  }
0xc0: {  	[dreg:$0x0] =	wrdreg $0xFFFFFFFF;
	(pc) =	sbr.abs _section_cstart, $3  }
0xc1: {  	[dreg:$0x1] =	wrdreg $0xFFFFFFFF  }
0xc2: {  	_ =	task.clear_ibuf [dreg:s7], $0x2FFFF;
	_ =	strace $0x9FFFFFFF  }
0xc3: {  	(tm) =	ssettm $0x7FFFFFFF  }
tec
execute0_lowered:
.L_overlay_start_1:
0x0: {  	(tag) =	ssettag $0x1  }
0x1: {  	s2 =	rddreg [dreg:$0x0]  }
0x2: {  	s0 =	rddreg [dreg:$0x1]  }
0x3: {  	s3 =	rddreg [dreg:$0x2];
	s12 =	stileid.u32  }
0x4: {  	s1 =	srdreg.scid;
	s4 =	simm.s32 $0x0;
	s28 =	simm.s32 $0x14180  }
0x5: {  	s29 =	simm.s32 $0x14380;
	s30 =	simm.s32 $0x3;
	s5 =	smul.u32 $0x14000, s12  }
0x6: {  	s31 =	simm.s32 $0x7D;
	s1 =	sand.u32 $0x1, s1;
	s11 =	smul.u32 $0x50000, s12  }
0x7: {  	[smem:$0x7FF] =	sst s4;
	s8 =	sadd.s32 $0x2000, s0;
	s21 =	smul.u32 $0xA00, s12  }
0x8: {  	s10 =	sshll.u32 s12, $0x1;
	s24 =	sshll.u32 s12, $0x6;
	s6 =	smul.u32 $0x140000, s1  }
0x9: {  	_ =	strace $0x8000004A;
	s9 =	ssub.s32 $0x2, s1;
	s10 =	sor.u32 s1, s10  }
0xa: {  	s13 =	sor.u32 $0x1C07, s24;
	s7 =	sshrl.u32 s5, $0x3;
	s22 =	sshrl.u32 s9, $0x1  }
0xb: {  	s23 =	sshrl.u32 s11, $0x2;
	s10 =	smul.u32 $0x500, s10;
	[dreg:$0x6] =	wrdreg s13  }
0xc: {  	s5 =	sadd.s32 s5, s6;
	s6 =	sadd.s32 $0xC000, s0;
	s7 =	sadd.s32 s7, s0  }
0xd: {  	s5 =	sshrl.u32 s5, $0x3;
	s7 =	sadd.s32 $0x16000, s7;
	s25 =	sadd.s32 s8, s10  }
0xe: {  	s26 =	sor.u32 $0x10, s10;
	s11 =	sadd.s32 s6, s10;
	s15 =	sor.u32 $0x20, s10  }
0xf: {  	s18 =	sor.u32 $0x30, s10;
	s10 =	simm.s32 $0x6;
	[dreg:$0x5] =	wrdreg s7  }
0x10: {  	s0 =	sadd.s32 s5, s0;
	s5 =	ssub.s32 s9, s22;
	[dreg:$0x7] =	wrdreg s25  }
0x11: {  	s9 =	sadd.s32 s23, s3;
	[dreg:$0x8] =	wrdreg s11;
	s14 =	sadd.s32 s8, s26  }
0x12: {  	s16 =	sadd.s32 s6, s26;
	s17 =	sadd.s32 s8, s15;
	[dreg:$0x4] =	wrdreg s9  }
0x13: {  	s19 =	sadd.s32 s6, s15;
	s20 =	sadd.s32 s8, s18;
	[dreg:$0x9] =	wrdreg s14  }
0x14: {  	s22 =	sadd.s32 s6, s18;
	s23 =	smul.u32 $0x500, s1;
	[dreg:$0xa] =	wrdreg s16  }
0x15: {  	s25 =	sadd.s32 s21, s8;
	s26 =	sadd.s32 s21, s6;
	[dreg:$0xb] =	wrdreg s17  }
0x16: {  	s21 =	simm.s32 $0x14000;
	s1 =	simm.s32 $0x4;
	[dreg:$0xc] =	wrdreg s19  }
0x17: {  	s6 =	simm.s32 $0x1;
	s8 =	simm.s32 $0x5;
	[dreg:$0xd] =	wrdreg s20  }
0x18: {  	s11 =	simm.s32 $0x0;
	[dreg:$0xe] =	wrdreg s22;
	s0 =	sadd.s32 $0x3E000, s0  }
.Ltmp0:
0x19: {  	s24 =	smax.u32 s5, $0x1;
	s20 =	simm.s32 $0x7;
	(pc) =	sbr.rel .LBB2_1-.Ltmp0, $4  }
0x1a: {  	s22 =	simm.s32 $0x14200;
	s5 =	simm.s32 $0x18400;
	[dreg:$0xf] =	wrdreg s0  }
0x1b: {  	s9 =	simm.s32 $0x2;
	[dreg:$0x10] =	wrdreg s24;
	s18 =	sadd.s32 s23, s25  }
0x1c: {  	s19 =	sadd.s32 s23, s26;
	s23 =	simm.s32 $0x14080;
	s24 =	simm.s32 $0x14280  }
0x1d: {  	s25 =	simm.s32 $0x14100;
	s26 =	simm.s32 $0x14300;
	s0 =	simm.s32 $0x14400  }
.LBB2_4:
0x1e: {  	_ =	swait.ge [sflag:s9], $0x3E80  }
0x1f: {  	[sflag:s9] =	ssyncset.done $0x0  }
0x20: {  	[sflag:s9] =	ssyncadd.s32 $0xFFFFC180  }
0x21: {  	[spmem:s3] =	stream.indirect.scatter.add.f32 [tilespmem:s5], [sflag:$0x7], $0x80, s29, s31, $0xb8;
	[tilespmem:$0x1C400] =	vst v63  }
0x22: {  	_ =	swait.ge [sflag:s20], $0x3E80  }
0x23: {  	[sflag:s20] =	ssyncset.done $0x0  }
0x24: {  	[sflag:s20] =	ssyncadd.s32 $0xFFFFC180  }
0x25: {  	[bflag:$0x0] =	sbarrier.arrive $0xFFFF  }
0x26: {  	s13 =	rddreg [dreg:$0x6]  }
0x27: {  	s7 =	rddreg [dreg:$0xf]  }
0x28: {  	[hbm:s7], [sflag:s13] =	dma.local [spmem:s12], $0x2800  }
0x29: {  	_ =	swait.ge [sflag:s20], $0x2800  }
0x2a: {  	s11 =	sadd.s32 $0x1, s11;
	s17 =	rddreg [dreg:$0x10]  }
0x2b: {  	p0 =	sne.s32 s11, s17  }
.Ltmp1:
0x2c: {  	_ = 	snop;
	(pc) =	sbr.rel @!p0 .LBB2_5-.Ltmp1, $3  }
0x2d: {  	_ =	sdelay $0x1  }
0x2e: {  	[sflag:s20] =	ssyncset.done $0x0  }
0x2f: {  	[sflag:s20] =	ssyncadd.s32 $0xFFFFD800  }
.LBB2_1:
0x30: {  	s7 =	rddreg [dreg:$0x4]  }
0x31: {  	s14 =	rddreg [dreg:$0x5];
	s12 =	sshrl.u32 s7, $0x3  }
0x32: {  	[spmem:s12], [sflag:s13] =	dma.local [hbm:s14], $0x2800  }
0x33: {  	_ =	swait.ge [sflag:s20], $0x2800  }
0x34: {  	[sflag:s20] =	ssyncset.done $0x0  }
0x35: {  	[sflag:s20] =	ssyncadd.s32 $0xFFFFD800  }
0x36: {  	[bflag:$0x0] =	sbarrier.arrive $0xFFFF  }
0x37: {  	s15 =	rddreg [dreg:$0x7]  }
0x38: {  	[tilespmem:s21], [sflag:$0x3] =	stream.linear.gather [hbm4b:s15+s4], $0x80, $0x38;
	[tilespmem:$0x1C400] =	vst v63  }
0x39: {  	s16 =	rddreg [dreg:$0x8]  }
0x3a: {  	[tilespmem:s22], [sflag:$0x3] =	stream.linear.gather [hbm4b:s16+s4], $0x80, $0x38;
	[tilespmem:$0x1C400] =	vst v63  }
0x3b: {  	s17 =	rddreg [dreg:$0x9]  }
0x3c: {  	[tilespmem:s23], [sflag:$0x4] =	stream.linear.gather [hbm4b:s17+s4], $0x80, $0x38;
	[tilespmem:$0x1C400] =	vst v63  }
0x3d: {  	s13 =	rddreg [dreg:$0xa]  }
0x3e: {  	[tilespmem:s24], [sflag:$0x4] =	stream.linear.gather [hbm4b:s13+s4], $0x80, $0x38;
	[tilespmem:$0x1C400] =	vst v63  }
0x3f: {  	s14 =	rddreg [dreg:$0xb]  }
0x40: {  	[tilespmem:s25], [sflag:$0x5] =	stream.linear.gather [hbm4b:s14+s4], $0x80, $0x38;
	[tilespmem:$0x1C400] =	vst v63  }
0x41: {  	s15 =	rddreg [dreg:$0xc]  }
0x42: {  	[tilespmem:s26], [sflag:$0x5] =	stream.linear.gather [hbm4b:s15+s4], $0x80, $0x38;
	[tilespmem:$0x1C400] =	vst v63  }
0x43: {  	s16 =	rddreg [dreg:$0xd]  }
0x44: {  	[tilespmem:s28], [sflag:$0x6] =	stream.linear.gather [hbm4b:s16+s4], $0x80, $0x38;
	[tilespmem:$0x1C400] =	vst v63  }
0x45: {  	s17 =	rddreg [dreg:$0xe]  }
0x46: {  	[tilespmem:s29], [sflag:$0x6] =	stream.linear.gather [hbm4b:s17+s4], $0x80, $0x38;
	[tilespmem:$0x1C400] =	vst v63  }
0x47: {  	_ =	swait.ge [sflag:s30], $0x80  }
0x48: {  	[sflag:s30] =	ssyncset.done $0x0  }
0x49: {  	[sflag:s30] =	ssyncadd.s32 $0xFFFFFF80  }
0x4a: {  	_ =	swait.ge [sflag:s30], $0x80  }
0x4b: {  	[sflag:s30] =	ssyncset.done $0x0  }
0x4c: {  	[sflag:s30] =	ssyncadd.s32 $0xFFFFFF80  }
0x4d: {  	[tilespmem:s0], [sflag:$0x1] =	stream.indirect.gather [hbm4b:s2+s31], $0x80, s21, s31, $0xb8;
	[tilespmem:$0x1C400] =	vst v63  }
0x4e: {  	_ =	swait.ge [sflag:s1], $0x80  }
0x4f: {  	[sflag:s1] =	ssyncset.done $0x0  }
0x50: {  	[sflag:s1] =	ssyncadd.s32 $0xFFFFFF80  }
0x51: {  	_ =	swait.ge [sflag:s1], $0x80  }
0x52: {  	[sflag:s1] =	ssyncset.done $0x0  }
0x53: {  	s13 =	simm.s32 $0x0;
	[sflag:s1] =	ssyncadd.s32 $0xFFFFFF80  }
0x54: {  	[tilespmem:s5], [sflag:$0x2] =	stream.indirect.gather [hbm4b:s2+s31], $0x80, s23, s31, $0xb8;
	[tilespmem:$0x1C400] =	vst v63  }
.LBB2_2:
0x55: {  	_ =	swait.ge [sflag:s6], $0x3E80  }
0x56: {  	[sflag:s6] =	ssyncset.done $0x0  }
0x57: {  	[sflag:s6] =	ssyncadd.s32 $0xFFFFC180  }
0x58: {  	[spmem:s3] =	stream.indirect.scatter.add.f32 [tilespmem:s0], [sflag:$0x7], $0x80, s22, s31, $0xb8;
	[tilespmem:$0x1C400] =	vst v63  }
0x59: {  	p0 =	seq.s32 s13, $0x4C0;
	_ =	swait.ge [sflag:s20], $0x3E80  }
0x5a: {  	s14 =	sadd.s32 @!p0 s13, s18;
	s16 =	simm.s32 @!p0 $0x0;
	[sflag:s20] =	ssyncset.done $0x0  }
0x5b: {  	s17 =	simm.s32 @!p0 $0x14000;
	s15 =	sadd.s32 @!p0 $0x40, s14;
	[sflag:s20] =	ssyncadd.s32 $0xFFFFC180  }
0x5c: {  	[tilespmem:s17], [sflag:$0x3] =	stream.linear.gather @!p0 [hbm4b:s15+s16], $0x80, $0x38;
	[tilespmem:$0x1C400] =	vst v63  }
0x5d: {  	s15 =	sadd.s32 @!p0 s13, s19  }
0x5e: {  	s7 =	simm.s32 @!p0 $0x14200;
	s17 =	sadd.s32 @!p0 $0x40, s15  }
0x5f: {  	[tilespmem:s7], [sflag:$0x3] =	stream.linear.gather @!p0 [hbm4b:s17+s16], $0x80, $0x38;
	[tilespmem:$0x1C400] =	vst v63  }
0x60: {  	_ =	swait.ge [sflag:s8], $0x80  }
0x61: {  	[sflag:s8] =	ssyncset.done $0x0  }
0x62: {  	[sflag:s8] =	ssyncadd.s32 $0xFFFFFF80  }
0x63: {  	_ =	swait.ge [sflag:s8], $0x80  }
0x64: {  	[sflag:s8] =	ssyncset.done $0x0  }
0x65: {  	[sflag:s8] =	ssyncadd.s32 $0xFFFFFF80  }
0x66: {  	[tilespmem:s0], [sflag:$0x1] =	stream.indirect.gather [hbm4b:s2+s31], $0x80, s25, s31, $0xb8;
	[tilespmem:$0x1C400] =	vst v63  }
0x67: {  	_ =	swait.ge [sflag:s9], $0x3E80  }
0x68: {  	[sflag:s9] =	ssyncset.done $0x0  }
0x69: {  	[sflag:s9] =	ssyncadd.s32 $0xFFFFC180  }
0x6a: {  	[spmem:s3] =	stream.indirect.scatter.add.f32 [tilespmem:s5], [sflag:$0x7], $0x80, s24, s31, $0xb8;
	[tilespmem:$0x1C400] =	vst v63  }
0x6b: {  	_ =	swait.ge [sflag:s20], $0x3E80  }
0x6c: {  	[sflag:s20] =	ssyncset.done $0x0  }
0x6d: {  	s7 =	sadd.s32 @!p0 $0x50, s14;
	s14 =	simm.s32 @!p0 $0x14080;
	[sflag:s20] =	ssyncadd.s32 $0xFFFFC180  }
0x6e: {  	[tilespmem:s14], [sflag:$0x4] =	stream.linear.gather @!p0 [hbm4b:s7+s16], $0x80, $0x38;
	[tilespmem:$0x1C400] =	vst v63  }
0x6f: {  	s7 =	sadd.s32 @!p0 $0x50, s15;
	s14 =	simm.s32 @!p0 $0x14280  }
0x70: {  	[tilespmem:s14], [sflag:$0x4] =	stream.linear.gather @!p0 [hbm4b:s7+s16], $0x80, $0x38;
	[tilespmem:$0x1C400] =	vst v63  }
0x71: {  	_ =	swait.ge [sflag:s10], $0x80  }
0x72: {  	[sflag:s10] =	ssyncset.done $0x0  }
0x73: {  	[sflag:s10] =	ssyncadd.s32 $0xFFFFFF80  }
0x74: {  	_ =	swait.ge [sflag:s10], $0x80  }
0x75: {  	[sflag:s10] =	ssyncset.done $0x0  }
0x76: {  	[sflag:s10] =	ssyncadd.s32 $0xFFFFFF80  }
0x77: {  	[tilespmem:s5], [sflag:$0x2] =	stream.indirect.gather [hbm4b:s2+s31], $0x80, s28, s31, $0xb8;
	[tilespmem:$0x1C400] =	vst v63  }
0x78: {  	_ =	swait.ge [sflag:s6], $0x3E80  }
0x79: {  	[sflag:s6] =	ssyncset.done $0x0  }
.Ltmp2:
0x7a: {  	[sflag:s6] =	ssyncadd.s32 $0xFFFFC180;
	(pc) =	sbr.rel @p0 .LBB2_4-.Ltmp2, $4  }
0x7b: {  	[spmem:s3] =	stream.indirect.scatter.add.f32 [tilespmem:s0], [sflag:$0x7], $0x80, s26, s31, $0xb8;
	[tilespmem:$0x1C400] =	vst v63  }
0x7c: {  	_ =	swait.ge [sflag:s20], $0x3E80  }
0x7d: {  	[sflag:s20] =	ssyncset.done $0x0  }
0x7e: {  	[sflag:s20] =	ssyncadd.s32 $0xFFFFC180  }
0x7f: {  	s7 =	sadd.s32 s13, s18  }
0x80: {  	s16 =	sadd.s32 s13, s19;
	s14 =	sadd.s32 $0x60, s7  }
0x81: {  	[tilespmem:s25], [sflag:$0x5] =	stream.linear.gather [hbm4b:s14+s4], $0x80, $0x38;
	[tilespmem:$0x1C400] =	vst v63  }
0x82: {  	s15 =	sadd.s32 $0x60, s16  }
0x83: {  	[tilespmem:s26], [sflag:$0x5] =	stream.linear.gather [hbm4b:s15+s4], $0x80, $0x38;
	[tilespmem:$0x1C400] =	vst v63  }
0x84: {  	_ =	swait.ge [sflag:s30], $0x80  }
0x85: {  	[sflag:s30] =	ssyncset.done $0x0  }
0x86: {  	[sflag:s30] =	ssyncadd.s32 $0xFFFFFF80  }
0x87: {  	_ =	swait.ge [sflag:s30], $0x80  }
0x88: {  	[sflag:s30] =	ssyncset.done $0x0  }
0x89: {  	[sflag:s30] =	ssyncadd.s32 $0xFFFFFF80  }
0x8a: {  	[tilespmem:s0], [sflag:$0x1] =	stream.indirect.gather [hbm4b:s2+s31], $0x80, s21, s31, $0xb8;
	[tilespmem:$0x1C400] =	vst v63  }
0x8b: {  	_ =	swait.ge [sflag:s9], $0x3E80  }
0x8c: {  	[sflag:s9] =	ssyncset.done $0x0  }
0x8d: {  	[sflag:s9] =	ssyncadd.s32 $0xFFFFC180  }
0x8e: {  	[spmem:s3] =	stream.indirect.scatter.add.f32 [tilespmem:s5], [sflag:$0x7], $0x80, s29, s31, $0xb8;
	[tilespmem:$0x1C400] =	vst v63  }
0x8f: {  	_ =	swait.ge [sflag:s20], $0x3E80  }
0x90: {  	[sflag:s20] =	ssyncset.done $0x0  }
0x91: {  	s7 =	sadd.s32 $0x70, s7;
	[sflag:s20] =	ssyncadd.s32 $0xFFFFC180  }
0x92: {  	[tilespmem:s28], [sflag:$0x6] =	stream.linear.gather [hbm4b:s7+s4], $0x80, $0x38;
	[tilespmem:$0x1C400] =	vst v63  }
0x93: {  	s17 =	sadd.s32 $0x70, s16  }
0x94: {  	[tilespmem:s29], [sflag:$0x6] =	stream.linear.gather [hbm4b:s17+s4], $0x80, $0x38;
	[tilespmem:$0x1C400] =	vst v63  }
0x95: {  	_ =	swait.ge [sflag:s1], $0x80  }
0x96: {  	[sflag:s1] =	ssyncset.done $0x0  }
.Ltmp3:
0x97: {  	[sflag:s1] =	ssyncadd.s32 $0xFFFFFF80;
	(pc) =	sbr.rel .LBB2_2-.Ltmp3, $4  }
0x98: {  	_ =	swait.ge [sflag:s1], $0x80  }
0x99: {  	[sflag:s1] =	ssyncset.done $0x0  }
0x9a: {  	s13 =	sadd.s32 $0x40, s13;
	[sflag:s1] =	ssyncadd.s32 $0xFFFFFF80  }
0x9b: {  	[tilespmem:s5], [sflag:$0x2] =	stream.indirect.gather [hbm4b:s2+s31], $0x80, s23, s31, $0xb8;
	[tilespmem:$0x1C400] =	vst v63  }
.LBB2_5:
0x9c: {  	_ =	sfence.sel $0x180000  }
0x9d: {  	[bflag:$0x0] =	sbarrier.arrive $0xFFFF  }
0x9e: {  	_ =	strace $0x9000004A  }
0x9f: {  	s0 =	stileid.u32;
	[bflag:$0x2] =	sbarrier.arrive $0xFFFF  }
0xa0: {  	p0 =	sne.s32 s0, $0x0;
	s0 =	rddreg [dreg:$0x3]  }
0xa1: {  	s0 =	sadd.s32 @!p0 $0x100000, s0  }
0xa2: {  	[sflag:s0] =	ssyncadd.tile.s32 @!p0 $0x1;
	_ =	shalt  }
.Lfunc_end2:
_tile_overlayer_lowered:
.L_overlay_start_2:
0xa3: {  	(tag) =	ssettag $0x2  }
0xa4: {  	s0 =	rddreg [dreg:$0x0];
	s2 =	stileid.u32  }
0xa5: {  	s1 =	rddreg [dreg:$0x1];
	p0 =	sne.s32 s2, $0x0  }
0xa6: {  	s3 =	rddreg [dreg:$0x2];
	[bflag:$0x3] =	sbarrier.arrive $0xFFFF;
	s2 =	simm.s32 @!p0 $0x1C07  }
0xa7: {  	[timem:s3], [sflag:s2] =	dma.local @!p0 [hbm:s0], s1  }
0xa8: {  	s0 =	simm.s32 @!p0 $0x7  }
0xa9: {  	_ =	swait.ge @!p0 [sflag:s0], s1  }
0xaa: {  	s1 =	ssub.s32 @!p0 $0x0, s1;
	[sflag:s0] =	ssyncset.done @!p0 $0x0  }
0xab: {  	[sflag:s0] =	ssyncadd.s32 @!p0 s1  }
0xac: {  	[bflag:$0x3] =	sbarrier.arrive $0xFFFF  }
0xad: {  	_ =	shalt  }

</sc_bundles>
